<compile_context>
chip_gen: v7x
topology: tpu7x:2x2x1
jax: 0.10.2.dev20260603
libtpu: 0.0.44.dev20260713+nightly
codegen_flags: <defaults>
</compile_context>

<pallas_src>
import functools

import jax
import jax.numpy as jnp
from jax import lax
from jax.experimental import pallas as pl
from jax.experimental.pallas import tpu as pltpu
from jax.experimental.pallas import tpu_sc as plsc

NUM_CORES = 2
NUM_SUBCORES = 16
LANES = 16
NW = NUM_CORES * NUM_SUBCORES
R = 5

NEG_INF = float("-inf")
POS_INF = float("inf")

B_SC = 128
RB_TC = 128


def _make_sc_kernel(B, L, n_rows):
    rows_per = n_rows // NW
    mesh = plsc.VectorSubcoreMesh(
        core_axis_name="c", subcore_axis_name="s",
        num_cores=NUM_CORES, num_subcores=NUM_SUBCORES)

    @functools.partial(
        pl.kernel,
        out_type=jax.ShapeDtypeStruct((n_rows * 2 * R,), jnp.float32),
        mesh=mesh,
        compiler_params=pltpu.CompilerParams(needs_layout_passes=False),
        scratch_types=[
            pltpu.VMEM((rows_per, L), jnp.float32),
            pltpu.VMEM((rows_per * 2 * R + LANES,), jnp.float32),
            pltpu.VMEM((B,), jnp.int32),
        ],
    )
    def k(x_hbm, len_hbm, out_hbm, xbuf, obuf, lenbuf):
        wid = lax.axis_index("s") * NUM_CORES + lax.axis_index("c")
        base = wid * rows_per
        pltpu.sync_copy(len_hbm, lenbuf)
        pltpu.sync_copy(x_hbm.at[pl.ds(base, rows_per)], xbuf)

        iota = lax.iota(jnp.int32, LANES)
        minf = jnp.full((LANES,), NEG_INF, jnp.float32)
        pinf = jnp.full((LANES,), POS_INF, jnp.float32)

        def do_row(r):
            g = base + r
            lv = lenbuf[pl.ds((g // LANES) * LANES, LANES)]
            lf = jnp.where(iota == g % LANES, lv.astype(jnp.float32), 0.0)
            l = jnp.max(lf, axis=0).astype(jnp.int32)
            out_vec = pinf
            for i in range(R):
                s = (i * l) // R
                e = ((i + 1) * l + (R - 1)) // R
                vfirst = s // LANES
                vlast = (e - 1) // LANES
                xf = xbuf[r, pl.ds(vfirst * LANES, LANES)]
                idxf = vfirst * LANES + iota
                mf = (idxf >= s) & (idxf < e)
                xl = xbuf[r, pl.ds(vlast * LANES, LANES)]
                idxl = vlast * LANES + iota
                ml = (idxl >= s) & (idxl < e)
                acc = (jnp.where(mf, xf, minf), jnp.where(ml, xl, minf),
                       minf, minf,
                       jnp.where(mf, xf, pinf), jnp.where(ml, xl, pinf),
                       pinf, pinf)
                lo = vfirst + 1
                hi = vlast
                num = jnp.maximum(hi - lo, 0)
                trips = (num + 3) // 4

                @plsc.parallel_loop(0, trips, unroll=2, carry=acc)
                def mloop(t, c):
                    a0, a1, a2, a3, b0, b1, b2, b3 = c
                    v0 = lo + t * 4
                    v1 = jnp.minimum(v0 + 1, hi - 1)
                    v2 = jnp.minimum(v0 + 2, hi - 1)
                    v3 = jnp.minimum(v0 + 3, hi - 1)
                    x0 = xbuf[r, pl.ds(v0 * LANES, LANES)]
                    x1 = xbuf[r, pl.ds(v1 * LANES, LANES)]
                    x2 = xbuf[r, pl.ds(v2 * LANES, LANES)]
                    x3 = xbuf[r, pl.ds(v3 * LANES, LANES)]
                    return (jnp.maximum(a0, x0), jnp.maximum(a1, x1),
                            jnp.maximum(a2, x2), jnp.maximum(a3, x3),
                            jnp.minimum(b0, x0), jnp.minimum(b1, x1),
                            jnp.minimum(b2, x2), jnp.minimum(b3, x3))

                a0, a1, a2, a3, b0, b1, b2, b3 = mloop
                amax = jnp.maximum(jnp.maximum(a0, a1), jnp.maximum(a2, a3))
                amin = jnp.minimum(jnp.minimum(b0, b1), jnp.minimum(b2, b3))
                mx = jnp.max(amax, axis=0)
                mn = jnp.min(amin, axis=0)
                out_vec = jnp.where(iota == i, mx, out_vec)
                out_vec = jnp.where(iota == R + i, mn, out_vec)
            obuf[pl.ds(r * 2 * R, LANES)] = lax.sort(out_vec)

        def row_body(r, _):
            do_row(r)
            return 0

        lax.fori_loop(0, rows_per, row_body, 0)
        pltpu.sync_copy(obuf.at[pl.ds(0, rows_per * 2 * R)],
                        out_hbm.at[pl.ds(base * 2 * R, rows_per * 2 * R)])

    return k


def _bitonic_pairs(n):
    ops = []
    k = 2
    while k <= n:
        j = k // 2
        while j >= 1:
            for i in range(n):
                m = i ^ j
                if m > i:
                    ops.append((i, m, (i & k) == 0))
            j //= 2
        k *= 2
    return ops


def _tc_body(x_ref, len_ref, out_ref):
    x = x_ref[...]
    l = len_ref[...].astype(jnp.int32)
    rb, L = x.shape
    j = lax.broadcasted_iota(jnp.int32, (rb, L), 1)
    cols = []
    mins = []
    for i in range(R):
        s = (i * l) // R
        e = ((i + 1) * l + (R - 1)) // R
        m = (j >= s) & (j < e)
        cols.append(jnp.max(jnp.where(m, x, NEG_INF), axis=1, keepdims=True))
        mins.append(jnp.min(jnp.where(m, x, POS_INF), axis=1, keepdims=True))
    cols.extend(mins)
    cols.extend([jnp.full((rb, 1), POS_INF, jnp.float32)] * 6)
    for a, b, asc in _bitonic_pairs(16):
        lo = jnp.minimum(cols[a], cols[b])
        hi = jnp.maximum(cols[a], cols[b])
        cols[a], cols[b] = (lo, hi) if asc else (hi, lo)
    out_ref[...] = jnp.concatenate(cols[: 2 * R], axis=1)


def _make_tc_kernel(n_rows, L, row0):
    grid = (n_rows // RB_TC,)
    g0 = row0 // RB_TC
    return pl.pallas_call(
        _tc_body,
        grid=grid,
        in_specs=[
            pl.BlockSpec((RB_TC, L), lambda g: (g + g0, 0)),
            pl.BlockSpec((RB_TC, 1), lambda g: (g + g0, 0)),
        ],
        out_specs=pl.BlockSpec((RB_TC, 2 * R), lambda g: (g, 0)),
        out_shape=jax.ShapeDtypeStruct((n_rows, 2 * R), jnp.float32),
    )


@jax.jit
def kernel(inputs, lengths):
    B, L = inputs.shape
    lengths = lengths.astype(jnp.int32)
    sc_flat = _make_sc_kernel(B, L, B_SC)(inputs, lengths)
    tc_out = _make_tc_kernel(B - B_SC, L, B_SC)(
        inputs, lengths[:, None].astype(jnp.float32))
    return jnp.concatenate([sc_flat.reshape(B_SC, 2 * R), tc_out], axis=0)

# --- scband reference (transcript-rebuilt; emitter-appended) ---
"""Pipeline reference for scband-min-max-layer-29755533427373 (READ-ONLY COPY).

The authoritative reference and input builder live on the scoring server;
editing this copy changes nothing except your own understanding.
"""

import jax, jax.numpy as jnp
import numpy as np

R = 5
B = 1024
L = 2048


def _adaptive_max_pool1d(x, lengths, r):
    # Faithful to torch.nn.AdaptiveMaxPool1d applied per-row on the first
    # `lengths[b]` elements: window for output i is
    #   [floor(i*l/r), ceil((i+1)*l/r))  (integer arithmetic, matches torch)
    _, Lx = x.shape
    i = jnp.arange(r)
    l = lengths[:, None].astype(jnp.int32)
    start = (i[None, :] * l) // r                    # [B, R]
    end = ((i[None, :] + 1) * l + r - 1) // r        # [B, R] = ceil
    j = jnp.arange(Lx)
    mask = (j[None, None, :] >= start[:, :, None]) & (j[None, None, :] < end[:, :, None])
    vals = jnp.where(mask, x[:, None, :], -jnp.inf)
    return jnp.max(vals, axis=-1)                    # [B, R]


def setup_inputs(seed: int = 0) -> dict:
    key = jax.random.key(seed)
    k1, k2 = jax.random.split(key)
    inputs = jax.random.normal(k1, (B, L), dtype=jnp.float32)
    lengths = jax.random.randint(k2, (B,), 0, L, dtype=jnp.int32)
    # torch would error on zero-length rows (empty pooling window); clamp to >=1
    lengths = jnp.maximum(lengths, 1)
    return {"inputs": inputs, "lengths": lengths}


def reference(inputs, lengths):
    top = _adaptive_max_pool1d(inputs, lengths, R)        # R max values per row
    neg = -_adaptive_max_pool1d(-inputs, lengths, R)      # R min values per row
    out = jnp.concatenate([top, neg], axis=1)             # [B, 2R]
    return jnp.sort(out, axis=1)                          # sorted ascending, like .sort().values

if __name__ == "__main__":
    import jax
    _d = setup_inputs()
    print(jax.jit(kernel)(*tuple(_d.values())))

</pallas_src>

<mosaic_0001>
#map = affine_map<(d0, d1) -> (0, 0)>
#map1 = affine_map<(d0, d1) -> (0)>
module attributes {stable_mosaic.version = 14 : i64} {
  func.func @k(%arg0: i32, %arg1: i32, %arg2: memref<1024x2048xf32, #tpu.memory_space<hbm>>, %arg3: memref<1024xi32, #tpu.memory_space<hbm>>, %arg4: memref<1280xf32, #tpu.memory_space<hbm>>, %arg5: memref<4x2048xf32, #tpu.memory_space<vmem>>, %arg6: memref<56xf32, #tpu.memory_space<vmem>>, %arg7: memref<1024xi32, #tpu.memory_space<vmem>>) attributes {dimension_semantics = [#tpu.dimension_semantics<core_parallel>, #tpu.dimension_semantics<subcore_parallel>], iteration_bounds = array<i64: 2, 16>, scalar_prefetch = 0 : i64, scratch_operands = 3 : i64, tpu.core_type = #tpu.core_type<sc_vector_subcore>, window_params = [{transform_indices = #map}, {transform_indices = #map1}, {transform_indices = #map1}]} {
    %mul3A = arith.constant 2 : i32
    %mul3A_0 = arith.muli %arg1, %mul3A : i32
    %add3A = arith.addi %mul3A_0, %arg0 : i32
    %mul3A_1 = arith.constant 4 : i32
    %mul3A_2 = arith.muli %add3A, %mul3A_1 : i32
    "tpu.region"() ({
      %run_scoped3A = tpu.sem_alloc : memref<!tpu.dma_semaphore, #tpu.memory_space<semaphore_mem>>
      tpu.enqueue_dma source(%arg3 : memref<1024xi32, #tpu.memory_space<hbm>>) target(%arg7 : memref<1024xi32, #tpu.memory_space<vmem>>) target_semaphore(%run_scoped3A : memref<!tpu.dma_semaphore, #tpu.memory_space<semaphore_mem>>)
      tpu.wait_dma2 semaphore(%run_scoped3A : memref<!tpu.dma_semaphore, #tpu.memory_space<semaphore_mem>>) src(%arg3 : memref<1024xi32, #tpu.memory_space<hbm>>) dst(%arg7 : memref<1024xi32, #tpu.memory_space<vmem>>)
      tpu.yield
    }) : () -> ()
    "tpu.region"() ({
      %run_scoped3A = tpu.sem_alloc : memref<!tpu.dma_semaphore, #tpu.memory_space<semaphore_mem>>
      %dma_start3A = arith.constant 0 : i32
      %dma_start3A_16 = tpu.memref_slice %arg2[%mul3A_2, %dma_start3A] : memref<1024x2048xf32, #tpu.memory_space<hbm>> -> memref<4x2048xf32, #tpu.memory_space<hbm>>
      %dma_start3A_17 = arith.constant 0 : i32
      %dma_start3A_18 = tpu.memref_slice %arg2[%mul3A_2, %dma_start3A_17] : memref<1024x2048xf32, #tpu.memory_space<hbm>> -> memref<4x2048xf32, #tpu.memory_space<hbm>>
      tpu.enqueue_dma source(%dma_start3A_18 : memref<4x2048xf32, #tpu.memory_space<hbm>>) target(%arg5 : memref<4x2048xf32, #tpu.memory_space<vmem>>) target_semaphore(%run_scoped3A : memref<!tpu.dma_semaphore, #tpu.memory_space<semaphore_mem>>)
      %dma_wait3A = arith.constant 0 : i32
      %dma_wait3A_19 = tpu.memref_slice %arg2[%mul3A_2, %dma_wait3A] : memref<1024x2048xf32, #tpu.memory_space<hbm>> -> memref<4x2048xf32, #tpu.memory_space<hbm>>
      %dma_wait3A_20 = arith.constant 0 : i32
      %dma_wait3A_21 = tpu.memref_slice %arg2[%mul3A_2, %dma_wait3A_20] : memref<1024x2048xf32, #tpu.memory_space<hbm>> -> memref<4x2048xf32, #tpu.memory_space<hbm>>
      tpu.wait_dma2 semaphore(%run_scoped3A : memref<!tpu.dma_semaphore, #tpu.memory_space<semaphore_mem>>) src(%dma_wait3A_21 : memref<4x2048xf32, #tpu.memory_space<hbm>>) dst(%arg5 : memref<4x2048xf32, #tpu.memory_space<vmem>>)
      tpu.yield
    }) : () -> ()
    %iota3A = tpu.iota {dimensions = array<i32: 0>} : vector<16xi32>
    %broadcast_in_dim3A = arith.constant 0xFF800000 : f32
    %broadcast_in_dim3A_3 = vector.broadcast %broadcast_in_dim3A : f32 to vector<16xf32>
    %broadcast_in_dim3A_4 = arith.constant 0x7F800000 : f32
    %broadcast_in_dim3A_5 = vector.broadcast %broadcast_in_dim3A_4 : f32 to vector<16xf32>
    %scan3A = arith.constant 0 : i32
    %scan3A_6 = arith.constant 0 : i32
    %scan3A_7 = arith.constant 4 : i32
    %scan3A_8 = arith.addi %scan3A_6, %scan3A_7 : i32
    %scan3A_9 = arith.constant 1 : i32
    %scan3A_10 = scf.for %scan3A_16 = %scan3A_6 to %scan3A_8 step %scan3A_9 iter_args(%scan3A_17 = %scan3A) -> (i32)  : i32 {
      %add3A_18 = arith.addi %mul3A_2, %scan3A_16 : i32
      %jit3A = arith.constant 16 : i32
      %div3A = arith.divsi %add3A_18, %jit3A : i32
      %sign3A = arith.constant 0 : i32
      %sign3A_19 = arith.cmpi sgt, %add3A_18, %sign3A : i32
      %sign3A_20 = arith.extui %sign3A_19 : i1 to i32
      %sign3A_21 = arith.constant 0 : i32
      %sign3A_22 = arith.cmpi slt, %add3A_18, %sign3A_21 : i32
      %sign3A_23 = arith.extui %sign3A_22 : i1 to i32
      %sign3A_24 = arith.subi %sign3A_20, %sign3A_23 : i32
      %sign3A_25 = arith.constant 0 : i32
      %sign3A_26 = arith.cmpi sgt, %jit3A, %sign3A_25 : i32
      %sign3A_27 = arith.extui %sign3A_26 : i1 to i32
      %sign3A_28 = arith.constant 0 : i32
      %sign3A_29 = arith.cmpi slt, %jit3A, %sign3A_28 : i32
      %sign3A_30 = arith.extui %sign3A_29 : i1 to i32
      %sign3A_31 = arith.subi %sign3A_27, %sign3A_30 : i32
      %ne3A = arith.cmpi ne, %sign3A_24, %sign3A_31 : i32
      %rem3A = arith.remsi %add3A_18, %jit3A : i32
      %ne3A_32 = arith.constant 0 : i32
      %ne3A_33 = arith.cmpi ne, %rem3A, %ne3A_32 : i32
      %and3A = arith.andi %ne3A, %ne3A_33 : i1
      %sub3A = arith.constant 1 : i32
      %sub3A_34 = arith.subi %div3A, %sub3A : i32
      %select_n3A = arith.select %and3A, %sub3A_34, %div3A : i32
      %mul3A_35 = arith.constant 16 : i32
      %mul3A_36 = arith.muli %select_n3A, %mul3A_35 : i32
      %get3A = arith.index_cast %mul3A_36 : i32 to index
      %get3A_37 = tpu.vector_load %arg7[%get3A] {strides = array<i32>} : memref<1024xi32, #tpu.memory_space<vmem>>, vector<16xi32>,
      %jit3A_38 = arith.constant 16 : i32
      %eq3A = arith.constant 0 : i32
      %eq3A_39 = arith.cmpi eq, %jit3A_38, %eq3A : i32
      %jit3A_40 = arith.constant 1 : i32
      %select_n3A_41 = arith.select %eq3A_39, %jit3A_40, %jit3A_38 : i32
      %rem3A_42 = arith.remsi %add3A_18, %select_n3A_41 : i32
      %ne3A_43 = arith.constant 0 : i32
      %ne3A_44 = arith.cmpi ne, %rem3A_42, %ne3A_43 : i32
      %lt3A = arith.constant 0 : i32
      %lt3A_45 = arith.cmpi slt, %rem3A_42, %lt3A : i32
      %lt3A_46 = arith.constant 0 : i32
      %lt3A_47 = arith.cmpi slt, %select_n3A_41, %lt3A_46 : i32
      %ne3A_48 = arith.xori %lt3A_45, %lt3A_47 : i1
      %and3A_49 = arith.andi %ne3A_48, %ne3A_44 : i1
      %add3A_50 = arith.addi %rem3A_42, %select_n3A_41 : i32
      %select_n3A_51 = arith.select %and3A_49, %add3A_50, %rem3A_42 : i32
      %eq3A_52 = vector.broadcast %select_n3A_51 : i32 to vector<16xi32>
      %eq3A_53 = arith.cmpi eq, %iota3A, %eq3A_52 : vector<16xi32>
      %convert_element_type3A = arith.sitofp %get3A_37 : vector<16xi32> to vector<16xf32>
      %jit3A_54 = arith.constant 0.000000e+00 : f32
      %broadcast_in_dim3A_55 = vector.broadcast %jit3A_54 : f32 to vector<16xf32>
      %select_n3A_56 = arith.select %eq3A_53, %convert_element_type3A, %broadcast_in_dim3A_55 : vector<16xi1>, vector<16xf32>
      %reduce_max3A = arith.constant true
      %reduce_max3A_57 = vector.broadcast %reduce_max3A : i1 to vector<16xi1>
      %reduce_max3A_58 = tpu.scan <max>, %select_n3A_56 masked %reduce_max3A_57 : vector<16xf32>, vector<16xi1> -> vector<16xf32>
      %reduce_max3A_59 = vector.extract %reduce_max3A_58[15] : f32 from vector<16xf32>
      %convert_element_type3A_60 = arith.fptosi %reduce_max3A_59 : f32 to i32
      %mul3A_61 = arith.constant 0 : i32
      %mul3A_62 = arith.muli %mul3A_61, %convert_element_type3A_60 : i32
      %jit3A_63 = arith.constant 5 : i32
      %div3A_64 = arith.divsi %mul3A_62, %jit3A_63 : i32
      %sign3A_65 = arith.constant 0 : i32
      %sign3A_66 = arith.cmpi sgt, %mul3A_62, %sign3A_65 : i32
      %sign3A_67 = arith.extui %sign3A_66 : i1 to i32
      %sign3A_68 = arith.constant 0 : i32
      %sign3A_69 = arith.cmpi slt, %mul3A_62, %sign3A_68 : i32
      %sign3A_70 = arith.extui %sign3A_69 : i1 to i32
      %sign3A_71 = arith.subi %sign3A_67, %sign3A_70 : i32
      %sign3A_72 = arith.constant 0 : i32
      %sign3A_73 = arith.cmpi sgt, %jit3A_63, %sign3A_72 : i32
      %sign3A_74 = arith.extui %sign3A_73 : i1 to i32
      %sign3A_75 = arith.constant 0 : i32
      %sign3A_76 = arith.cmpi slt, %jit3A_63, %sign3A_75 : i32
      %sign3A_77 = arith.extui %sign3A_76 : i1 to i32
      %sign3A_78 = arith.subi %sign3A_74, %sign3A_77 : i32
      %ne3A_79 = arith.cmpi ne, %sign3A_71, %sign3A_78 : i32
      %rem3A_80 = arith.remsi %mul3A_62, %jit3A_63 : i32
      %ne3A_81 = arith.constant 0 : i32
      %ne3A_82 = arith.cmpi ne, %rem3A_80, %ne3A_81 : i32
      %and3A_83 = arith.andi %ne3A_79, %ne3A_82 : i1
      %sub3A_84 = arith.constant 1 : i32
      %sub3A_85 = arith.subi %div3A_64, %sub3A_84 : i32
      %select_n3A_86 = arith.select %and3A_83, %sub3A_85, %div3A_64 : i32
      %mul3A_87 = arith.constant 1 : i32
      %mul3A_88 = arith.muli %mul3A_87, %convert_element_type3A_60 : i32
      %add3A_89 = arith.constant 4 : i32
      %add3A_90 = arith.addi %mul3A_88, %add3A_89 : i32
      %jit3A_91 = arith.constant 5 : i32
      %div3A_92 = arith.divsi %add3A_90, %jit3A_91 : i32
      %sign3A_93 = arith.constant 0 : i32
      %sign3A_94 = arith.cmpi sgt, %add3A_90, %sign3A_93 : i32
      %sign3A_95 = arith.extui %sign3A_94 : i1 to i32
      %sign3A_96 = arith.constant 0 : i32
      %sign3A_97 = arith.cmpi slt, %add3A_90, %sign3A_96 : i32
      %sign3A_98 = arith.extui %sign3A_97 : i1 to i32
      %sign3A_99 = arith.subi %sign3A_95, %sign3A_98 : i32
      %sign3A_100 = arith.constant 0 : i32
      %sign3A_101 = arith.cmpi sgt, %jit3A_91, %sign3A_100 : i32
      %sign3A_102 = arith.extui %sign3A_101 : i1 to i32
      %sign3A_103 = arith.constant 0 : i32
      %sign3A_104 = arith.cmpi slt, %jit3A_91, %sign3A_103 : i32
      %sign3A_105 = arith.extui %sign3A_104 : i1 to i32
      %sign3A_106 = arith.subi %sign3A_102, %sign3A_105 : i32
      %ne3A_107 = arith.cmpi ne, %sign3A_99, %sign3A_106 : i32
      %rem3A_108 = arith.remsi %add3A_90, %jit3A_91 : i32
      %ne3A_109 = arith.constant 0 : i32
      %ne3A_110 = arith.cmpi ne, %rem3A_108, %ne3A_109 : i32
      %and3A_111 = arith.andi %ne3A_107, %ne3A_110 : i1
      %sub3A_112 = arith.constant 1 : i32
      %sub3A_113 = arith.subi %div3A_92, %sub3A_112 : i32
      %select_n3A_114 = arith.select %and3A_111, %sub3A_113, %div3A_92 : i32
      %jit3A_115 = arith.constant 16 : i32
      %div3A_116 = arith.divsi %select_n3A_86, %jit3A_115 : i32
      %sign3A_117 = arith.constant 0 : i32
      %sign3A_118 = arith.cmpi sgt, %select_n3A_86, %sign3A_117 : i32
      %sign3A_119 = arith.extui %sign3A_118 : i1 to i32
      %sign3A_120 = arith.constant 0 : i32
      %sign3A_121 = arith.cmpi slt, %select_n3A_86, %sign3A_120 : i32
      %sign3A_122 = arith.extui %sign3A_121 : i1 to i32
      %sign3A_123 = arith.subi %sign3A_119, %sign3A_122 : i32
      %sign3A_124 = arith.constant 0 : i32
      %sign3A_125 = arith.cmpi sgt, %jit3A_115, %sign3A_124 : i32
      %sign3A_126 = arith.extui %sign3A_125 : i1 to i32
      %sign3A_127 = arith.constant 0 : i32
      %sign3A_128 = arith.cmpi slt, %jit3A_115, %sign3A_127 : i32
      %sign3A_129 = arith.extui %sign3A_128 : i1 to i32
      %sign3A_130 = arith.subi %sign3A_126, %sign3A_129 : i32
      %ne3A_131 = arith.cmpi ne, %sign3A_123, %sign3A_130 : i32
      %rem3A_132 = arith.remsi %select_n3A_86, %jit3A_115 : i32
      %ne3A_133 = arith.constant 0 : i32
      %ne3A_134 = arith.cmpi ne, %rem3A_132, %ne3A_133 : i32
      %and3A_135 = arith.andi %ne3A_131, %ne3A_134 : i1
      %sub3A_136 = arith.constant 1 : i32
      %sub3A_137 = arith.subi %div3A_116, %sub3A_136 : i32
      %select_n3A_138 = arith.select %and3A_135, %sub3A_137, %div3A_116 : i32
      %sub3A_139 = arith.constant 1 : i32
      %sub3A_140 = arith.subi %select_n3A_114, %sub3A_139 : i32
      %jit3A_141 = arith.constant 16 : i32
      %div3A_142 = arith.divsi %sub3A_140, %jit3A_141 : i32
      %sign3A_143 = arith.constant 0 : i32
      %sign3A_144 = arith.cmpi sgt, %sub3A_140, %sign3A_143 : i32
      %sign3A_145 = arith.extui %sign3A_144 : i1 to i32
      %sign3A_146 = arith.constant 0 : i32
      %sign3A_147 = arith.cmpi slt, %sub3A_140, %sign3A_146 : i32
      %sign3A_148 = arith.extui %sign3A_147 : i1 to i32
      %sign3A_149 = arith.subi %sign3A_145, %sign3A_148 : i32
      %sign3A_150 = arith.constant 0 : i32
      %sign3A_151 = arith.cmpi sgt, %jit3A_141, %sign3A_150 : i32
      %sign3A_152 = arith.extui %sign3A_151 : i1 to i32
      %sign3A_153 = arith.constant 0 : i32
      %sign3A_154 = arith.cmpi slt, %jit3A_141, %sign3A_153 : i32
      %sign3A_155 = arith.extui %sign3A_154 : i1 to i32
      %sign3A_156 = arith.subi %sign3A_152, %sign3A_155 : i32
      %ne3A_157 = arith.cmpi ne, %sign3A_149, %sign3A_156 : i32
      %rem3A_158 = arith.remsi %sub3A_140, %jit3A_141 : i32
      %ne3A_159 = arith.constant 0 : i32
      %ne3A_160 = arith.cmpi ne, %rem3A_158, %ne3A_159 : i32
      %and3A_161 = arith.andi %ne3A_157, %ne3A_160 : i1
      %sub3A_162 = arith.constant 1 : i32
      %sub3A_163 = arith.subi %div3A_142, %sub3A_162 : i32
      %select_n3A_164 = arith.select %and3A_161, %sub3A_163, %div3A_142 : i32
      %mul3A_165 = arith.constant 16 : i32
      %mul3A_166 = arith.muli %select_n3A_138, %mul3A_165 : i32
      %get3A_167 = arith.index_cast %scan3A_16 : i32 to index
      %get3A_168 = arith.index_cast %mul3A_166 : i32 to index
      %get3A_169 = tpu.vector_load %arg5[%get3A_167, %get3A_168] {strides = array<i32>} : memref<4x2048xf32, #tpu.memory_space<vmem>>, vector<16xf32>,
      %mul3A_170 = arith.constant 16 : i32
      %mul3A_171 = arith.muli %select_n3A_138, %mul3A_170 : i32
      %add3A_172 = vector.broadcast %mul3A_171 : i32 to vector<16xi32>
      %add3A_173 = arith.addi %add3A_172, %iota3A : vector<16xi32>
      %ge3A = vector.broadcast %select_n3A_86 : i32 to vector<16xi32>
      %ge3A_174 = arith.cmpi sge, %add3A_173, %ge3A : vector<16xi32>
      %lt3A_175 = vector.broadcast %select_n3A_114 : i32 to vector<16xi32>
      %lt3A_176 = arith.cmpi slt, %add3A_173, %lt3A_175 : vector<16xi32>
      %and3A_177 = arith.andi %ge3A_174, %lt3A_176 : vector<16xi1>
      %mul3A_178 = arith.constant 16 : i32
      %mul3A_179 = arith.muli %select_n3A_164, %mul3A_178 : i32
      %get3A_180 = arith.index_cast %scan3A_16 : i32 to index
      %get3A_181 = arith.index_cast %mul3A_179 : i32 to index
      %get3A_182 = tpu.vector_load %arg5[%get3A_180, %get3A_181] {strides = array<i32>} : memref<4x2048xf32, #tpu.memory_space<vmem>>, vector<16xf32>,
      %mul3A_183 = arith.constant 16 : i32
      %mul3A_184 = arith.muli %select_n3A_164, %mul3A_183 : i32
      %add3A_185 = vector.broadcast %mul3A_184 : i32 to vector<16xi32>
      %add3A_186 = arith.addi %add3A_185, %iota3A : vector<16xi32>
      %ge3A_187 = vector.broadcast %select_n3A_86 : i32 to vector<16xi32>
      %ge3A_188 = arith.cmpi sge, %add3A_186, %ge3A_187 : vector<16xi32>
      %lt3A_189 = vector.broadcast %select_n3A_114 : i32 to vector<16xi32>
      %lt3A_190 = arith.cmpi slt, %add3A_186, %lt3A_189 : vector<16xi32>
      %and3A_191 = arith.andi %ge3A_188, %lt3A_190 : vector<16xi1>
      %select_n3A_192 = arith.select %and3A_177, %get3A_169, %broadcast_in_dim3A_3 : vector<16xi1>, vector<16xf32>
      %select_n3A_193 = arith.select %and3A_191, %get3A_182, %broadcast_in_dim3A_3 : vector<16xi1>, vector<16xf32>
      %select_n3A_194 = arith.select %and3A_177, %get3A_169, %broadcast_in_dim3A_5 : vector<16xi1>, vector<16xf32>
      %select_n3A_195 = arith.select %and3A_191, %get3A_182, %broadcast_in_dim3A_5 : vector<16xi1>, vector<16xf32>
      %add3A_196 = arith.constant 1 : i32
      %add3A_197 = arith.addi %select_n3A_138, %add3A_196 : i32
      %sub3A_198 = arith.subi %select_n3A_164, %add3A_197 : i32
      %max3A = arith.constant 0 : i32
      %max3A_199 = arith.maxsi %sub3A_198, %max3A : i32
      %add3A_200 = arith.constant 3 : i32
      %add3A_201 = arith.addi %max3A_199, %add3A_200 : i32
      %jit3A_202 = arith.constant 4 : i32
      %div3A_203 = arith.divsi %add3A_201, %jit3A_202 : i32
      %sign3A_204 = arith.constant 0 : i32
      %sign3A_205 = arith.cmpi sgt, %add3A_201, %sign3A_204 : i32
      %sign3A_206 = arith.extui %sign3A_205 : i1 to i32
      %sign3A_207 = arith.constant 0 : i32
      %sign3A_208 = arith.cmpi slt, %add3A_201, %sign3A_207 : i32
      %sign3A_209 = arith.extui %sign3A_208 : i1 to i32
      %sign3A_210 = arith.subi %sign3A_206, %sign3A_209 : i32
      %sign3A_211 = arith.constant 0 : i32
      %sign3A_212 = arith.cmpi sgt, %jit3A_202, %sign3A_211 : i32
      %sign3A_213 = arith.extui %sign3A_212 : i1 to i32
      %sign3A_214 = arith.constant 0 : i32
      %sign3A_215 = arith.cmpi slt, %jit3A_202, %sign3A_214 : i32
      %sign3A_216 = arith.extui %sign3A_215 : i1 to i32
      %sign3A_217 = arith.subi %sign3A_213, %sign3A_216 : i32
      %ne3A_218 = arith.cmpi ne, %sign3A_210, %sign3A_217 : i32
      %rem3A_219 = arith.remsi %add3A_201, %jit3A_202 : i32
      %ne3A_220 = arith.constant 0 : i32
      %ne3A_221 = arith.cmpi ne, %rem3A_219, %ne3A_220 : i32
      %and3A_222 = arith.andi %ne3A_218, %ne3A_221 : i1
      %sub3A_223 = arith.constant 1 : i32
      %sub3A_224 = arith.subi %div3A_203, %sub3A_223 : i32
      %select_n3A_225 = arith.select %and3A_222, %sub3A_224, %div3A_203 : i32
      %parallel_loop3A = arith.constant 0 : i32
      %parallel_loop3A_226 = arith.constant 1 : i32
      %parallel_loop3A_227:8 = scf.for %parallel_loop3A_1035 = %parallel_loop3A to %select_n3A_225 step %parallel_loop3A_226 iter_args(%parallel_loop3A_1036 = %select_n3A_192, %parallel_loop3A_1037 = %select_n3A_193, %parallel_loop3A_1038 = %broadcast_in_dim3A_3, %parallel_loop3A_1039 = %broadcast_in_dim3A_3, %parallel_loop3A_1040 = %select_n3A_194, %parallel_loop3A_1041 = %select_n3A_195, %parallel_loop3A_1042 = %broadcast_in_dim3A_5, %parallel_loop3A_1043 = %broadcast_in_dim3A_5) -> (vector<16xf32>, vector<16xf32>, vector<16xf32>, vector<16xf32>, vector<16xf32>, vector<16xf32>, vector<16xf32>, vector<16xf32>)  : i32 {
        %parallel_loop3A_1044 = arith.constant 4 : i32
        %parallel_loop3A_1045 = arith.muli %parallel_loop3A_1035, %parallel_loop3A_1044 : i32
        %parallel_loop3A_1046 = arith.addi %add3A_197, %parallel_loop3A_1045 : i32
        %parallel_loop3A_1047 = arith.constant 1 : i32
        %parallel_loop3A_1048 = arith.addi %parallel_loop3A_1046, %parallel_loop3A_1047 : i32
        %parallel_loop3A_1049 = arith.constant 1 : i32
        %parallel_loop3A_1050 = arith.subi %select_n3A_164, %parallel_loop3A_1049 : i32
        %parallel_loop3A_1051 = arith.minsi %parallel_loop3A_1048, %parallel_loop3A_1050 : i32
        %parallel_loop3A_1052 = arith.constant 2 : i32
        %parallel_loop3A_1053 = arith.addi %parallel_loop3A_1046, %parallel_loop3A_1052 : i32
        %parallel_loop3A_1054 = arith.constant 1 : i32
        %parallel_loop3A_1055 = arith.subi %select_n3A_164, %parallel_loop3A_1054 : i32
        %parallel_loop3A_1056 = arith.minsi %parallel_loop3A_1053, %parallel_loop3A_1055 : i32
        %parallel_loop3A_1057 = arith.constant 3 : i32
        %parallel_loop3A_1058 = arith.addi %parallel_loop3A_1046, %parallel_loop3A_1057 : i32
        %parallel_loop3A_1059 = arith.constant 1 : i32
        %parallel_loop3A_1060 = arith.subi %select_n3A_164, %parallel_loop3A_1059 : i32
        %parallel_loop3A_1061 = arith.minsi %parallel_loop3A_1058, %parallel_loop3A_1060 : i32
        %parallel_loop3A_1062 = arith.constant 16 : i32
        %parallel_loop3A_1063 = arith.muli %parallel_loop3A_1046, %parallel_loop3A_1062 : i32
        %parallel_loop3A_1064 = arith.index_cast %scan3A_16 : i32 to index
        %parallel_loop3A_1065 = arith.index_cast %parallel_loop3A_1063 : i32 to index
        %parallel_loop3A_1066 = tpu.vector_load %arg5[%parallel_loop3A_1064, %parallel_loop3A_1065] {strides = array<i32>} : memref<4x2048xf32, #tpu.memory_space<vmem>>, vector<16xf32>,
        %parallel_loop3A_1067 = arith.constant 16 : i32
        %parallel_loop3A_1068 = arith.muli %parallel_loop3A_1051, %parallel_loop3A_1067 : i32
        %parallel_loop3A_1069 = arith.index_cast %scan3A_16 : i32 to index
        %parallel_loop3A_1070 = arith.index_cast %parallel_loop3A_1068 : i32 to index
        %parallel_loop3A_1071 = tpu.vector_load %arg5[%parallel_loop3A_1069, %parallel_loop3A_1070] {strides = array<i32>} : memref<4x2048xf32, #tpu.memory_space<vmem>>, vector<16xf32>,
        %parallel_loop3A_1072 = arith.constant 16 : i32
        %parallel_loop3A_1073 = arith.muli %parallel_loop3A_1056, %parallel_loop3A_1072 : i32
        %parallel_loop3A_1074 = arith.index_cast %scan3A_16 : i32 to index
        %parallel_loop3A_1075 = arith.index_cast %parallel_loop3A_1073 : i32 to index
        %parallel_loop3A_1076 = tpu.vector_load %arg5[%parallel_loop3A_1074, %parallel_loop3A_1075] {strides = array<i32>} : memref<4x2048xf32, #tpu.memory_space<vmem>>, vector<16xf32>,
        %parallel_loop3A_1077 = arith.constant 16 : i32
        %parallel_loop3A_1078 = arith.muli %parallel_loop3A_1061, %parallel_loop3A_1077 : i32
        %parallel_loop3A_1079 = arith.index_cast %scan3A_16 : i32 to index
        %parallel_loop3A_1080 = arith.index_cast %parallel_loop3A_1078 : i32 to index
        %parallel_loop3A_1081 = tpu.vector_load %arg5[%parallel_loop3A_1079, %parallel_loop3A_1080] {strides = array<i32>} : memref<4x2048xf32, #tpu.memory_space<vmem>>, vector<16xf32>,
        %parallel_loop3A_1082 = arith.maximumf %parallel_loop3A_1036, %parallel_loop3A_1066 : vector<16xf32>
        %parallel_loop3A_1083 = arith.maximumf %parallel_loop3A_1037, %parallel_loop3A_1071 : vector<16xf32>
        %parallel_loop3A_1084 = arith.maximumf %parallel_loop3A_1038, %parallel_loop3A_1076 : vector<16xf32>
        %parallel_loop3A_1085 = arith.maximumf %parallel_loop3A_1039, %parallel_loop3A_1081 : vector<16xf32>
        %parallel_loop3A_1086 = arith.minimumf %parallel_loop3A_1040, %parallel_loop3A_1066 : vector<16xf32>
        %parallel_loop3A_1087 = arith.minimumf %parallel_loop3A_1041, %parallel_loop3A_1071 : vector<16xf32>
        %parallel_loop3A_1088 = arith.minimumf %parallel_loop3A_1042, %parallel_loop3A_1076 : vector<16xf32>
        %parallel_loop3A_1089 = arith.minimumf %parallel_loop3A_1043, %parallel_loop3A_1081 : vector<16xf32>
        scf.yield %parallel_loop3A_1082, %parallel_loop3A_1083, %parallel_loop3A_1084, %parallel_loop3A_1085, %parallel_loop3A_1086, %parallel_loop3A_1087, %parallel_loop3A_1088, %parallel_loop3A_1089 : vector<16xf32>, vector<16xf32>, vector<16xf32>, vector<16xf32>, vector<16xf32>, vector<16xf32>, vector<16xf32>, vector<16xf32>
      } {sc.loop_unroll_factor = 2 : i64, sc.parallel_access}
      %max3A_228 = arith.maximumf %parallel_loop3A_227#0, %parallel_loop3A_227#1 : vector<16xf32>
      %max3A_229 = arith.maximumf %parallel_loop3A_227#2, %parallel_loop3A_227#3 : vector<16xf32>
      %max3A_230 = arith.maximumf %max3A_228, %max3A_229 : vector<16xf32>
      %min3A = arith.minimumf %parallel_loop3A_227#4, %parallel_loop3A_227#5 : vector<16xf32>
      %min3A_231 = arith.minimumf %parallel_loop3A_227#6, %parallel_loop3A_227#7 : vector<16xf32>
      %min3A_232 = arith.minimumf %min3A, %min3A_231 : vector<16xf32>
      %reduce_max3A_233 = arith.constant true
      %reduce_max3A_234 = vector.broadcast %reduce_max3A_233 : i1 to vector<16xi1>
      %reduce_max3A_235 = tpu.scan <max>, %max3A_230 masked %reduce_max3A_234 : vector<16xf32>, vector<16xi1> -> vector<16xf32>
      %reduce_max3A_236 = vector.extract %reduce_max3A_235[15] : f32 from vector<16xf32>
      %reduce_min3A = arith.constant true
      %reduce_min3A_237 = vector.broadcast %reduce_min3A : i1 to vector<16xi1>
      %reduce_min3A_238 = tpu.scan <min>, %min3A_232 masked %reduce_min3A_237 : vector<16xf32>, vector<16xi1> -> vector<16xf32>
      %reduce_min3A_239 = vector.extract %reduce_min3A_238[15] : f32 from vector<16xf32>
      %eq3A_240 = arith.constant 0 : i32
      %eq3A_241 = vector.broadcast %eq3A_240 : i32 to vector<16xi32>
      %eq3A_242 = arith.cmpi eq, %iota3A, %eq3A_241 : vector<16xi32>
      %broadcast_in_dim3A_243 = vector.broadcast %reduce_max3A_236 : f32 to vector<16xf32>
      %select_n3A_244 = arith.select %eq3A_242, %broadcast_in_dim3A_243, %broadcast_in_dim3A_5 : vector<16xi1>, vector<16xf32>
      %eq3A_245 = arith.constant 5 : i32
      %eq3A_246 = vector.broadcast %eq3A_245 : i32 to vector<16xi32>
      %eq3A_247 = arith.cmpi eq, %iota3A, %eq3A_246 : vector<16xi32>
      %broadcast_in_dim3A_248 = vector.broadcast %reduce_min3A_239 : f32 to vector<16xf32>
      %select_n3A_249 = arith.select %eq3A_247, %broadcast_in_dim3A_248, %select_n3A_244 : vector<16xi1>, vector<16xf32>
      %mul3A_250 = arith.constant 1 : i32
      %mul3A_251 = arith.muli %mul3A_250, %convert_element_type3A_60 : i32
      %jit3A_252 = arith.constant 5 : i32
      %div3A_253 = arith.divsi %mul3A_251, %jit3A_252 : i32
      %sign3A_254 = arith.constant 0 : i32
      %sign3A_255 = arith.cmpi sgt, %mul3A_251, %sign3A_254 : i32
      %sign3A_256 = arith.extui %sign3A_255 : i1 to i32
      %sign3A_257 = arith.constant 0 : i32
      %sign3A_258 = arith.cmpi slt, %mul3A_251, %sign3A_257 : i32
      %sign3A_259 = arith.extui %sign3A_258 : i1 to i32
      %sign3A_260 = arith.subi %sign3A_256, %sign3A_259 : i32
      %sign3A_261 = arith.constant 0 : i32
      %sign3A_262 = arith.cmpi sgt, %jit3A_252, %sign3A_261 : i32
      %sign3A_263 = arith.extui %sign3A_262 : i1 to i32
      %sign3A_264 = arith.constant 0 : i32
      %sign3A_265 = arith.cmpi slt, %jit3A_252, %sign3A_264 : i32
      %sign3A_266 = arith.extui %sign3A_265 : i1 to i32
      %sign3A_267 = arith.subi %sign3A_263, %sign3A_266 : i32
      %ne3A_268 = arith.cmpi ne, %sign3A_260, %sign3A_267 : i32
      %rem3A_269 = arith.remsi %mul3A_251, %jit3A_252 : i32
      %ne3A_270 = arith.constant 0 : i32
      %ne3A_271 = arith.cmpi ne, %rem3A_269, %ne3A_270 : i32
      %and3A_272 = arith.andi %ne3A_268, %ne3A_271 : i1
      %sub3A_273 = arith.constant 1 : i32
      %sub3A_274 = arith.subi %div3A_253, %sub3A_273 : i32
      %select_n3A_275 = arith.select %and3A_272, %sub3A_274, %div3A_253 : i32
      %mul3A_276 = arith.constant 2 : i32
      %mul3A_277 = arith.muli %mul3A_276, %convert_element_type3A_60 : i32
      %add3A_278 = arith.constant 4 : i32
      %add3A_279 = arith.addi %mul3A_277, %add3A_278 : i32
      %jit3A_280 = arith.constant 5 : i32
      %div3A_281 = arith.divsi %add3A_279, %jit3A_280 : i32
      %sign3A_282 = arith.constant 0 : i32
      %sign3A_283 = arith.cmpi sgt, %add3A_279, %sign3A_282 : i32
      %sign3A_284 = arith.extui %sign3A_283 : i1 to i32
      %sign3A_285 = arith.constant 0 : i32
      %sign3A_286 = arith.cmpi slt, %add3A_279, %sign3A_285 : i32
      %sign3A_287 = arith.extui %sign3A_286 : i1 to i32
      %sign3A_288 = arith.subi %sign3A_284, %sign3A_287 : i32
      %sign3A_289 = arith.constant 0 : i32
      %sign3A_290 = arith.cmpi sgt, %jit3A_280, %sign3A_289 : i32
      %sign3A_291 = arith.extui %sign3A_290 : i1 to i32
      %sign3A_292 = arith.constant 0 : i32
      %sign3A_293 = arith.cmpi slt, %jit3A_280, %sign3A_292 : i32
      %sign3A_294 = arith.extui %sign3A_293 : i1 to i32
      %sign3A_295 = arith.subi %sign3A_291, %sign3A_294 : i32
      %ne3A_296 = arith.cmpi ne, %sign3A_288, %sign3A_295 : i32
      %rem3A_297 = arith.remsi %add3A_279, %jit3A_280 : i32
      %ne3A_298 = arith.constant 0 : i32
      %ne3A_299 = arith.cmpi ne, %rem3A_297, %ne3A_298 : i32
      %and3A_300 = arith.andi %ne3A_296, %ne3A_299 : i1
      %sub3A_301 = arith.constant 1 : i32
      %sub3A_302 = arith.subi %div3A_281, %sub3A_301 : i32
      %select_n3A_303 = arith.select %and3A_300, %sub3A_302, %div3A_281 : i32
      %jit3A_304 = arith.constant 16 : i32
      %div3A_305 = arith.divsi %select_n3A_275, %jit3A_304 : i32
      %sign3A_306 = arith.constant 0 : i32
      %sign3A_307 = arith.cmpi sgt, %select_n3A_275, %sign3A_306 : i32
      %sign3A_308 = arith.extui %sign3A_307 : i1 to i32
      %sign3A_309 = arith.constant 0 : i32
      %sign3A_310 = arith.cmpi slt, %select_n3A_275, %sign3A_309 : i32
      %sign3A_311 = arith.extui %sign3A_310 : i1 to i32
      %sign3A_312 = arith.subi %sign3A_308, %sign3A_311 : i32
      %sign3A_313 = arith.constant 0 : i32
      %sign3A_314 = arith.cmpi sgt, %jit3A_304, %sign3A_313 : i32
      %sign3A_315 = arith.extui %sign3A_314 : i1 to i32
      %sign3A_316 = arith.constant 0 : i32
      %sign3A_317 = arith.cmpi slt, %jit3A_304, %sign3A_316 : i32
      %sign3A_318 = arith.extui %sign3A_317 : i1 to i32
      %sign3A_319 = arith.subi %sign3A_315, %sign3A_318 : i32
      %ne3A_320 = arith.cmpi ne, %sign3A_312, %sign3A_319 : i32
      %rem3A_321 = arith.remsi %select_n3A_275, %jit3A_304 : i32
      %ne3A_322 = arith.constant 0 : i32
      %ne3A_323 = arith.cmpi ne, %rem3A_321, %ne3A_322 : i32
      %and3A_324 = arith.andi %ne3A_320, %ne3A_323 : i1
      %sub3A_325 = arith.constant 1 : i32
      %sub3A_326 = arith.subi %div3A_305, %sub3A_325 : i32
      %select_n3A_327 = arith.select %and3A_324, %sub3A_326, %div3A_305 : i32
      %sub3A_328 = arith.constant 1 : i32
      %sub3A_329 = arith.subi %select_n3A_303, %sub3A_328 : i32
      %jit3A_330 = arith.constant 16 : i32
      %div3A_331 = arith.divsi %sub3A_329, %jit3A_330 : i32
      %sign3A_332 = arith.constant 0 : i32
      %sign3A_333 = arith.cmpi sgt, %sub3A_329, %sign3A_332 : i32
      %sign3A_334 = arith.extui %sign3A_333 : i1 to i32
      %sign3A_335 = arith.constant 0 : i32
      %sign3A_336 = arith.cmpi slt, %sub3A_329, %sign3A_335 : i32
      %sign3A_337 = arith.extui %sign3A_336 : i1 to i32
      %sign3A_338 = arith.subi %sign3A_334, %sign3A_337 : i32
      %sign3A_339 = arith.constant 0 : i32
      %sign3A_340 = arith.cmpi sgt, %jit3A_330, %sign3A_339 : i32
      %sign3A_341 = arith.extui %sign3A_340 : i1 to i32
      %sign3A_342 = arith.constant 0 : i32
      %sign3A_343 = arith.cmpi slt, %jit3A_330, %sign3A_342 : i32
      %sign3A_344 = arith.extui %sign3A_343 : i1 to i32
      %sign3A_345 = arith.subi %sign3A_341, %sign3A_344 : i32
      %ne3A_346 = arith.cmpi ne, %sign3A_338, %sign3A_345 : i32
      %rem3A_347 = arith.remsi %sub3A_329, %jit3A_330 : i32
      %ne3A_348 = arith.constant 0 : i32
      %ne3A_349 = arith.cmpi ne, %rem3A_347, %ne3A_348 : i32
      %and3A_350 = arith.andi %ne3A_346, %ne3A_349 : i1
      %sub3A_351 = arith.constant 1 : i32
      %sub3A_352 = arith.subi %div3A_331, %sub3A_351 : i32
      %select_n3A_353 = arith.select %and3A_350, %sub3A_352, %div3A_331 : i32
      %mul3A_354 = arith.constant 16 : i32
      %mul3A_355 = arith.muli %select_n3A_327, %mul3A_354 : i32
      %get3A_356 = arith.index_cast %scan3A_16 : i32 to index
      %get3A_357 = arith.index_cast %mul3A_355 : i32 to index
      %get3A_358 = tpu.vector_load %arg5[%get3A_356, %get3A_357] {strides = array<i32>} : memref<4x2048xf32, #tpu.memory_space<vmem>>, vector<16xf32>,
      %mul3A_359 = arith.constant 16 : i32
      %mul3A_360 = arith.muli %select_n3A_327, %mul3A_359 : i32
      %add3A_361 = vector.broadcast %mul3A_360 : i32 to vector<16xi32>
      %add3A_362 = arith.addi %add3A_361, %iota3A : vector<16xi32>
      %ge3A_363 = vector.broadcast %select_n3A_275 : i32 to vector<16xi32>
      %ge3A_364 = arith.cmpi sge, %add3A_362, %ge3A_363 : vector<16xi32>
      %lt3A_365 = vector.broadcast %select_n3A_303 : i32 to vector<16xi32>
      %lt3A_366 = arith.cmpi slt, %add3A_362, %lt3A_365 : vector<16xi32>
      %and3A_367 = arith.andi %ge3A_364, %lt3A_366 : vector<16xi1>
      %mul3A_368 = arith.constant 16 : i32
      %mul3A_369 = arith.muli %select_n3A_353, %mul3A_368 : i32
      %get3A_370 = arith.index_cast %scan3A_16 : i32 to index
      %get3A_371 = arith.index_cast %mul3A_369 : i32 to index
      %get3A_372 = tpu.vector_load %arg5[%get3A_370, %get3A_371] {strides = array<i32>} : memref<4x2048xf32, #tpu.memory_space<vmem>>, vector<16xf32>,
      %mul3A_373 = arith.constant 16 : i32
      %mul3A_374 = arith.muli %select_n3A_353, %mul3A_373 : i32
      %add3A_375 = vector.broadcast %mul3A_374 : i32 to vector<16xi32>
      %add3A_376 = arith.addi %add3A_375, %iota3A : vector<16xi32>
      %ge3A_377 = vector.broadcast %select_n3A_275 : i32 to vector<16xi32>
      %ge3A_378 = arith.cmpi sge, %add3A_376, %ge3A_377 : vector<16xi32>
      %lt3A_379 = vector.broadcast %select_n3A_303 : i32 to vector<16xi32>
      %lt3A_380 = arith.cmpi slt, %add3A_376, %lt3A_379 : vector<16xi32>
      %and3A_381 = arith.andi %ge3A_378, %lt3A_380 : vector<16xi1>
      %select_n3A_382 = arith.select %and3A_367, %get3A_358, %broadcast_in_dim3A_3 : vector<16xi1>, vector<16xf32>
      %select_n3A_383 = arith.select %and3A_381, %get3A_372, %broadcast_in_dim3A_3 : vector<16xi1>, vector<16xf32>
      %select_n3A_384 = arith.select %and3A_367, %get3A_358, %broadcast_in_dim3A_5 : vector<16xi1>, vector<16xf32>
      %select_n3A_385 = arith.select %and3A_381, %get3A_372, %broadcast_in_dim3A_5 : vector<16xi1>, vector<16xf32>
      %add3A_386 = arith.constant 1 : i32
      %add3A_387 = arith.addi %select_n3A_327, %add3A_386 : i32
      %sub3A_388 = arith.subi %select_n3A_353, %add3A_387 : i32
      %max3A_389 = arith.constant 0 : i32
      %max3A_390 = arith.maxsi %sub3A_388, %max3A_389 : i32
      %add3A_391 = arith.constant 3 : i32
      %add3A_392 = arith.addi %max3A_390, %add3A_391 : i32
      %jit3A_393 = arith.constant 4 : i32
      %div3A_394 = arith.divsi %add3A_392, %jit3A_393 : i32
      %sign3A_395 = arith.constant 0 : i32
      %sign3A_396 = arith.cmpi sgt, %add3A_392, %sign3A_395 : i32
      %sign3A_397 = arith.extui %sign3A_396 : i1 to i32
      %sign3A_398 = arith.constant 0 : i32
      %sign3A_399 = arith.cmpi slt, %add3A_392, %sign3A_398 : i32
      %sign3A_400 = arith.extui %sign3A_399 : i1 to i32
      %sign3A_401 = arith.subi %sign3A_397, %sign3A_400 : i32
      %sign3A_402 = arith.constant 0 : i32
      %sign3A_403 = arith.cmpi sgt, %jit3A_393, %sign3A_402 : i32
      %sign3A_404 = arith.extui %sign3A_403 : i1 to i32
      %sign3A_405 = arith.constant 0 : i32
      %sign3A_406 = arith.cmpi slt, %jit3A_393, %sign3A_405 : i32
      %sign3A_407 = arith.extui %sign3A_406 : i1 to i32
      %sign3A_408 = arith.subi %sign3A_404, %sign3A_407 : i32
      %ne3A_409 = arith.cmpi ne, %sign3A_401, %sign3A_408 : i32
      %rem3A_410 = arith.remsi %add3A_392, %jit3A_393 : i32
      %ne3A_411 = arith.constant 0 : i32
      %ne3A_412 = arith.cmpi ne, %rem3A_410, %ne3A_411 : i32
      %and3A_413 = arith.andi %ne3A_409, %ne3A_412 : i1
      %sub3A_414 = arith.constant 1 : i32
      %sub3A_415 = arith.subi %div3A_394, %sub3A_414 : i32
      %select_n3A_416 = arith.select %and3A_413, %sub3A_415, %div3A_394 : i32
      %parallel_loop3A_417 = arith.constant 0 : i32
      %parallel_loop3A_418 = arith.constant 1 : i32
      %parallel_loop3A_419:8 = scf.for %parallel_loop3A_1035 = %parallel_loop3A_417 to %select_n3A_416 step %parallel_loop3A_418 iter_args(%parallel_loop3A_1036 = %select_n3A_382, %parallel_loop3A_1037 = %select_n3A_383, %parallel_loop3A_1038 = %broadcast_in_dim3A_3, %parallel_loop3A_1039 = %broadcast_in_dim3A_3, %parallel_loop3A_1040 = %select_n3A_384, %parallel_loop3A_1041 = %select_n3A_385, %parallel_loop3A_1042 = %broadcast_in_dim3A_5, %parallel_loop3A_1043 = %broadcast_in_dim3A_5) -> (vector<16xf32>, vector<16xf32>, vector<16xf32>, vector<16xf32>, vector<16xf32>, vector<16xf32>, vector<16xf32>, vector<16xf32>)  : i32 {
        %parallel_loop3A_1044 = arith.constant 4 : i32
        %parallel_loop3A_1045 = arith.muli %parallel_loop3A_1035, %parallel_loop3A_1044 : i32
        %parallel_loop3A_1046 = arith.addi %add3A_387, %parallel_loop3A_1045 : i32
        %parallel_loop3A_1047 = arith.constant 1 : i32
        %parallel_loop3A_1048 = arith.addi %parallel_loop3A_1046, %parallel_loop3A_1047 : i32
        %parallel_loop3A_1049 = arith.constant 1 : i32
        %parallel_loop3A_1050 = arith.subi %select_n3A_353, %parallel_loop3A_1049 : i32
        %parallel_loop3A_1051 = arith.minsi %parallel_loop3A_1048, %parallel_loop3A_1050 : i32
        %parallel_loop3A_1052 = arith.constant 2 : i32
        %parallel_loop3A_1053 = arith.addi %parallel_loop3A_1046, %parallel_loop3A_1052 : i32
        %parallel_loop3A_1054 = arith.constant 1 : i32
        %parallel_loop3A_1055 = arith.subi %select_n3A_353, %parallel_loop3A_1054 : i32
        %parallel_loop3A_1056 = arith.minsi %parallel_loop3A_1053, %parallel_loop3A_1055 : i32
        %parallel_loop3A_1057 = arith.constant 3 : i32
        %parallel_loop3A_1058 = arith.addi %parallel_loop3A_1046, %parallel_loop3A_1057 : i32
        %parallel_loop3A_1059 = arith.constant 1 : i32
        %parallel_loop3A_1060 = arith.subi %select_n3A_353, %parallel_loop3A_1059 : i32
        %parallel_loop3A_1061 = arith.minsi %parallel_loop3A_1058, %parallel_loop3A_1060 : i32
        %parallel_loop3A_1062 = arith.constant 16 : i32
        %parallel_loop3A_1063 = arith.muli %parallel_loop3A_1046, %parallel_loop3A_1062 : i32
        %parallel_loop3A_1064 = arith.index_cast %scan3A_16 : i32 to index
        %parallel_loop3A_1065 = arith.index_cast %parallel_loop3A_1063 : i32 to index
        %parallel_loop3A_1066 = tpu.vector_load %arg5[%parallel_loop3A_1064, %parallel_loop3A_1065] {strides = array<i32>} : memref<4x2048xf32, #tpu.memory_space<vmem>>, vector<16xf32>,
        %parallel_loop3A_1067 = arith.constant 16 : i32
        %parallel_loop3A_1068 = arith.muli %parallel_loop3A_1051, %parallel_loop3A_1067 : i32
        %parallel_loop3A_1069 = arith.index_cast %scan3A_16 : i32 to index
        %parallel_loop3A_1070 = arith.index_cast %parallel_loop3A_1068 : i32 to index
        %parallel_loop3A_1071 = tpu.vector_load %arg5[%parallel_loop3A_1069, %parallel_loop3A_1070] {strides = array<i32>} : memref<4x2048xf32, #tpu.memory_space<vmem>>, vector<16xf32>,
        %parallel_loop3A_1072 = arith.constant 16 : i32
        %parallel_loop3A_1073 = arith.muli %parallel_loop3A_1056, %parallel_loop3A_1072 : i32
        %parallel_loop3A_1074 = arith.index_cast %scan3A_16 : i32 to index
        %parallel_loop3A_1075 = arith.index_cast %parallel_loop3A_1073 : i32 to index
        %parallel_loop3A_1076 = tpu.vector_load %arg5[%parallel_loop3A_1074, %parallel_loop3A_1075] {strides = array<i32>} : memref<4x2048xf32, #tpu.memory_space<vmem>>, vector<16xf32>,
        %parallel_loop3A_1077 = arith.constant 16 : i32
        %parallel_loop3A_1078 = arith.muli %parallel_loop3A_1061, %parallel_loop3A_1077 : i32
        %parallel_loop3A_1079 = arith.index_cast %scan3A_16 : i32 to index
        %parallel_loop3A_1080 = arith.index_cast %parallel_loop3A_1078 : i32 to index
        %parallel_loop3A_1081 = tpu.vector_load %arg5[%parallel_loop3A_1079, %parallel_loop3A_1080] {strides = array<i32>} : memref<4x2048xf32, #tpu.memory_space<vmem>>, vector<16xf32>,
        %parallel_loop3A_1082 = arith.maximumf %parallel_loop3A_1036, %parallel_loop3A_1066 : vector<16xf32>
        %parallel_loop3A_1083 = arith.maximumf %parallel_loop3A_1037, %parallel_loop3A_1071 : vector<16xf32>
        %parallel_loop3A_1084 = arith.maximumf %parallel_loop3A_1038, %parallel_loop3A_1076 : vector<16xf32>
        %parallel_loop3A_1085 = arith.maximumf %parallel_loop3A_1039, %parallel_loop3A_1081 : vector<16xf32>
        %parallel_loop3A_1086 = arith.minimumf %parallel_loop3A_1040, %parallel_loop3A_1066 : vector<16xf32>
        %parallel_loop3A_1087 = arith.minimumf %parallel_loop3A_1041, %parallel_loop3A_1071 : vector<16xf32>
        %parallel_loop3A_1088 = arith.minimumf %parallel_loop3A_1042, %parallel_loop3A_1076 : vector<16xf32>
        %parallel_loop3A_1089 = arith.minimumf %parallel_loop3A_1043, %parallel_loop3A_1081 : vector<16xf32>
        scf.yield %parallel_loop3A_1082, %parallel_loop3A_1083, %parallel_loop3A_1084, %parallel_loop3A_1085, %parallel_loop3A_1086, %parallel_loop3A_1087, %parallel_loop3A_1088, %parallel_loop3A_1089 : vector<16xf32>, vector<16xf32>, vector<16xf32>, vector<16xf32>, vector<16xf32>, vector<16xf32>, vector<16xf32>, vector<16xf32>
      } {sc.loop_unroll_factor = 2 : i64, sc.parallel_access}
      %max3A_420 = arith.maximumf %parallel_loop3A_419#0, %parallel_loop3A_419#1 : vector<16xf32>
      %max3A_421 = arith.maximumf %parallel_loop3A_419#2, %parallel_loop3A_419#3 : vector<16xf32>
      %max3A_422 = arith.maximumf %max3A_420, %max3A_421 : vector<16xf32>
      %min3A_423 = arith.minimumf %parallel_loop3A_419#4, %parallel_loop3A_419#5 : vector<16xf32>
      %min3A_424 = arith.minimumf %parallel_loop3A_419#6, %parallel_loop3A_419#7 : vector<16xf32>
      %min3A_425 = arith.minimumf %min3A_423, %min3A_424 : vector<16xf32>
      %reduce_max3A_426 = arith.constant true
      %reduce_max3A_427 = vector.broadcast %reduce_max3A_426 : i1 to vector<16xi1>
      %reduce_max3A_428 = tpu.scan <max>, %max3A_422 masked %reduce_max3A_427 : vector<16xf32>, vector<16xi1> -> vector<16xf32>
      %reduce_max3A_429 = vector.extract %reduce_max3A_428[15] : f32 from vector<16xf32>
      %reduce_min3A_430 = arith.constant true
      %reduce_min3A_431 = vector.broadcast %reduce_min3A_430 : i1 to vector<16xi1>
      %reduce_min3A_432 = tpu.scan <min>, %min3A_425 masked %reduce_min3A_431 : vector<16xf32>, vector<16xi1> -> vector<16xf32>
      %reduce_min3A_433 = vector.extract %reduce_min3A_432[15] : f32 from vector<16xf32>
      %eq3A_434 = arith.constant 1 : i32
      %eq3A_435 = vector.broadcast %eq3A_434 : i32 to vector<16xi32>
      %eq3A_436 = arith.cmpi eq, %iota3A, %eq3A_435 : vector<16xi32>
      %broadcast_in_dim3A_437 = vector.broadcast %reduce_max3A_429 : f32 to vector<16xf32>
      %select_n3A_438 = arith.select %eq3A_436, %broadcast_in_dim3A_437, %select_n3A_249 : vector<16xi1>, vector<16xf32>
      %eq3A_439 = arith.constant 6 : i32
      %eq3A_440 = vector.broadcast %eq3A_439 : i32 to vector<16xi32>
      %eq3A_441 = arith.cmpi eq, %iota3A, %eq3A_440 : vector<16xi32>
      %broadcast_in_dim3A_442 = vector.broadcast %reduce_min3A_433 : f32 to vector<16xf32>
      %select_n3A_443 = arith.select %eq3A_441, %broadcast_in_dim3A_442, %select_n3A_438 : vector<16xi1>, vector<16xf32>
      %mul3A_444 = arith.constant 2 : i32
      %mul3A_445 = arith.muli %mul3A_444, %convert_element_type3A_60 : i32
      %jit3A_446 = arith.constant 5 : i32
      %div3A_447 = arith.divsi %mul3A_445, %jit3A_446 : i32
      %sign3A_448 = arith.constant 0 : i32
      %sign3A_449 = arith.cmpi sgt, %mul3A_445, %sign3A_448 : i32
      %sign3A_450 = arith.extui %sign3A_449 : i1 to i32
      %sign3A_451 = arith.constant 0 : i32
      %sign3A_452 = arith.cmpi slt, %mul3A_445, %sign3A_451 : i32
      %sign3A_453 = arith.extui %sign3A_452 : i1 to i32
      %sign3A_454 = arith.subi %sign3A_450, %sign3A_453 : i32
      %sign3A_455 = arith.constant 0 : i32
      %sign3A_456 = arith.cmpi sgt, %jit3A_446, %sign3A_455 : i32
      %sign3A_457 = arith.extui %sign3A_456 : i1 to i32
      %sign3A_458 = arith.constant 0 : i32
      %sign3A_459 = arith.cmpi slt, %jit3A_446, %sign3A_458 : i32
      %sign3A_460 = arith.extui %sign3A_459 : i1 to i32
      %sign3A_461 = arith.subi %sign3A_457, %sign3A_460 : i32
      %ne3A_462 = arith.cmpi ne, %sign3A_454, %sign3A_461 : i32
      %rem3A_463 = arith.remsi %mul3A_445, %jit3A_446 : i32
      %ne3A_464 = arith.constant 0 : i32
      %ne3A_465 = arith.cmpi ne, %rem3A_463, %ne3A_464 : i32
      %and3A_466 = arith.andi %ne3A_462, %ne3A_465 : i1
      %sub3A_467 = arith.constant 1 : i32
      %sub3A_468 = arith.subi %div3A_447, %sub3A_467 : i32
      %select_n3A_469 = arith.select %and3A_466, %sub3A_468, %div3A_447 : i32
      %mul3A_470 = arith.constant 3 : i32
      %mul3A_471 = arith.muli %mul3A_470, %convert_element_type3A_60 : i32
      %add3A_472 = arith.constant 4 : i32
      %add3A_473 = arith.addi %mul3A_471, %add3A_472 : i32
      %jit3A_474 = arith.constant 5 : i32
      %div3A_475 = arith.divsi %add3A_473, %jit3A_474 : i32
      %sign3A_476 = arith.constant 0 : i32
      %sign3A_477 = arith.cmpi sgt, %add3A_473, %sign3A_476 : i32
      %sign3A_478 = arith.extui %sign3A_477 : i1 to i32
      %sign3A_479 = arith.constant 0 : i32
      %sign3A_480 = arith.cmpi slt, %add3A_473, %sign3A_479 : i32
      %sign3A_481 = arith.extui %sign3A_480 : i1 to i32
      %sign3A_482 = arith.subi %sign3A_478, %sign3A_481 : i32
      %sign3A_483 = arith.constant 0 : i32
      %sign3A_484 = arith.cmpi sgt, %jit3A_474, %sign3A_483 : i32
      %sign3A_485 = arith.extui %sign3A_484 : i1 to i32
      %sign3A_486 = arith.constant 0 : i32
      %sign3A_487 = arith.cmpi slt, %jit3A_474, %sign3A_486 : i32
      %sign3A_488 = arith.extui %sign3A_487 : i1 to i32
      %sign3A_489 = arith.subi %sign3A_485, %sign3A_488 : i32
      %ne3A_490 = arith.cmpi ne, %sign3A_482, %sign3A_489 : i32
      %rem3A_491 = arith.remsi %add3A_473, %jit3A_474 : i32
      %ne3A_492 = arith.constant 0 : i32
      %ne3A_493 = arith.cmpi ne, %rem3A_491, %ne3A_492 : i32
      %and3A_494 = arith.andi %ne3A_490, %ne3A_493 : i1
      %sub3A_495 = arith.constant 1 : i32
      %sub3A_496 = arith.subi %div3A_475, %sub3A_495 : i32
      %select_n3A_497 = arith.select %and3A_494, %sub3A_496, %div3A_475 : i32
      %jit3A_498 = arith.constant 16 : i32
      %div3A_499 = arith.divsi %select_n3A_469, %jit3A_498 : i32
      %sign3A_500 = arith.constant 0 : i32
      %sign3A_501 = arith.cmpi sgt, %select_n3A_469, %sign3A_500 : i32
      %sign3A_502 = arith.extui %sign3A_501 : i1 to i32
      %sign3A_503 = arith.constant 0 : i32
      %sign3A_504 = arith.cmpi slt, %select_n3A_469, %sign3A_503 : i32
      %sign3A_505 = arith.extui %sign3A_504 : i1 to i32
      %sign3A_506 = arith.subi %sign3A_502, %sign3A_505 : i32
      %sign3A_507 = arith.constant 0 : i32
      %sign3A_508 = arith.cmpi sgt, %jit3A_498, %sign3A_507 : i32
      %sign3A_509 = arith.extui %sign3A_508 : i1 to i32
      %sign3A_510 = arith.constant 0 : i32
      %sign3A_511 = arith.cmpi slt, %jit3A_498, %sign3A_510 : i32
      %sign3A_512 = arith.extui %sign3A_511 : i1 to i32
      %sign3A_513 = arith.subi %sign3A_509, %sign3A_512 : i32
      %ne3A_514 = arith.cmpi ne, %sign3A_506, %sign3A_513 : i32
      %rem3A_515 = arith.remsi %select_n3A_469, %jit3A_498 : i32
      %ne3A_516 = arith.constant 0 : i32
      %ne3A_517 = arith.cmpi ne, %rem3A_515, %ne3A_516 : i32
      %and3A_518 = arith.andi %ne3A_514, %ne3A_517 : i1
      %sub3A_519 = arith.constant 1 : i32
      %sub3A_520 = arith.subi %div3A_499, %sub3A_519 : i32
      %select_n3A_521 = arith.select %and3A_518, %sub3A_520, %div3A_499 : i32
      %sub3A_522 = arith.constant 1 : i32
      %sub3A_523 = arith.subi %select_n3A_497, %sub3A_522 : i32
      %jit3A_524 = arith.constant 16 : i32
      %div3A_525 = arith.divsi %sub3A_523, %jit3A_524 : i32
      %sign3A_526 = arith.constant 0 : i32
      %sign3A_527 = arith.cmpi sgt, %sub3A_523, %sign3A_526 : i32
      %sign3A_528 = arith.extui %sign3A_527 : i1 to i32
      %sign3A_529 = arith.constant 0 : i32
      %sign3A_530 = arith.cmpi slt, %sub3A_523, %sign3A_529 : i32
      %sign3A_531 = arith.extui %sign3A_530 : i1 to i32
      %sign3A_532 = arith.subi %sign3A_528, %sign3A_531 : i32
      %sign3A_533 = arith.constant 0 : i32
      %sign3A_534 = arith.cmpi sgt, %jit3A_524, %sign3A_533 : i32
      %sign3A_535 = arith.extui %sign3A_534 : i1 to i32
      %sign3A_536 = arith.constant 0 : i32
      %sign3A_537 = arith.cmpi slt, %jit3A_524, %sign3A_536 : i32
      %sign3A_538 = arith.extui %sign3A_537 : i1 to i32
      %sign3A_539 = arith.subi %sign3A_535, %sign3A_538 : i32
      %ne3A_540 = arith.cmpi ne, %sign3A_532, %sign3A_539 : i32
      %rem3A_541 = arith.remsi %sub3A_523, %jit3A_524 : i32
      %ne3A_542 = arith.constant 0 : i32
      %ne3A_543 = arith.cmpi ne, %rem3A_541, %ne3A_542 : i32
      %and3A_544 = arith.andi %ne3A_540, %ne3A_543 : i1
      %sub3A_545 = arith.constant 1 : i32
      %sub3A_546 = arith.subi %div3A_525, %sub3A_545 : i32
      %select_n3A_547 = arith.select %and3A_544, %sub3A_546, %div3A_525 : i32
      %mul3A_548 = arith.constant 16 : i32
      %mul3A_549 = arith.muli %select_n3A_521, %mul3A_548 : i32
      %get3A_550 = arith.index_cast %scan3A_16 : i32 to index
      %get3A_551 = arith.index_cast %mul3A_549 : i32 to index
      %get3A_552 = tpu.vector_load %arg5[%get3A_550, %get3A_551] {strides = array<i32>} : memref<4x2048xf32, #tpu.memory_space<vmem>>, vector<16xf32>,
      %mul3A_553 = arith.constant 16 : i32
      %mul3A_554 = arith.muli %select_n3A_521, %mul3A_553 : i32
      %add3A_555 = vector.broadcast %mul3A_554 : i32 to vector<16xi32>
      %add3A_556 = arith.addi %add3A_555, %iota3A : vector<16xi32>
      %ge3A_557 = vector.broadcast %select_n3A_469 : i32 to vector<16xi32>
      %ge3A_558 = arith.cmpi sge, %add3A_556, %ge3A_557 : vector<16xi32>
      %lt3A_559 = vector.broadcast %select_n3A_497 : i32 to vector<16xi32>
      %lt3A_560 = arith.cmpi slt, %add3A_556, %lt3A_559 : vector<16xi32>
      %and3A_561 = arith.andi %ge3A_558, %lt3A_560 : vector<16xi1>
      %mul3A_562 = arith.constant 16 : i32
      %mul3A_563 = arith.muli %select_n3A_547, %mul3A_562 : i32
      %get3A_564 = arith.index_cast %scan3A_16 : i32 to index
      %get3A_565 = arith.index_cast %mul3A_563 : i32 to index
      %get3A_566 = tpu.vector_load %arg5[%get3A_564, %get3A_565] {strides = array<i32>} : memref<4x2048xf32, #tpu.memory_space<vmem>>, vector<16xf32>,
      %mul3A_567 = arith.constant 16 : i32
      %mul3A_568 = arith.muli %select_n3A_547, %mul3A_567 : i32
      %add3A_569 = vector.broadcast %mul3A_568 : i32 to vector<16xi32>
      %add3A_570 = arith.addi %add3A_569, %iota3A : vector<16xi32>
      %ge3A_571 = vector.broadcast %select_n3A_469 : i32 to vector<16xi32>
      %ge3A_572 = arith.cmpi sge, %add3A_570, %ge3A_571 : vector<16xi32>
      %lt3A_573 = vector.broadcast %select_n3A_497 : i32 to vector<16xi32>
      %lt3A_574 = arith.cmpi slt, %add3A_570, %lt3A_573 : vector<16xi32>
      %and3A_575 = arith.andi %ge3A_572, %lt3A_574 : vector<16xi1>
      %select_n3A_576 = arith.select %and3A_561, %get3A_552, %broadcast_in_dim3A_3 : vector<16xi1>, vector<16xf32>
      %select_n3A_577 = arith.select %and3A_575, %get3A_566, %broadcast_in_dim3A_3 : vector<16xi1>, vector<16xf32>
      %select_n3A_578 = arith.select %and3A_561, %get3A_552, %broadcast_in_dim3A_5 : vector<16xi1>, vector<16xf32>
      %select_n3A_579 = arith.select %and3A_575, %get3A_566, %broadcast_in_dim3A_5 : vector<16xi1>, vector<16xf32>
      %add3A_580 = arith.constant 1 : i32
      %add3A_581 = arith.addi %select_n3A_521, %add3A_580 : i32
      %sub3A_582 = arith.subi %select_n3A_547, %add3A_581 : i32
      %max3A_583 = arith.constant 0 : i32
      %max3A_584 = arith.maxsi %sub3A_582, %max3A_583 : i32
      %add3A_585 = arith.constant 3 : i32
      %add3A_586 = arith.addi %max3A_584, %add3A_585 : i32
      %jit3A_587 = arith.constant 4 : i32
      %div3A_588 = arith.divsi %add3A_586, %jit3A_587 : i32
      %sign3A_589 = arith.constant 0 : i32
      %sign3A_590 = arith.cmpi sgt, %add3A_586, %sign3A_589 : i32
      %sign3A_591 = arith.extui %sign3A_590 : i1 to i32
      %sign3A_592 = arith.constant 0 : i32
      %sign3A_593 = arith.cmpi slt, %add3A_586, %sign3A_592 : i32
      %sign3A_594 = arith.extui %sign3A_593 : i1 to i32
      %sign3A_595 = arith.subi %sign3A_591, %sign3A_594 : i32
      %sign3A_596 = arith.constant 0 : i32
      %sign3A_597 = arith.cmpi sgt, %jit3A_587, %sign3A_596 : i32
      %sign3A_598 = arith.extui %sign3A_597 : i1 to i32
      %sign3A_599 = arith.constant 0 : i32
      %sign3A_600 = arith.cmpi slt, %jit3A_587, %sign3A_599 : i32
      %sign3A_601 = arith.extui %sign3A_600 : i1 to i32
      %sign3A_602 = arith.subi %sign3A_598, %sign3A_601 : i32
      %ne3A_603 = arith.cmpi ne, %sign3A_595, %sign3A_602 : i32
      %rem3A_604 = arith.remsi %add3A_586, %jit3A_587 : i32
      %ne3A_605 = arith.constant 0 : i32
      %ne3A_606 = arith.cmpi ne, %rem3A_604, %ne3A_605 : i32
      %and3A_607 = arith.andi %ne3A_603, %ne3A_606 : i1
      %sub3A_608 = arith.constant 1 : i32
      %sub3A_609 = arith.subi %div3A_588, %sub3A_608 : i32
      %select_n3A_610 = arith.select %and3A_607, %sub3A_609, %div3A_588 : i32
      %parallel_loop3A_611 = arith.constant 0 : i32
      %parallel_loop3A_612 = arith.constant 1 : i32
      %parallel_loop3A_613:8 = scf.for %parallel_loop3A_1035 = %parallel_loop3A_611 to %select_n3A_610 step %parallel_loop3A_612 iter_args(%parallel_loop3A_1036 = %select_n3A_576, %parallel_loop3A_1037 = %select_n3A_577, %parallel_loop3A_1038 = %broadcast_in_dim3A_3, %parallel_loop3A_1039 = %broadcast_in_dim3A_3, %parallel_loop3A_1040 = %select_n3A_578, %parallel_loop3A_1041 = %select_n3A_579, %parallel_loop3A_1042 = %broadcast_in_dim3A_5, %parallel_loop3A_1043 = %broadcast_in_dim3A_5) -> (vector<16xf32>, vector<16xf32>, vector<16xf32>, vector<16xf32>, vector<16xf32>, vector<16xf32>, vector<16xf32>, vector<16xf32>)  : i32 {
        %parallel_loop3A_1044 = arith.constant 4 : i32
        %parallel_loop3A_1045 = arith.muli %parallel_loop3A_1035, %parallel_loop3A_1044 : i32
        %parallel_loop3A_1046 = arith.addi %add3A_581, %parallel_loop3A_1045 : i32
        %parallel_loop3A_1047 = arith.constant 1 : i32
        %parallel_loop3A_1048 = arith.addi %parallel_loop3A_1046, %parallel_loop3A_1047 : i32
        %parallel_loop3A_1049 = arith.constant 1 : i32
        %parallel_loop3A_1050 = arith.subi %select_n3A_547, %parallel_loop3A_1049 : i32
        %parallel_loop3A_1051 = arith.minsi %parallel_loop3A_1048, %parallel_loop3A_1050 : i32
        %parallel_loop3A_1052 = arith.constant 2 : i32
        %parallel_loop3A_1053 = arith.addi %parallel_loop3A_1046, %parallel_loop3A_1052 : i32
        %parallel_loop3A_1054 = arith.constant 1 : i32
        %parallel_loop3A_1055 = arith.subi %select_n3A_547, %parallel_loop3A_1054 : i32
        %parallel_loop3A_1056 = arith.minsi %parallel_loop3A_1053, %parallel_loop3A_1055 : i32
        %parallel_loop3A_1057 = arith.constant 3 : i32
        %parallel_loop3A_1058 = arith.addi %parallel_loop3A_1046, %parallel_loop3A_1057 : i32
        %parallel_loop3A_1059 = arith.constant 1 : i32
        %parallel_loop3A_1060 = arith.subi %select_n3A_547, %parallel_loop3A_1059 : i32
        %parallel_loop3A_1061 = arith.minsi %parallel_loop3A_1058, %parallel_loop3A_1060 : i32
        %parallel_loop3A_1062 = arith.constant 16 : i32
        %parallel_loop3A_1063 = arith.muli %parallel_loop3A_1046, %parallel_loop3A_1062 : i32
        %parallel_loop3A_1064 = arith.index_cast %scan3A_16 : i32 to index
        %parallel_loop3A_1065 = arith.index_cast %parallel_loop3A_1063 : i32 to index
        %parallel_loop3A_1066 = tpu.vector_load %arg5[%parallel_loop3A_1064, %parallel_loop3A_1065] {strides = array<i32>} : memref<4x2048xf32, #tpu.memory_space<vmem>>, vector<16xf32>,
        %parallel_loop3A_1067 = arith.constant 16 : i32
        %parallel_loop3A_1068 = arith.muli %parallel_loop3A_1051, %parallel_loop3A_1067 : i32
        %parallel_loop3A_1069 = arith.index_cast %scan3A_16 : i32 to index
        %parallel_loop3A_1070 = arith.index_cast %parallel_loop3A_1068 : i32 to index
        %parallel_loop3A_1071 = tpu.vector_load %arg5[%parallel_loop3A_1069, %parallel_loop3A_1070] {strides = array<i32>} : memref<4x2048xf32, #tpu.memory_space<vmem>>, vector<16xf32>,
        %parallel_loop3A_1072 = arith.constant 16 : i32
        %parallel_loop3A_1073 = arith.muli %parallel_loop3A_1056, %parallel_loop3A_1072 : i32
        %parallel_loop3A_1074 = arith.index_cast %scan3A_16 : i32 to index
        %parallel_loop3A_1075 = arith.index_cast %parallel_loop3A_1073 : i32 to index
        %parallel_loop3A_1076 = tpu.vector_load %arg5[%parallel_loop3A_1074, %parallel_loop3A_1075] {strides = array<i32>} : memref<4x2048xf32, #tpu.memory_space<vmem>>, vector<16xf32>,
        %parallel_loop3A_1077 = arith.constant 16 : i32
        %parallel_loop3A_1078 = arith.muli %parallel_loop3A_1061, %parallel_loop3A_1077 : i32
        %parallel_loop3A_1079 = arith.index_cast %scan3A_16 : i32 to index
        %parallel_loop3A_1080 = arith.index_cast %parallel_loop3A_1078 : i32 to index
        %parallel_loop3A_1081 = tpu.vector_load %arg5[%parallel_loop3A_1079, %parallel_loop3A_1080] {strides = array<i32>} : memref<4x2048xf32, #tpu.memory_space<vmem>>, vector<16xf32>,
        %parallel_loop3A_1082 = arith.maximumf %parallel_loop3A_1036, %parallel_loop3A_1066 : vector<16xf32>
        %parallel_loop3A_1083 = arith.maximumf %parallel_loop3A_1037, %parallel_loop3A_1071 : vector<16xf32>
        %parallel_loop3A_1084 = arith.maximumf %parallel_loop3A_1038, %parallel_loop3A_1076 : vector<16xf32>
        %parallel_loop3A_1085 = arith.maximumf %parallel_loop3A_1039, %parallel_loop3A_1081 : vector<16xf32>
        %parallel_loop3A_1086 = arith.minimumf %parallel_loop3A_1040, %parallel_loop3A_1066 : vector<16xf32>
        %parallel_loop3A_1087 = arith.minimumf %parallel_loop3A_1041, %parallel_loop3A_1071 : vector<16xf32>
        %parallel_loop3A_1088 = arith.minimumf %parallel_loop3A_1042, %parallel_loop3A_1076 : vector<16xf32>
        %parallel_loop3A_1089 = arith.minimumf %parallel_loop3A_1043, %parallel_loop3A_1081 : vector<16xf32>
        scf.yield %parallel_loop3A_1082, %parallel_loop3A_1083, %parallel_loop3A_1084, %parallel_loop3A_1085, %parallel_loop3A_1086, %parallel_loop3A_1087, %parallel_loop3A_1088, %parallel_loop3A_1089 : vector<16xf32>, vector<16xf32>, vector<16xf32>, vector<16xf32>, vector<16xf32>, vector<16xf32>, vector<16xf32>, vector<16xf32>
      } {sc.loop_unroll_factor = 2 : i64, sc.parallel_access}
      %max3A_614 = arith.maximumf %parallel_loop3A_613#0, %parallel_loop3A_613#1 : vector<16xf32>
      %max3A_615 = arith.maximumf %parallel_loop3A_613#2, %parallel_loop3A_613#3 : vector<16xf32>
      %max3A_616 = arith.maximumf %max3A_614, %max3A_615 : vector<16xf32>
      %min3A_617 = arith.minimumf %parallel_loop3A_613#4, %parallel_loop3A_613#5 : vector<16xf32>
      %min3A_618 = arith.minimumf %parallel_loop3A_613#6, %parallel_loop3A_613#7 : vector<16xf32>
      %min3A_619 = arith.minimumf %min3A_617, %min3A_618 : vector<16xf32>
      %reduce_max3A_620 = arith.constant true
      %reduce_max3A_621 = vector.broadcast %reduce_max3A_620 : i1 to vector<16xi1>
      %reduce_max3A_622 = tpu.scan <max>, %max3A_616 masked %reduce_max3A_621 : vector<16xf32>, vector<16xi1> -> vector<16xf32>
      %reduce_max3A_623 = vector.extract %reduce_max3A_622[15] : f32 from vector<16xf32>
      %reduce_min3A_624 = arith.constant true
      %reduce_min3A_625 = vector.broadcast %reduce_min3A_624 : i1 to vector<16xi1>
      %reduce_min3A_626 = tpu.scan <min>, %min3A_619 masked %reduce_min3A_625 : vector<16xf32>, vector<16xi1> -> vector<16xf32>
      %reduce_min3A_627 = vector.extract %reduce_min3A_626[15] : f32 from vector<16xf32>
      %eq3A_628 = arith.constant 2 : i32
      %eq3A_629 = vector.broadcast %eq3A_628 : i32 to vector<16xi32>
      %eq3A_630 = arith.cmpi eq, %iota3A, %eq3A_629 : vector<16xi32>
      %broadcast_in_dim3A_631 = vector.broadcast %reduce_max3A_623 : f32 to vector<16xf32>
      %select_n3A_632 = arith.select %eq3A_630, %broadcast_in_dim3A_631, %select_n3A_443 : vector<16xi1>, vector<16xf32>
      %eq3A_633 = arith.constant 7 : i32
      %eq3A_634 = vector.broadcast %eq3A_633 : i32 to vector<16xi32>
      %eq3A_635 = arith.cmpi eq, %iota3A, %eq3A_634 : vector<16xi32>
      %broadcast_in_dim3A_636 = vector.broadcast %reduce_min3A_627 : f32 to vector<16xf32>
      %select_n3A_637 = arith.select %eq3A_635, %broadcast_in_dim3A_636, %select_n3A_632 : vector<16xi1>, vector<16xf32>
      %mul3A_638 = arith.constant 3 : i32
      %mul3A_639 = arith.muli %mul3A_638, %convert_element_type3A_60 : i32
      %jit3A_640 = arith.constant 5 : i32
      %div3A_641 = arith.divsi %mul3A_639, %jit3A_640 : i32
      %sign3A_642 = arith.constant 0 : i32
      %sign3A_643 = arith.cmpi sgt, %mul3A_639, %sign3A_642 : i32
      %sign3A_644 = arith.extui %sign3A_643 : i1 to i32
      %sign3A_645 = arith.constant 0 : i32
      %sign3A_646 = arith.cmpi slt, %mul3A_639, %sign3A_645 : i32
      %sign3A_647 = arith.extui %sign3A_646 : i1 to i32
      %sign3A_648 = arith.subi %sign3A_644, %sign3A_647 : i32
      %sign3A_649 = arith.constant 0 : i32
      %sign3A_650 = arith.cmpi sgt, %jit3A_640, %sign3A_649 : i32
      %sign3A_651 = arith.extui %sign3A_650 : i1 to i32
      %sign3A_652 = arith.constant 0 : i32
      %sign3A_653 = arith.cmpi slt, %jit3A_640, %sign3A_652 : i32
      %sign3A_654 = arith.extui %sign3A_653 : i1 to i32
      %sign3A_655 = arith.subi %sign3A_651, %sign3A_654 : i32
      %ne3A_656 = arith.cmpi ne, %sign3A_648, %sign3A_655 : i32
      %rem3A_657 = arith.remsi %mul3A_639, %jit3A_640 : i32
      %ne3A_658 = arith.constant 0 : i32
      %ne3A_659 = arith.cmpi ne, %rem3A_657, %ne3A_658 : i32
      %and3A_660 = arith.andi %ne3A_656, %ne3A_659 : i1
      %sub3A_661 = arith.constant 1 : i32
      %sub3A_662 = arith.subi %div3A_641, %sub3A_661 : i32
      %select_n3A_663 = arith.select %and3A_660, %sub3A_662, %div3A_641 : i32
      %mul3A_664 = arith.constant 4 : i32
      %mul3A_665 = arith.muli %mul3A_664, %convert_element_type3A_60 : i32
      %add3A_666 = arith.constant 4 : i32
      %add3A_667 = arith.addi %mul3A_665, %add3A_666 : i32
      %jit3A_668 = arith.constant 5 : i32
      %div3A_669 = arith.divsi %add3A_667, %jit3A_668 : i32
      %sign3A_670 = arith.constant 0 : i32
      %sign3A_671 = arith.cmpi sgt, %add3A_667, %sign3A_670 : i32
      %sign3A_672 = arith.extui %sign3A_671 : i1 to i32
      %sign3A_673 = arith.constant 0 : i32
      %sign3A_674 = arith.cmpi slt, %add3A_667, %sign3A_673 : i32
      %sign3A_675 = arith.extui %sign3A_674 : i1 to i32
      %sign3A_676 = arith.subi %sign3A_672, %sign3A_675 : i32
      %sign3A_677 = arith.constant 0 : i32
      %sign3A_678 = arith.cmpi sgt, %jit3A_668, %sign3A_677 : i32
      %sign3A_679 = arith.extui %sign3A_678 : i1 to i32
      %sign3A_680 = arith.constant 0 : i32
      %sign3A_681 = arith.cmpi slt, %jit3A_668, %sign3A_680 : i32
      %sign3A_682 = arith.extui %sign3A_681 : i1 to i32
      %sign3A_683 = arith.subi %sign3A_679, %sign3A_682 : i32
      %ne3A_684 = arith.cmpi ne, %sign3A_676, %sign3A_683 : i32
      %rem3A_685 = arith.remsi %add3A_667, %jit3A_668 : i32
      %ne3A_686 = arith.constant 0 : i32
      %ne3A_687 = arith.cmpi ne, %rem3A_685, %ne3A_686 : i32
      %and3A_688 = arith.andi %ne3A_684, %ne3A_687 : i1
      %sub3A_689 = arith.constant 1 : i32
      %sub3A_690 = arith.subi %div3A_669, %sub3A_689 : i32
      %select_n3A_691 = arith.select %and3A_688, %sub3A_690, %div3A_669 : i32
      %jit3A_692 = arith.constant 16 : i32
      %div3A_693 = arith.divsi %select_n3A_663, %jit3A_692 : i32
      %sign3A_694 = arith.constant 0 : i32
      %sign3A_695 = arith.cmpi sgt, %select_n3A_663, %sign3A_694 : i32
      %sign3A_696 = arith.extui %sign3A_695 : i1 to i32
      %sign3A_697 = arith.constant 0 : i32
      %sign3A_698 = arith.cmpi slt, %select_n3A_663, %sign3A_697 : i32
      %sign3A_699 = arith.extui %sign3A_698 : i1 to i32
      %sign3A_700 = arith.subi %sign3A_696, %sign3A_699 : i32
      %sign3A_701 = arith.constant 0 : i32
      %sign3A_702 = arith.cmpi sgt, %jit3A_692, %sign3A_701 : i32
      %sign3A_703 = arith.extui %sign3A_702 : i1 to i32
      %sign3A_704 = arith.constant 0 : i32
      %sign3A_705 = arith.cmpi slt, %jit3A_692, %sign3A_704 : i32
      %sign3A_706 = arith.extui %sign3A_705 : i1 to i32
      %sign3A_707 = arith.subi %sign3A_703, %sign3A_706 : i32
      %ne3A_708 = arith.cmpi ne, %sign3A_700, %sign3A_707 : i32
      %rem3A_709 = arith.remsi %select_n3A_663, %jit3A_692 : i32
      %ne3A_710 = arith.constant 0 : i32
      %ne3A_711 = arith.cmpi ne, %rem3A_709, %ne3A_710 : i32
      %and3A_712 = arith.andi %ne3A_708, %ne3A_711 : i1
      %sub3A_713 = arith.constant 1 : i32
      %sub3A_714 = arith.subi %div3A_693, %sub3A_713 : i32
      %select_n3A_715 = arith.select %and3A_712, %sub3A_714, %div3A_693 : i32
      %sub3A_716 = arith.constant 1 : i32
      %sub3A_717 = arith.subi %select_n3A_691, %sub3A_716 : i32
      %jit3A_718 = arith.constant 16 : i32
      %div3A_719 = arith.divsi %sub3A_717, %jit3A_718 : i32
      %sign3A_720 = arith.constant 0 : i32
      %sign3A_721 = arith.cmpi sgt, %sub3A_717, %sign3A_720 : i32
      %sign3A_722 = arith.extui %sign3A_721 : i1 to i32
      %sign3A_723 = arith.constant 0 : i32
      %sign3A_724 = arith.cmpi slt, %sub3A_717, %sign3A_723 : i32
      %sign3A_725 = arith.extui %sign3A_724 : i1 to i32
      %sign3A_726 = arith.subi %sign3A_722, %sign3A_725 : i32
      %sign3A_727 = arith.constant 0 : i32
      %sign3A_728 = arith.cmpi sgt, %jit3A_718, %sign3A_727 : i32
      %sign3A_729 = arith.extui %sign3A_728 : i1 to i32
      %sign3A_730 = arith.constant 0 : i32
      %sign3A_731 = arith.cmpi slt, %jit3A_718, %sign3A_730 : i32
      %sign3A_732 = arith.extui %sign3A_731 : i1 to i32
      %sign3A_733 = arith.subi %sign3A_729, %sign3A_732 : i32
      %ne3A_734 = arith.cmpi ne, %sign3A_726, %sign3A_733 : i32
      %rem3A_735 = arith.remsi %sub3A_717, %jit3A_718 : i32
      %ne3A_736 = arith.constant 0 : i32
      %ne3A_737 = arith.cmpi ne, %rem3A_735, %ne3A_736 : i32
      %and3A_738 = arith.andi %ne3A_734, %ne3A_737 : i1
      %sub3A_739 = arith.constant 1 : i32
      %sub3A_740 = arith.subi %div3A_719, %sub3A_739 : i32
      %select_n3A_741 = arith.select %and3A_738, %sub3A_740, %div3A_719 : i32
      %mul3A_742 = arith.constant 16 : i32
      %mul3A_743 = arith.muli %select_n3A_715, %mul3A_742 : i32
      %get3A_744 = arith.index_cast %scan3A_16 : i32 to index
      %get3A_745 = arith.index_cast %mul3A_743 : i32 to index
      %get3A_746 = tpu.vector_load %arg5[%get3A_744, %get3A_745] {strides = array<i32>} : memref<4x2048xf32, #tpu.memory_space<vmem>>, vector<16xf32>,
      %mul3A_747 = arith.constant 16 : i32
      %mul3A_748 = arith.muli %select_n3A_715, %mul3A_747 : i32
      %add3A_749 = vector.broadcast %mul3A_748 : i32 to vector<16xi32>
      %add3A_750 = arith.addi %add3A_749, %iota3A : vector<16xi32>
      %ge3A_751 = vector.broadcast %select_n3A_663 : i32 to vector<16xi32>
      %ge3A_752 = arith.cmpi sge, %add3A_750, %ge3A_751 : vector<16xi32>
      %lt3A_753 = vector.broadcast %select_n3A_691 : i32 to vector<16xi32>
      %lt3A_754 = arith.cmpi slt, %add3A_750, %lt3A_753 : vector<16xi32>
      %and3A_755 = arith.andi %ge3A_752, %lt3A_754 : vector<16xi1>
      %mul3A_756 = arith.constant 16 : i32
      %mul3A_757 = arith.muli %select_n3A_741, %mul3A_756 : i32
      %get3A_758 = arith.index_cast %scan3A_16 : i32 to index
      %get3A_759 = arith.index_cast %mul3A_757 : i32 to index
      %get3A_760 = tpu.vector_load %arg5[%get3A_758, %get3A_759] {strides = array<i32>} : memref<4x2048xf32, #tpu.memory_space<vmem>>, vector<16xf32>,
      %mul3A_761 = arith.constant 16 : i32
      %mul3A_762 = arith.muli %select_n3A_741, %mul3A_761 : i32
      %add3A_763 = vector.broadcast %mul3A_762 : i32 to vector<16xi32>
      %add3A_764 = arith.addi %add3A_763, %iota3A : vector<16xi32>
      %ge3A_765 = vector.broadcast %select_n3A_663 : i32 to vector<16xi32>
      %ge3A_766 = arith.cmpi sge, %add3A_764, %ge3A_765 : vector<16xi32>
      %lt3A_767 = vector.broadcast %select_n3A_691 : i32 to vector<16xi32>
      %lt3A_768 = arith.cmpi slt, %add3A_764, %lt3A_767 : vector<16xi32>
      %and3A_769 = arith.andi %ge3A_766, %lt3A_768 : vector<16xi1>
      %select_n3A_770 = arith.select %and3A_755, %get3A_746, %broadcast_in_dim3A_3 : vector<16xi1>, vector<16xf32>
      %select_n3A_771 = arith.select %and3A_769, %get3A_760, %broadcast_in_dim3A_3 : vector<16xi1>, vector<16xf32>
      %select_n3A_772 = arith.select %and3A_755, %get3A_746, %broadcast_in_dim3A_5 : vector<16xi1>, vector<16xf32>
      %select_n3A_773 = arith.select %and3A_769, %get3A_760, %broadcast_in_dim3A_5 : vector<16xi1>, vector<16xf32>
      %add3A_774 = arith.constant 1 : i32
      %add3A_775 = arith.addi %select_n3A_715, %add3A_774 : i32
      %sub3A_776 = arith.subi %select_n3A_741, %add3A_775 : i32
      %max3A_777 = arith.constant 0 : i32
      %max3A_778 = arith.maxsi %sub3A_776, %max3A_777 : i32
      %add3A_779 = arith.constant 3 : i32
      %add3A_780 = arith.addi %max3A_778, %add3A_779 : i32
      %jit3A_781 = arith.constant 4 : i32
      %div3A_782 = arith.divsi %add3A_780, %jit3A_781 : i32
      %sign3A_783 = arith.constant 0 : i32
      %sign3A_784 = arith.cmpi sgt, %add3A_780, %sign3A_783 : i32
      %sign3A_785 = arith.extui %sign3A_784 : i1 to i32
      %sign3A_786 = arith.constant 0 : i32
      %sign3A_787 = arith.cmpi slt, %add3A_780, %sign3A_786 : i32
      %sign3A_788 = arith.extui %sign3A_787 : i1 to i32
      %sign3A_789 = arith.subi %sign3A_785, %sign3A_788 : i32
      %sign3A_790 = arith.constant 0 : i32
      %sign3A_791 = arith.cmpi sgt, %jit3A_781, %sign3A_790 : i32
      %sign3A_792 = arith.extui %sign3A_791 : i1 to i32
      %sign3A_793 = arith.constant 0 : i32
      %sign3A_794 = arith.cmpi slt, %jit3A_781, %sign3A_793 : i32
      %sign3A_795 = arith.extui %sign3A_794 : i1 to i32
      %sign3A_796 = arith.subi %sign3A_792, %sign3A_795 : i32
      %ne3A_797 = arith.cmpi ne, %sign3A_789, %sign3A_796 : i32
      %rem3A_798 = arith.remsi %add3A_780, %jit3A_781 : i32
      %ne3A_799 = arith.constant 0 : i32
      %ne3A_800 = arith.cmpi ne, %rem3A_798, %ne3A_799 : i32
      %and3A_801 = arith.andi %ne3A_797, %ne3A_800 : i1
      %sub3A_802 = arith.constant 1 : i32
      %sub3A_803 = arith.subi %div3A_782, %sub3A_802 : i32
      %select_n3A_804 = arith.select %and3A_801, %sub3A_803, %div3A_782 : i32
      %parallel_loop3A_805 = arith.constant 0 : i32
      %parallel_loop3A_806 = arith.constant 1 : i32
      %parallel_loop3A_807:8 = scf.for %parallel_loop3A_1035 = %parallel_loop3A_805 to %select_n3A_804 step %parallel_loop3A_806 iter_args(%parallel_loop3A_1036 = %select_n3A_770, %parallel_loop3A_1037 = %select_n3A_771, %parallel_loop3A_1038 = %broadcast_in_dim3A_3, %parallel_loop3A_1039 = %broadcast_in_dim3A_3, %parallel_loop3A_1040 = %select_n3A_772, %parallel_loop3A_1041 = %select_n3A_773, %parallel_loop3A_1042 = %broadcast_in_dim3A_5, %parallel_loop3A_1043 = %broadcast_in_dim3A_5) -> (vector<16xf32>, vector<16xf32>, vector<16xf32>, vector<16xf32>, vector<16xf32>, vector<16xf32>, vector<16xf32>, vector<16xf32>)  : i32 {
        %parallel_loop3A_1044 = arith.constant 4 : i32
        %parallel_loop3A_1045 = arith.muli %parallel_loop3A_1035, %parallel_loop3A_1044 : i32
        %parallel_loop3A_1046 = arith.addi %add3A_775, %parallel_loop3A_1045 : i32
        %parallel_loop3A_1047 = arith.constant 1 : i32
        %parallel_loop3A_1048 = arith.addi %parallel_loop3A_1046, %parallel_loop3A_1047 : i32
        %parallel_loop3A_1049 = arith.constant 1 : i32
        %parallel_loop3A_1050 = arith.subi %select_n3A_741, %parallel_loop3A_1049 : i32
        %parallel_loop3A_1051 = arith.minsi %parallel_loop3A_1048, %parallel_loop3A_1050 : i32
        %parallel_loop3A_1052 = arith.constant 2 : i32
        %parallel_loop3A_1053 = arith.addi %parallel_loop3A_1046, %parallel_loop3A_1052 : i32
        %parallel_loop3A_1054 = arith.constant 1 : i32
        %parallel_loop3A_1055 = arith.subi %select_n3A_741, %parallel_loop3A_1054 : i32
        %parallel_loop3A_1056 = arith.minsi %parallel_loop3A_1053, %parallel_loop3A_1055 : i32
        %parallel_loop3A_1057 = arith.constant 3 : i32
        %parallel_loop3A_1058 = arith.addi %parallel_loop3A_1046, %parallel_loop3A_1057 : i32
        %parallel_loop3A_1059 = arith.constant 1 : i32
        %parallel_loop3A_1060 = arith.subi %select_n3A_741, %parallel_loop3A_1059 : i32
        %parallel_loop3A_1061 = arith.minsi %parallel_loop3A_1058, %parallel_loop3A_1060 : i32
        %parallel_loop3A_1062 = arith.constant 16 : i32
        %parallel_loop3A_1063 = arith.muli %parallel_loop3A_1046, %parallel_loop3A_1062 : i32
        %parallel_loop3A_1064 = arith.index_cast %scan3A_16 : i32 to index
        %parallel_loop3A_1065 = arith.index_cast %parallel_loop3A_1063 : i32 to index
        %parallel_loop3A_1066 = tpu.vector_load %arg5[%parallel_loop3A_1064, %parallel_loop3A_1065] {strides = array<i32>} : memref<4x2048xf32, #tpu.memory_space<vmem>>, vector<16xf32>,
        %parallel_loop3A_1067 = arith.constant 16 : i32
        %parallel_loop3A_1068 = arith.muli %parallel_loop3A_1051, %parallel_loop3A_1067 : i32
        %parallel_loop3A_1069 = arith.index_cast %scan3A_16 : i32 to index
        %parallel_loop3A_1070 = arith.index_cast %parallel_loop3A_1068 : i32 to index
        %parallel_loop3A_1071 = tpu.vector_load %arg5[%parallel_loop3A_1069, %parallel_loop3A_1070] {strides = array<i32>} : memref<4x2048xf32, #tpu.memory_space<vmem>>, vector<16xf32>,
        %parallel_loop3A_1072 = arith.constant 16 : i32
        %parallel_loop3A_1073 = arith.muli %parallel_loop3A_1056, %parallel_loop3A_1072 : i32
        %parallel_loop3A_1074 = arith.index_cast %scan3A_16 : i32 to index
        %parallel_loop3A_1075 = arith.index_cast %parallel_loop3A_1073 : i32 to index
        %parallel_loop3A_1076 = tpu.vector_load %arg5[%parallel_loop3A_1074, %parallel_loop3A_1075] {strides = array<i32>} : memref<4x2048xf32, #tpu.memory_space<vmem>>, vector<16xf32>,
        %parallel_loop3A_1077 = arith.constant 16 : i32
        %parallel_loop3A_1078 = arith.muli %parallel_loop3A_1061, %parallel_loop3A_1077 : i32
        %parallel_loop3A_1079 = arith.index_cast %scan3A_16 : i32 to index
        %parallel_loop3A_1080 = arith.index_cast %parallel_loop3A_1078 : i32 to index
        %parallel_loop3A_1081 = tpu.vector_load %arg5[%parallel_loop3A_1079, %parallel_loop3A_1080] {strides = array<i32>} : memref<4x2048xf32, #tpu.memory_space<vmem>>, vector<16xf32>,
        %parallel_loop3A_1082 = arith.maximumf %parallel_loop3A_1036, %parallel_loop3A_1066 : vector<16xf32>
        %parallel_loop3A_1083 = arith.maximumf %parallel_loop3A_1037, %parallel_loop3A_1071 : vector<16xf32>
        %parallel_loop3A_1084 = arith.maximumf %parallel_loop3A_1038, %parallel_loop3A_1076 : vector<16xf32>
        %parallel_loop3A_1085 = arith.maximumf %parallel_loop3A_1039, %parallel_loop3A_1081 : vector<16xf32>
        %parallel_loop3A_1086 = arith.minimumf %parallel_loop3A_1040, %parallel_loop3A_1066 : vector<16xf32>
        %parallel_loop3A_1087 = arith.minimumf %parallel_loop3A_1041, %parallel_loop3A_1071 : vector<16xf32>
        %parallel_loop3A_1088 = arith.minimumf %parallel_loop3A_1042, %parallel_loop3A_1076 : vector<16xf32>
        %parallel_loop3A_1089 = arith.minimumf %parallel_loop3A_1043, %parallel_loop3A_1081 : vector<16xf32>
        scf.yield %parallel_loop3A_1082, %parallel_loop3A_1083, %parallel_loop3A_1084, %parallel_loop3A_1085, %parallel_loop3A_1086, %parallel_loop3A_1087, %parallel_loop3A_1088, %parallel_loop3A_1089 : vector<16xf32>, vector<16xf32>, vector<16xf32>, vector<16xf32>, vector<16xf32>, vector<16xf32>, vector<16xf32>, vector<16xf32>
      } {sc.loop_unroll_factor = 2 : i64, sc.parallel_access}
      %max3A_808 = arith.maximumf %parallel_loop3A_807#0, %parallel_loop3A_807#1 : vector<16xf32>
      %max3A_809 = arith.maximumf %parallel_loop3A_807#2, %parallel_loop3A_807#3 : vector<16xf32>
      %max3A_810 = arith.maximumf %max3A_808, %max3A_809 : vector<16xf32>
      %min3A_811 = arith.minimumf %parallel_loop3A_807#4, %parallel_loop3A_807#5 : vector<16xf32>
      %min3A_812 = arith.minimumf %parallel_loop3A_807#6, %parallel_loop3A_807#7 : vector<16xf32>
      %min3A_813 = arith.minimumf %min3A_811, %min3A_812 : vector<16xf32>
      %reduce_max3A_814 = arith.constant true
      %reduce_max3A_815 = vector.broadcast %reduce_max3A_814 : i1 to vector<16xi1>
      %reduce_max3A_816 = tpu.scan <max>, %max3A_810 masked %reduce_max3A_815 : vector<16xf32>, vector<16xi1> -> vector<16xf32>
      %reduce_max3A_817 = vector.extract %reduce_max3A_816[15] : f32 from vector<16xf32>
      %reduce_min3A_818 = arith.constant true
      %reduce_min3A_819 = vector.broadcast %reduce_min3A_818 : i1 to vector<16xi1>
      %reduce_min3A_820 = tpu.scan <min>, %min3A_813 masked %reduce_min3A_819 : vector<16xf32>, vector<16xi1> -> vector<16xf32>
      %reduce_min3A_821 = vector.extract %reduce_min3A_820[15] : f32 from vector<16xf32>
      %eq3A_822 = arith.constant 3 : i32
      %eq3A_823 = vector.broadcast %eq3A_822 : i32 to vector<16xi32>
      %eq3A_824 = arith.cmpi eq, %iota3A, %eq3A_823 : vector<16xi32>
      %broadcast_in_dim3A_825 = vector.broadcast %reduce_max3A_817 : f32 to vector<16xf32>
      %select_n3A_826 = arith.select %eq3A_824, %broadcast_in_dim3A_825, %select_n3A_637 : vector<16xi1>, vector<16xf32>
      %eq3A_827 = arith.constant 8 : i32
      %eq3A_828 = vector.broadcast %eq3A_827 : i32 to vector<16xi32>
      %eq3A_829 = arith.cmpi eq, %iota3A, %eq3A_828 : vector<16xi32>
      %broadcast_in_dim3A_830 = vector.broadcast %reduce_min3A_821 : f32 to vector<16xf32>
      %select_n3A_831 = arith.select %eq3A_829, %broadcast_in_dim3A_830, %select_n3A_826 : vector<16xi1>, vector<16xf32>
      %mul3A_832 = arith.constant 4 : i32
      %mul3A_833 = arith.muli %mul3A_832, %convert_element_type3A_60 : i32
      %jit3A_834 = arith.constant 5 : i32
      %div3A_835 = arith.divsi %mul3A_833, %jit3A_834 : i32
      %sign3A_836 = arith.constant 0 : i32
      %sign3A_837 = arith.cmpi sgt, %mul3A_833, %sign3A_836 : i32
      %sign3A_838 = arith.extui %sign3A_837 : i1 to i32
      %sign3A_839 = arith.constant 0 : i32
      %sign3A_840 = arith.cmpi slt, %mul3A_833, %sign3A_839 : i32
      %sign3A_841 = arith.extui %sign3A_840 : i1 to i32
      %sign3A_842 = arith.subi %sign3A_838, %sign3A_841 : i32
      %sign3A_843 = arith.constant 0 : i32
      %sign3A_844 = arith.cmpi sgt, %jit3A_834, %sign3A_843 : i32
      %sign3A_845 = arith.extui %sign3A_844 : i1 to i32
      %sign3A_846 = arith.constant 0 : i32
      %sign3A_847 = arith.cmpi slt, %jit3A_834, %sign3A_846 : i32
      %sign3A_848 = arith.extui %sign3A_847 : i1 to i32
      %sign3A_849 = arith.subi %sign3A_845, %sign3A_848 : i32
      %ne3A_850 = arith.cmpi ne, %sign3A_842, %sign3A_849 : i32
      %rem3A_851 = arith.remsi %mul3A_833, %jit3A_834 : i32
      %ne3A_852 = arith.constant 0 : i32
      %ne3A_853 = arith.cmpi ne, %rem3A_851, %ne3A_852 : i32
      %and3A_854 = arith.andi %ne3A_850, %ne3A_853 : i1
      %sub3A_855 = arith.constant 1 : i32
      %sub3A_856 = arith.subi %div3A_835, %sub3A_855 : i32
      %select_n3A_857 = arith.select %and3A_854, %sub3A_856, %div3A_835 : i32
      %mul3A_858 = arith.constant 5 : i32
      %mul3A_859 = arith.muli %mul3A_858, %convert_element_type3A_60 : i32
      %add3A_860 = arith.constant 4 : i32
      %add3A_861 = arith.addi %mul3A_859, %add3A_860 : i32
      %jit3A_862 = arith.constant 5 : i32
      %div3A_863 = arith.divsi %add3A_861, %jit3A_862 : i32
      %sign3A_864 = arith.constant 0 : i32
      %sign3A_865 = arith.cmpi sgt, %add3A_861, %sign3A_864 : i32
      %sign3A_866 = arith.extui %sign3A_865 : i1 to i32
      %sign3A_867 = arith.constant 0 : i32
      %sign3A_868 = arith.cmpi slt, %add3A_861, %sign3A_867 : i32
      %sign3A_869 = arith.extui %sign3A_868 : i1 to i32
      %sign3A_870 = arith.subi %sign3A_866, %sign3A_869 : i32
      %sign3A_871 = arith.constant 0 : i32
      %sign3A_872 = arith.cmpi sgt, %jit3A_862, %sign3A_871 : i32
      %sign3A_873 = arith.extui %sign3A_872 : i1 to i32
      %sign3A_874 = arith.constant 0 : i32
      %sign3A_875 = arith.cmpi slt, %jit3A_862, %sign3A_874 : i32
      %sign3A_876 = arith.extui %sign3A_875 : i1 to i32
      %sign3A_877 = arith.subi %sign3A_873, %sign3A_876 : i32
      %ne3A_878 = arith.cmpi ne, %sign3A_870, %sign3A_877 : i32
      %rem3A_879 = arith.remsi %add3A_861, %jit3A_862 : i32
      %ne3A_880 = arith.constant 0 : i32
      %ne3A_881 = arith.cmpi ne, %rem3A_879, %ne3A_880 : i32
      %and3A_882 = arith.andi %ne3A_878, %ne3A_881 : i1
      %sub3A_883 = arith.constant 1 : i32
      %sub3A_884 = arith.subi %div3A_863, %sub3A_883 : i32
      %select_n3A_885 = arith.select %and3A_882, %sub3A_884, %div3A_863 : i32
      %jit3A_886 = arith.constant 16 : i32
      %div3A_887 = arith.divsi %select_n3A_857, %jit3A_886 : i32
      %sign3A_888 = arith.constant 0 : i32
      %sign3A_889 = arith.cmpi sgt, %select_n3A_857, %sign3A_888 : i32
      %sign3A_890 = arith.extui %sign3A_889 : i1 to i32
      %sign3A_891 = arith.constant 0 : i32
      %sign3A_892 = arith.cmpi slt, %select_n3A_857, %sign3A_891 : i32
      %sign3A_893 = arith.extui %sign3A_892 : i1 to i32
      %sign3A_894 = arith.subi %sign3A_890, %sign3A_893 : i32
      %sign3A_895 = arith.constant 0 : i32
      %sign3A_896 = arith.cmpi sgt, %jit3A_886, %sign3A_895 : i32
      %sign3A_897 = arith.extui %sign3A_896 : i1 to i32
      %sign3A_898 = arith.constant 0 : i32
      %sign3A_899 = arith.cmpi slt, %jit3A_886, %sign3A_898 : i32
      %sign3A_900 = arith.extui %sign3A_899 : i1 to i32
      %sign3A_901 = arith.subi %sign3A_897, %sign3A_900 : i32
      %ne3A_902 = arith.cmpi ne, %sign3A_894, %sign3A_901 : i32
      %rem3A_903 = arith.remsi %select_n3A_857, %jit3A_886 : i32
      %ne3A_904 = arith.constant 0 : i32
      %ne3A_905 = arith.cmpi ne, %rem3A_903, %ne3A_904 : i32
      %and3A_906 = arith.andi %ne3A_902, %ne3A_905 : i1
      %sub3A_907 = arith.constant 1 : i32
      %sub3A_908 = arith.subi %div3A_887, %sub3A_907 : i32
      %select_n3A_909 = arith.select %and3A_906, %sub3A_908, %div3A_887 : i32
      %sub3A_910 = arith.constant 1 : i32
      %sub3A_911 = arith.subi %select_n3A_885, %sub3A_910 : i32
      %jit3A_912 = arith.constant 16 : i32
      %div3A_913 = arith.divsi %sub3A_911, %jit3A_912 : i32
      %sign3A_914 = arith.constant 0 : i32
      %sign3A_915 = arith.cmpi sgt, %sub3A_911, %sign3A_914 : i32
      %sign3A_916 = arith.extui %sign3A_915 : i1 to i32
      %sign3A_917 = arith.constant 0 : i32
      %sign3A_918 = arith.cmpi slt, %sub3A_911, %sign3A_917 : i32
      %sign3A_919 = arith.extui %sign3A_918 : i1 to i32
      %sign3A_920 = arith.subi %sign3A_916, %sign3A_919 : i32
      %sign3A_921 = arith.constant 0 : i32
      %sign3A_922 = arith.cmpi sgt, %jit3A_912, %sign3A_921 : i32
      %sign3A_923 = arith.extui %sign3A_922 : i1 to i32
      %sign3A_924 = arith.constant 0 : i32
      %sign3A_925 = arith.cmpi slt, %jit3A_912, %sign3A_924 : i32
      %sign3A_926 = arith.extui %sign3A_925 : i1 to i32
      %sign3A_927 = arith.subi %sign3A_923, %sign3A_926 : i32
      %ne3A_928 = arith.cmpi ne, %sign3A_920, %sign3A_927 : i32
      %rem3A_929 = arith.remsi %sub3A_911, %jit3A_912 : i32
      %ne3A_930 = arith.constant 0 : i32
      %ne3A_931 = arith.cmpi ne, %rem3A_929, %ne3A_930 : i32
      %and3A_932 = arith.andi %ne3A_928, %ne3A_931 : i1
      %sub3A_933 = arith.constant 1 : i32
      %sub3A_934 = arith.subi %div3A_913, %sub3A_933 : i32
      %select_n3A_935 = arith.select %and3A_932, %sub3A_934, %div3A_913 : i32
      %mul3A_936 = arith.constant 16 : i32
      %mul3A_937 = arith.muli %select_n3A_909, %mul3A_936 : i32
      %get3A_938 = arith.index_cast %scan3A_16 : i32 to index
      %get3A_939 = arith.index_cast %mul3A_937 : i32 to index
      %get3A_940 = tpu.vector_load %arg5[%get3A_938, %get3A_939] {strides = array<i32>} : memref<4x2048xf32, #tpu.memory_space<vmem>>, vector<16xf32>,
      %mul3A_941 = arith.constant 16 : i32
      %mul3A_942 = arith.muli %select_n3A_909, %mul3A_941 : i32
      %add3A_943 = vector.broadcast %mul3A_942 : i32 to vector<16xi32>
      %add3A_944 = arith.addi %add3A_943, %iota3A : vector<16xi32>
      %ge3A_945 = vector.broadcast %select_n3A_857 : i32 to vector<16xi32>
      %ge3A_946 = arith.cmpi sge, %add3A_944, %ge3A_945 : vector<16xi32>
      %lt3A_947 = vector.broadcast %select_n3A_885 : i32 to vector<16xi32>
      %lt3A_948 = arith.cmpi slt, %add3A_944, %lt3A_947 : vector<16xi32>
      %and3A_949 = arith.andi %ge3A_946, %lt3A_948 : vector<16xi1>
      %mul3A_950 = arith.constant 16 : i32
      %mul3A_951 = arith.muli %select_n3A_935, %mul3A_950 : i32
      %get3A_952 = arith.index_cast %scan3A_16 : i32 to index
      %get3A_953 = arith.index_cast %mul3A_951 : i32 to index
      %get3A_954 = tpu.vector_load %arg5[%get3A_952, %get3A_953] {strides = array<i32>} : memref<4x2048xf32, #tpu.memory_space<vmem>>, vector<16xf32>,
      %mul3A_955 = arith.constant 16 : i32
      %mul3A_956 = arith.muli %select_n3A_935, %mul3A_955 : i32
      %add3A_957 = vector.broadcast %mul3A_956 : i32 to vector<16xi32>
      %add3A_958 = arith.addi %add3A_957, %iota3A : vector<16xi32>
      %ge3A_959 = vector.broadcast %select_n3A_857 : i32 to vector<16xi32>
      %ge3A_960 = arith.cmpi sge, %add3A_958, %ge3A_959 : vector<16xi32>
      %lt3A_961 = vector.broadcast %select_n3A_885 : i32 to vector<16xi32>
      %lt3A_962 = arith.cmpi slt, %add3A_958, %lt3A_961 : vector<16xi32>
      %and3A_963 = arith.andi %ge3A_960, %lt3A_962 : vector<16xi1>
      %select_n3A_964 = arith.select %and3A_949, %get3A_940, %broadcast_in_dim3A_3 : vector<16xi1>, vector<16xf32>
      %select_n3A_965 = arith.select %and3A_963, %get3A_954, %broadcast_in_dim3A_3 : vector<16xi1>, vector<16xf32>
      %select_n3A_966 = arith.select %and3A_949, %get3A_940, %broadcast_in_dim3A_5 : vector<16xi1>, vector<16xf32>
      %select_n3A_967 = arith.select %and3A_963, %get3A_954, %broadcast_in_dim3A_5 : vector<16xi1>, vector<16xf32>
      %add3A_968 = arith.constant 1 : i32
      %add3A_969 = arith.addi %select_n3A_909, %add3A_968 : i32
      %sub3A_970 = arith.subi %select_n3A_935, %add3A_969 : i32
      %max3A_971 = arith.constant 0 : i32
      %max3A_972 = arith.maxsi %sub3A_970, %max3A_971 : i32
      %add3A_973 = arith.constant 3 : i32
      %add3A_974 = arith.addi %max3A_972, %add3A_973 : i32
      %jit3A_975 = arith.constant 4 : i32
      %div3A_976 = arith.divsi %add3A_974, %jit3A_975 : i32
      %sign3A_977 = arith.constant 0 : i32
      %sign3A_978 = arith.cmpi sgt, %add3A_974, %sign3A_977 : i32
      %sign3A_979 = arith.extui %sign3A_978 : i1 to i32
      %sign3A_980 = arith.constant 0 : i32
      %sign3A_981 = arith.cmpi slt, %add3A_974, %sign3A_980 : i32
      %sign3A_982 = arith.extui %sign3A_981 : i1 to i32
      %sign3A_983 = arith.subi %sign3A_979, %sign3A_982 : i32
      %sign3A_984 = arith.constant 0 : i32
      %sign3A_985 = arith.cmpi sgt, %jit3A_975, %sign3A_984 : i32
      %sign3A_986 = arith.extui %sign3A_985 : i1 to i32
      %sign3A_987 = arith.constant 0 : i32
      %sign3A_988 = arith.cmpi slt, %jit3A_975, %sign3A_987 : i32
      %sign3A_989 = arith.extui %sign3A_988 : i1 to i32
      %sign3A_990 = arith.subi %sign3A_986, %sign3A_989 : i32
      %ne3A_991 = arith.cmpi ne, %sign3A_983, %sign3A_990 : i32
      %rem3A_992 = arith.remsi %add3A_974, %jit3A_975 : i32
      %ne3A_993 = arith.constant 0 : i32
      %ne3A_994 = arith.cmpi ne, %rem3A_992, %ne3A_993 : i32
      %and3A_995 = arith.andi %ne3A_991, %ne3A_994 : i1
      %sub3A_996 = arith.constant 1 : i32
      %sub3A_997 = arith.subi %div3A_976, %sub3A_996 : i32
      %select_n3A_998 = arith.select %and3A_995, %sub3A_997, %div3A_976 : i32
      %parallel_loop3A_999 = arith.constant 0 : i32
      %parallel_loop3A_1000 = arith.constant 1 : i32
      %parallel_loop3A_1001:8 = scf.for %parallel_loop3A_1035 = %parallel_loop3A_999 to %select_n3A_998 step %parallel_loop3A_1000 iter_args(%parallel_loop3A_1036 = %select_n3A_964, %parallel_loop3A_1037 = %select_n3A_965, %parallel_loop3A_1038 = %broadcast_in_dim3A_3, %parallel_loop3A_1039 = %broadcast_in_dim3A_3, %parallel_loop3A_1040 = %select_n3A_966, %parallel_loop3A_1041 = %select_n3A_967, %parallel_loop3A_1042 = %broadcast_in_dim3A_5, %parallel_loop3A_1043 = %broadcast_in_dim3A_5) -> (vector<16xf32>, vector<16xf32>, vector<16xf32>, vector<16xf32>, vector<16xf32>, vector<16xf32>, vector<16xf32>, vector<16xf32>)  : i32 {
        %parallel_loop3A_1044 = arith.constant 4 : i32
        %parallel_loop3A_1045 = arith.muli %parallel_loop3A_1035, %parallel_loop3A_1044 : i32
        %parallel_loop3A_1046 = arith.addi %add3A_969, %parallel_loop3A_1045 : i32
        %parallel_loop3A_1047 = arith.constant 1 : i32
        %parallel_loop3A_1048 = arith.addi %parallel_loop3A_1046, %parallel_loop3A_1047 : i32
        %parallel_loop3A_1049 = arith.constant 1 : i32
        %parallel_loop3A_1050 = arith.subi %select_n3A_935, %parallel_loop3A_1049 : i32
        %parallel_loop3A_1051 = arith.minsi %parallel_loop3A_1048, %parallel_loop3A_1050 : i32
        %parallel_loop3A_1052 = arith.constant 2 : i32
        %parallel_loop3A_1053 = arith.addi %parallel_loop3A_1046, %parallel_loop3A_1052 : i32
        %parallel_loop3A_1054 = arith.constant 1 : i32
        %parallel_loop3A_1055 = arith.subi %select_n3A_935, %parallel_loop3A_1054 : i32
        %parallel_loop3A_1056 = arith.minsi %parallel_loop3A_1053, %parallel_loop3A_1055 : i32
        %parallel_loop3A_1057 = arith.constant 3 : i32
        %parallel_loop3A_1058 = arith.addi %parallel_loop3A_1046, %parallel_loop3A_1057 : i32
        %parallel_loop3A_1059 = arith.constant 1 : i32
        %parallel_loop3A_1060 = arith.subi %select_n3A_935, %parallel_loop3A_1059 : i32
        %parallel_loop3A_1061 = arith.minsi %parallel_loop3A_1058, %parallel_loop3A_1060 : i32
        %parallel_loop3A_1062 = arith.constant 16 : i32
        %parallel_loop3A_1063 = arith.muli %parallel_loop3A_1046, %parallel_loop3A_1062 : i32
        %parallel_loop3A_1064 = arith.index_cast %scan3A_16 : i32 to index
        %parallel_loop3A_1065 = arith.index_cast %parallel_loop3A_1063 : i32 to index
        %parallel_loop3A_1066 = tpu.vector_load %arg5[%parallel_loop3A_1064, %parallel_loop3A_1065] {strides = array<i32>} : memref<4x2048xf32, #tpu.memory_space<vmem>>, vector<16xf32>,
        %parallel_loop3A_1067 = arith.constant 16 : i32
        %parallel_loop3A_1068 = arith.muli %parallel_loop3A_1051, %parallel_loop3A_1067 : i32
        %parallel_loop3A_1069 = arith.index_cast %scan3A_16 : i32 to index
        %parallel_loop3A_1070 = arith.index_cast %parallel_loop3A_1068 : i32 to index
        %parallel_loop3A_1071 = tpu.vector_load %arg5[%parallel_loop3A_1069, %parallel_loop3A_1070] {strides = array<i32>} : memref<4x2048xf32, #tpu.memory_space<vmem>>, vector<16xf32>,
        %parallel_loop3A_1072 = arith.constant 16 : i32
        %parallel_loop3A_1073 = arith.muli %parallel_loop3A_1056, %parallel_loop3A_1072 : i32
        %parallel_loop3A_1074 = arith.index_cast %scan3A_16 : i32 to index
        %parallel_loop3A_1075 = arith.index_cast %parallel_loop3A_1073 : i32 to index
        %parallel_loop3A_1076 = tpu.vector_load %arg5[%parallel_loop3A_1074, %parallel_loop3A_1075] {strides = array<i32>} : memref<4x2048xf32, #tpu.memory_space<vmem>>, vector<16xf32>,
        %parallel_loop3A_1077 = arith.constant 16 : i32
        %parallel_loop3A_1078 = arith.muli %parallel_loop3A_1061, %parallel_loop3A_1077 : i32
        %parallel_loop3A_1079 = arith.index_cast %scan3A_16 : i32 to index
        %parallel_loop3A_1080 = arith.index_cast %parallel_loop3A_1078 : i32 to index
        %parallel_loop3A_1081 = tpu.vector_load %arg5[%parallel_loop3A_1079, %parallel_loop3A_1080] {strides = array<i32>} : memref<4x2048xf32, #tpu.memory_space<vmem>>, vector<16xf32>,
        %parallel_loop3A_1082 = arith.maximumf %parallel_loop3A_1036, %parallel_loop3A_1066 : vector<16xf32>
        %parallel_loop3A_1083 = arith.maximumf %parallel_loop3A_1037, %parallel_loop3A_1071 : vector<16xf32>
        %parallel_loop3A_1084 = arith.maximumf %parallel_loop3A_1038, %parallel_loop3A_1076 : vector<16xf32>
        %parallel_loop3A_1085 = arith.maximumf %parallel_loop3A_1039, %parallel_loop3A_1081 : vector<16xf32>
        %parallel_loop3A_1086 = arith.minimumf %parallel_loop3A_1040, %parallel_loop3A_1066 : vector<16xf32>
        %parallel_loop3A_1087 = arith.minimumf %parallel_loop3A_1041, %parallel_loop3A_1071 : vector<16xf32>
        %parallel_loop3A_1088 = arith.minimumf %parallel_loop3A_1042, %parallel_loop3A_1076 : vector<16xf32>
        %parallel_loop3A_1089 = arith.minimumf %parallel_loop3A_1043, %parallel_loop3A_1081 : vector<16xf32>
        scf.yield %parallel_loop3A_1082, %parallel_loop3A_1083, %parallel_loop3A_1084, %parallel_loop3A_1085, %parallel_loop3A_1086, %parallel_loop3A_1087, %parallel_loop3A_1088, %parallel_loop3A_1089 : vector<16xf32>, vector<16xf32>, vector<16xf32>, vector<16xf32>, vector<16xf32>, vector<16xf32>, vector<16xf32>, vector<16xf32>
      } {sc.loop_unroll_factor = 2 : i64, sc.parallel_access}
      %max3A_1002 = arith.maximumf %parallel_loop3A_1001#0, %parallel_loop3A_1001#1 : vector<16xf32>
      %max3A_1003 = arith.maximumf %parallel_loop3A_1001#2, %parallel_loop3A_1001#3 : vector<16xf32>
      %max3A_1004 = arith.maximumf %max3A_1002, %max3A_1003 : vector<16xf32>
      %min3A_1005 = arith.minimumf %parallel_loop3A_1001#4, %parallel_loop3A_1001#5 : vector<16xf32>
      %min3A_1006 = arith.minimumf %parallel_loop3A_1001#6, %parallel_loop3A_1001#7 : vector<16xf32>
      %min3A_1007 = arith.minimumf %min3A_1005, %min3A_1006 : vector<16xf32>
      %reduce_max3A_1008 = arith.constant true
      %reduce_max3A_1009 = vector.broadcast %reduce_max3A_1008 : i1 to vector<16xi1>
      %reduce_max3A_1010 = tpu.scan <max>, %max3A_1004 masked %reduce_max3A_1009 : vector<16xf32>, vector<16xi1> -> vector<16xf32>
      %reduce_max3A_1011 = vector.extract %reduce_max3A_1010[15] : f32 from vector<16xf32>
      %reduce_min3A_1012 = arith.constant true
      %reduce_min3A_1013 = vector.broadcast %reduce_min3A_1012 : i1 to vector<16xi1>
      %reduce_min3A_1014 = tpu.scan <min>, %min3A_1007 masked %reduce_min3A_1013 : vector<16xf32>, vector<16xi1> -> vector<16xf32>
      %reduce_min3A_1015 = vector.extract %reduce_min3A_1014[15] : f32 from vector<16xf32>
      %eq3A_1016 = arith.constant 4 : i32
      %eq3A_1017 = vector.broadcast %eq3A_1016 : i32 to vector<16xi32>
      %eq3A_1018 = arith.cmpi eq, %iota3A, %eq3A_1017 : vector<16xi32>
      %broadcast_in_dim3A_1019 = vector.broadcast %reduce_max3A_1011 : f32 to vector<16xf32>
      %select_n3A_1020 = arith.select %eq3A_1018, %broadcast_in_dim3A_1019, %select_n3A_831 : vector<16xi1>, vector<16xf32>
      %eq3A_1021 = arith.constant 9 : i32
      %eq3A_1022 = vector.broadcast %eq3A_1021 : i32 to vector<16xi32>
      %eq3A_1023 = arith.cmpi eq, %iota3A, %eq3A_1022 : vector<16xi32>
      %broadcast_in_dim3A_1024 = vector.broadcast %reduce_min3A_1015 : f32 to vector<16xf32>
      %select_n3A_1025 = arith.select %eq3A_1023, %broadcast_in_dim3A_1024, %select_n3A_1020 : vector<16xi1>, vector<16xf32>
      %sort3A = arith.constant dense<true> : vector<16xi1>
      %sort3A_1026, %sort3A_1027, %sort3A_1028 = tpu.sort %select_n3A_1025, %select_n3A_1025 masked %sort3A : (vector<16xf32>, vector<16xf32>, vector<16xi1>) -> (vector<16xi1>, vector<16xf32>, vector<16xf32>)
      %mul3A_1029 = arith.constant 2 : i32
      %mul3A_1030 = arith.muli %scan3A_16, %mul3A_1029 : i32
      %mul3A_1031 = arith.constant 5 : i32
      %mul3A_1032 = arith.muli %mul3A_1030, %mul3A_1031 : i32
      %swap3A = arith.index_cast %mul3A_1032 : i32 to index
      %swap3A_1033 = tpu.vector_load %arg6[%swap3A] {strides = array<i32>} : memref<56xf32, #tpu.memory_space<vmem>>, vector<16xf32>,
      tpu.vector_store %arg6[%swap3A], %sort3A_1027 {strides = array<i32>} : memref<56xf32, #tpu.memory_space<vmem>>, vector<16xf32>,
      %scan3A_1034 = arith.constant 0 : i32
      scf.yield %scan3A_1034 : i32
    }
    %scan3A_11 = arith.constant 4 : i32
    %mul3A_12 = arith.constant 2 : i32
    %mul3A_13 = arith.muli %mul3A_2, %mul3A_12 : i32
    %mul3A_14 = arith.constant 5 : i32
    %mul3A_15 = arith.muli %mul3A_13, %mul3A_14 : i32
    "tpu.region"() ({
      %run_scoped3A = tpu.sem_alloc : memref<!tpu.dma_semaphore, #tpu.memory_space<semaphore_mem>>
      %dma_start3A = arith.constant 0 : i32
      %dma_start3A_16 = tpu.memref_slice %arg6[%dma_start3A] : memref<56xf32, #tpu.memory_space<vmem>> -> memref<40xf32, #tpu.memory_space<vmem>>
      %dma_start3A_17 = tpu.memref_slice %arg4[%mul3A_15] : memref<1280xf32, #tpu.memory_space<hbm>> -> memref<40xf32, #tpu.memory_space<hbm>>
      %dma_start3A_18 = tpu.memref_slice %arg4[%mul3A_15] : memref<1280xf32, #tpu.memory_space<hbm>> -> memref<40xf32, #tpu.memory_space<hbm>>
      %dma_start3A_19 = arith.constant 0 : i32
      %dma_start3A_20 = tpu.memref_slice %arg6[%dma_start3A_19] : memref<56xf32, #tpu.memory_space<vmem>> -> memref<40xf32, #tpu.memory_space<vmem>>
      tpu.enqueue_dma source(%dma_start3A_20 : memref<40xf32, #tpu.memory_space<vmem>>) target(%dma_start3A_18 : memref<40xf32, #tpu.memory_space<hbm>>) target_semaphore(%run_scoped3A : memref<!tpu.dma_semaphore, #tpu.memory_space<semaphore_mem>>)
      %dma_wait3A = arith.constant 0 : i32
      %dma_wait3A_21 = tpu.memref_slice %arg6[%dma_wait3A] : memref<56xf32, #tpu.memory_space<vmem>> -> memref<40xf32, #tpu.memory_space<vmem>>
      %dma_wait3A_22 = tpu.memref_slice %arg4[%mul3A_15] : memref<1280xf32, #tpu.memory_space<hbm>> -> memref<40xf32, #tpu.memory_space<hbm>>
      %dma_wait3A_23 = tpu.memref_slice %arg4[%mul3A_15] : memref<1280xf32, #tpu.memory_space<hbm>> -> memref<40xf32, #tpu.memory_space<hbm>>
      %dma_wait3A_24 = arith.constant 0 : i32
      %dma_wait3A_25 = tpu.memref_slice %arg6[%dma_wait3A_24] : memref<56xf32, #tpu.memory_space<vmem>> -> memref<40xf32, #tpu.memory_space<vmem>>
      tpu.wait_dma2 semaphore(%run_scoped3A : memref<!tpu.dma_semaphore, #tpu.memory_space<semaphore_mem>>) src(%dma_wait3A_25 : memref<40xf32, #tpu.memory_space<vmem>>) dst(%dma_wait3A_23 : memref<40xf32, #tpu.memory_space<hbm>>)
      tpu.yield
    }) : () -> ()
    return
  }
}

module attributes {stable_mosaic.version = 14 : i64} {
  func.func @_tc_body(%arg0: i32, %arg1: memref<128x2048xf32, #tpu.memory_space<vmem>>, %arg2: memref<128x1xf32, #tpu.memory_space<vmem>>, %arg3: memref<128x10xf32, #tpu.memory_space<vmem>>) attributes {dimension_semantics = [#tpu.dimension_semantics<arbitrary>], iteration_bounds = array<i64: 7>, scalar_prefetch = 0 : i64, scratch_operands = 0 : i64, tpu.core_type = #tpu.core_type<tc>, window_params = [{transform_indices = @transform_0, window_bounds = array<i64: 128, 2048>}, {transform_indices = @transform_1, window_bounds = array<i64: 128, 1>}, {transform_indices = @transform_2, window_bounds = array<i64: 128, 10>}]} {
    %get3A = arith.constant 0 : index
    %get3A_0 = arith.constant 0 : index
    %get3A_1 = vector.load %arg1[%get3A, %get3A_0] : memref<128x2048xf32, #tpu.memory_space<vmem>>, vector<128x2048xf32>
    %get3A_2 = arith.constant 0 : index
    %get3A_3 = arith.constant 0 : index
    %get3A_4 = vector.load %arg2[%get3A_2, %get3A_3] : memref<128x1xf32, #tpu.memory_space<vmem>>, vector<128x1xf32>
    %convert_element_type3A = arith.fptosi %get3A_4 : vector<128x1xf32> to vector<128x1xi32>
    %iota3A = tpu.iota {dimensions = array<i32: 1>} : vector<128x2048xi32>
    %mul3A = arith.constant 0 : i32
    %mul3A_5 = vector.broadcast %mul3A : i32 to vector<128x1xi32>
    %mul3A_6 = arith.muli %mul3A_5, %convert_element_type3A : vector<128x1xi32>
    %jit3A = arith.constant 5 : i32
    %div3A = vector.broadcast %jit3A : i32 to vector<128x1xi32>
    %div3A_7 = arith.divsi %mul3A_6, %div3A : vector<128x1xi32>
    %sign3A = arith.constant 0 : i32
    %sign3A_8 = vector.broadcast %sign3A : i32 to vector<128x1xi32>
    %sign3A_9 = arith.cmpi sgt, %mul3A_6, %sign3A_8 : vector<128x1xi32>
    %sign3A_10 = arith.extui %sign3A_9 : vector<128x1xi1> to vector<128x1xi32>
    %sign3A_11 = arith.constant 0 : i32
    %sign3A_12 = vector.broadcast %sign3A_11 : i32 to vector<128x1xi32>
    %sign3A_13 = arith.cmpi slt, %mul3A_6, %sign3A_12 : vector<128x1xi32>
    %sign3A_14 = arith.extui %sign3A_13 : vector<128x1xi1> to vector<128x1xi32>
    %sign3A_15 = arith.subi %sign3A_10, %sign3A_14 : vector<128x1xi32>
    %sign3A_16 = arith.constant 0 : i32
    %sign3A_17 = arith.cmpi sgt, %jit3A, %sign3A_16 : i32
    %sign3A_18 = arith.extui %sign3A_17 : i1 to i32
    %sign3A_19 = arith.constant 0 : i32
    %sign3A_20 = arith.cmpi slt, %jit3A, %sign3A_19 : i32
    %sign3A_21 = arith.extui %sign3A_20 : i1 to i32
    %sign3A_22 = arith.subi %sign3A_18, %sign3A_21 : i32
    %ne3A = vector.broadcast %sign3A_22 : i32 to vector<128x1xi32>
    %ne3A_23 = arith.cmpi ne, %sign3A_15, %ne3A : vector<128x1xi32>
    %rem3A = vector.broadcast %jit3A : i32 to vector<128x1xi32>
    %rem3A_24 = arith.remsi %mul3A_6, %rem3A : vector<128x1xi32>
    %ne3A_25 = arith.constant 0 : i32
    %ne3A_26 = vector.broadcast %ne3A_25 : i32 to vector<128x1xi32>
    %ne3A_27 = arith.cmpi ne, %rem3A_24, %ne3A_26 : vector<128x1xi32>
    %and3A = arith.andi %ne3A_23, %ne3A_27 : vector<128x1xi1>
    %sub3A = arith.constant 1 : i32
    %sub3A_28 = vector.broadcast %sub3A : i32 to vector<128x1xi32>
    %sub3A_29 = arith.subi %div3A_7, %sub3A_28 : vector<128x1xi32>
    %select_n3A = arith.select %and3A, %sub3A_29, %div3A_7 : vector<128x1xi1>, vector<128x1xi32>
    %mul3A_30 = arith.constant 1 : i32
    %mul3A_31 = vector.broadcast %mul3A_30 : i32 to vector<128x1xi32>
    %mul3A_32 = arith.muli %mul3A_31, %convert_element_type3A : vector<128x1xi32>
    %add3A = arith.constant 4 : i32
    %add3A_33 = vector.broadcast %add3A : i32 to vector<128x1xi32>
    %add3A_34 = arith.addi %mul3A_32, %add3A_33 : vector<128x1xi32>
    %jit3A_35 = arith.constant 5 : i32
    %div3A_36 = vector.broadcast %jit3A_35 : i32 to vector<128x1xi32>
    %div3A_37 = arith.divsi %add3A_34, %div3A_36 : vector<128x1xi32>
    %sign3A_38 = arith.constant 0 : i32
    %sign3A_39 = vector.broadcast %sign3A_38 : i32 to vector<128x1xi32>
    %sign3A_40 = arith.cmpi sgt, %add3A_34, %sign3A_39 : vector<128x1xi32>
    %sign3A_41 = arith.extui %sign3A_40 : vector<128x1xi1> to vector<128x1xi32>
    %sign3A_42 = arith.constant 0 : i32
    %sign3A_43 = vector.broadcast %sign3A_42 : i32 to vector<128x1xi32>
    %sign3A_44 = arith.cmpi slt, %add3A_34, %sign3A_43 : vector<128x1xi32>
    %sign3A_45 = arith.extui %sign3A_44 : vector<128x1xi1> to vector<128x1xi32>
    %sign3A_46 = arith.subi %sign3A_41, %sign3A_45 : vector<128x1xi32>
    %sign3A_47 = arith.constant 0 : i32
    %sign3A_48 = arith.cmpi sgt, %jit3A_35, %sign3A_47 : i32
    %sign3A_49 = arith.extui %sign3A_48 : i1 to i32
    %sign3A_50 = arith.constant 0 : i32
    %sign3A_51 = arith.cmpi slt, %jit3A_35, %sign3A_50 : i32
    %sign3A_52 = arith.extui %sign3A_51 : i1 to i32
    %sign3A_53 = arith.subi %sign3A_49, %sign3A_52 : i32
    %ne3A_54 = vector.broadcast %sign3A_53 : i32 to vector<128x1xi32>
    %ne3A_55 = arith.cmpi ne, %sign3A_46, %ne3A_54 : vector<128x1xi32>
    %rem3A_56 = vector.broadcast %jit3A_35 : i32 to vector<128x1xi32>
    %rem3A_57 = arith.remsi %add3A_34, %rem3A_56 : vector<128x1xi32>
    %ne3A_58 = arith.constant 0 : i32
    %ne3A_59 = vector.broadcast %ne3A_58 : i32 to vector<128x1xi32>
    %ne3A_60 = arith.cmpi ne, %rem3A_57, %ne3A_59 : vector<128x1xi32>
    %and3A_61 = arith.andi %ne3A_55, %ne3A_60 : vector<128x1xi1>
    %sub3A_62 = arith.constant 1 : i32
    %sub3A_63 = vector.broadcast %sub3A_62 : i32 to vector<128x1xi32>
    %sub3A_64 = arith.subi %div3A_37, %sub3A_63 : vector<128x1xi32>
    %select_n3A_65 = arith.select %and3A_61, %sub3A_64, %div3A_37 : vector<128x1xi1>, vector<128x1xi32>
    %ge3A = vector.broadcast %select_n3A : vector<128x1xi32> to vector<128x2048xi32>
    %ge3A_66 = arith.cmpi sge, %iota3A, %ge3A : vector<128x2048xi32>
    %lt3A = vector.broadcast %select_n3A_65 : vector<128x1xi32> to vector<128x2048xi32>
    %lt3A_67 = arith.cmpi slt, %iota3A, %lt3A : vector<128x2048xi32>
    %and3A_68 = arith.andi %ge3A_66, %lt3A_67 : vector<128x2048xi1>
    %jit3A_69 = arith.constant 0xFF800000 : f32
    %broadcast_in_dim3A = vector.broadcast %jit3A_69 : f32 to vector<128x2048xf32>
    %select_n3A_70 = arith.select %and3A_68, %get3A_1, %broadcast_in_dim3A : vector<128x2048xi1>, vector<128x2048xf32>
    %reduce_max3A = arith.constant dense<0xFF800000> : vector<128xf32>
    %reduce_max3A_71 = vector.multi_reduction <maximumf>, %select_n3A_70, %reduce_max3A [1] : vector<128x2048xf32> to vector<128xf32>
    %broadcast_in_dim3A_72 = vector.shape_cast %reduce_max3A_71 : vector<128xf32> to vector<128x1xf32>
    %jit3A_73 = arith.constant 0x7F800000 : f32
    %broadcast_in_dim3A_74 = vector.broadcast %jit3A_73 : f32 to vector<128x2048xf32>
    %select_n3A_75 = arith.select %and3A_68, %get3A_1, %broadcast_in_dim3A_74 : vector<128x2048xi1>, vector<128x2048xf32>
    %reduce_min3A = arith.constant dense<0x7F800000> : vector<128xf32>
    %reduce_min3A_76 = vector.multi_reduction <minimumf>, %select_n3A_75, %reduce_min3A [1] : vector<128x2048xf32> to vector<128xf32>
    %broadcast_in_dim3A_77 = vector.shape_cast %reduce_min3A_76 : vector<128xf32> to vector<128x1xf32>
    %mul3A_78 = arith.constant 1 : i32
    %mul3A_79 = vector.broadcast %mul3A_78 : i32 to vector<128x1xi32>
    %mul3A_80 = arith.muli %mul3A_79, %convert_element_type3A : vector<128x1xi32>
    %jit3A_81 = arith.constant 5 : i32
    %div3A_82 = vector.broadcast %jit3A_81 : i32 to vector<128x1xi32>
    %div3A_83 = arith.divsi %mul3A_80, %div3A_82 : vector<128x1xi32>
    %sign3A_84 = arith.constant 0 : i32
    %sign3A_85 = vector.broadcast %sign3A_84 : i32 to vector<128x1xi32>
    %sign3A_86 = arith.cmpi sgt, %mul3A_80, %sign3A_85 : vector<128x1xi32>
    %sign3A_87 = arith.extui %sign3A_86 : vector<128x1xi1> to vector<128x1xi32>
    %sign3A_88 = arith.constant 0 : i32
    %sign3A_89 = vector.broadcast %sign3A_88 : i32 to vector<128x1xi32>
    %sign3A_90 = arith.cmpi slt, %mul3A_80, %sign3A_89 : vector<128x1xi32>
    %sign3A_91 = arith.extui %sign3A_90 : vector<128x1xi1> to vector<128x1xi32>
    %sign3A_92 = arith.subi %sign3A_87, %sign3A_91 : vector<128x1xi32>
    %sign3A_93 = arith.constant 0 : i32
    %sign3A_94 = arith.cmpi sgt, %jit3A_81, %sign3A_93 : i32
    %sign3A_95 = arith.extui %sign3A_94 : i1 to i32
    %sign3A_96 = arith.constant 0 : i32
    %sign3A_97 = arith.cmpi slt, %jit3A_81, %sign3A_96 : i32
    %sign3A_98 = arith.extui %sign3A_97 : i1 to i32
    %sign3A_99 = arith.subi %sign3A_95, %sign3A_98 : i32
    %ne3A_100 = vector.broadcast %sign3A_99 : i32 to vector<128x1xi32>
    %ne3A_101 = arith.cmpi ne, %sign3A_92, %ne3A_100 : vector<128x1xi32>
    %rem3A_102 = vector.broadcast %jit3A_81 : i32 to vector<128x1xi32>
    %rem3A_103 = arith.remsi %mul3A_80, %rem3A_102 : vector<128x1xi32>
    %ne3A_104 = arith.constant 0 : i32
    %ne3A_105 = vector.broadcast %ne3A_104 : i32 to vector<128x1xi32>
    %ne3A_106 = arith.cmpi ne, %rem3A_103, %ne3A_105 : vector<128x1xi32>
    %and3A_107 = arith.andi %ne3A_101, %ne3A_106 : vector<128x1xi1>
    %sub3A_108 = arith.constant 1 : i32
    %sub3A_109 = vector.broadcast %sub3A_108 : i32 to vector<128x1xi32>
    %sub3A_110 = arith.subi %div3A_83, %sub3A_109 : vector<128x1xi32>
    %select_n3A_111 = arith.select %and3A_107, %sub3A_110, %div3A_83 : vector<128x1xi1>, vector<128x1xi32>
    %mul3A_112 = arith.constant 2 : i32
    %mul3A_113 = vector.broadcast %mul3A_112 : i32 to vector<128x1xi32>
    %mul3A_114 = arith.muli %mul3A_113, %convert_element_type3A : vector<128x1xi32>
    %add3A_115 = arith.constant 4 : i32
    %add3A_116 = vector.broadcast %add3A_115 : i32 to vector<128x1xi32>
    %add3A_117 = arith.addi %mul3A_114, %add3A_116 : vector<128x1xi32>
    %jit3A_118 = arith.constant 5 : i32
    %div3A_119 = vector.broadcast %jit3A_118 : i32 to vector<128x1xi32>
    %div3A_120 = arith.divsi %add3A_117, %div3A_119 : vector<128x1xi32>
    %sign3A_121 = arith.constant 0 : i32
    %sign3A_122 = vector.broadcast %sign3A_121 : i32 to vector<128x1xi32>
    %sign3A_123 = arith.cmpi sgt, %add3A_117, %sign3A_122 : vector<128x1xi32>
    %sign3A_124 = arith.extui %sign3A_123 : vector<128x1xi1> to vector<128x1xi32>
    %sign3A_125 = arith.constant 0 : i32
    %sign3A_126 = vector.broadcast %sign3A_125 : i32 to vector<128x1xi32>
    %sign3A_127 = arith.cmpi slt, %add3A_117, %sign3A_126 : vector<128x1xi32>
    %sign3A_128 = arith.extui %sign3A_127 : vector<128x1xi1> to vector<128x1xi32>
    %sign3A_129 = arith.subi %sign3A_124, %sign3A_128 : vector<128x1xi32>
    %sign3A_130 = arith.constant 0 : i32
    %sign3A_131 = arith.cmpi sgt, %jit3A_118, %sign3A_130 : i32
    %sign3A_132 = arith.extui %sign3A_131 : i1 to i32
    %sign3A_133 = arith.constant 0 : i32
    %sign3A_134 = arith.cmpi slt, %jit3A_118, %sign3A_133 : i32
    %sign3A_135 = arith.extui %sign3A_134 : i1 to i32
    %sign3A_136 = arith.subi %sign3A_132, %sign3A_135 : i32
    %ne3A_137 = vector.broadcast %sign3A_136 : i32 to vector<128x1xi32>
    %ne3A_138 = arith.cmpi ne, %sign3A_129, %ne3A_137 : vector<128x1xi32>
    %rem3A_139 = vector.broadcast %jit3A_118 : i32 to vector<128x1xi32>
    %rem3A_140 = arith.remsi %add3A_117, %rem3A_139 : vector<128x1xi32>
    %ne3A_141 = arith.constant 0 : i32
    %ne3A_142 = vector.broadcast %ne3A_141 : i32 to vector<128x1xi32>
    %ne3A_143 = arith.cmpi ne, %rem3A_140, %ne3A_142 : vector<128x1xi32>
    %and3A_144 = arith.andi %ne3A_138, %ne3A_143 : vector<128x1xi1>
    %sub3A_145 = arith.constant 1 : i32
    %sub3A_146 = vector.broadcast %sub3A_145 : i32 to vector<128x1xi32>
    %sub3A_147 = arith.subi %div3A_120, %sub3A_146 : vector<128x1xi32>
    %select_n3A_148 = arith.select %and3A_144, %sub3A_147, %div3A_120 : vector<128x1xi1>, vector<128x1xi32>
    %ge3A_149 = vector.broadcast %select_n3A_111 : vector<128x1xi32> to vector<128x2048xi32>
    %ge3A_150 = arith.cmpi sge, %iota3A, %ge3A_149 : vector<128x2048xi32>
    %lt3A_151 = vector.broadcast %select_n3A_148 : vector<128x1xi32> to vector<128x2048xi32>
    %lt3A_152 = arith.cmpi slt, %iota3A, %lt3A_151 : vector<128x2048xi32>
    %and3A_153 = arith.andi %ge3A_150, %lt3A_152 : vector<128x2048xi1>
    %jit3A_154 = arith.constant 0xFF800000 : f32
    %broadcast_in_dim3A_155 = vector.broadcast %jit3A_154 : f32 to vector<128x2048xf32>
    %select_n3A_156 = arith.select %and3A_153, %get3A_1, %broadcast_in_dim3A_155 : vector<128x2048xi1>, vector<128x2048xf32>
    %reduce_max3A_157 = arith.constant dense<0xFF800000> : vector<128xf32>
    %reduce_max3A_158 = vector.multi_reduction <maximumf>, %select_n3A_156, %reduce_max3A_157 [1] : vector<128x2048xf32> to vector<128xf32>
    %broadcast_in_dim3A_159 = vector.shape_cast %reduce_max3A_158 : vector<128xf32> to vector<128x1xf32>
    %jit3A_160 = arith.constant 0x7F800000 : f32
    %broadcast_in_dim3A_161 = vector.broadcast %jit3A_160 : f32 to vector<128x2048xf32>
    %select_n3A_162 = arith.select %and3A_153, %get3A_1, %broadcast_in_dim3A_161 : vector<128x2048xi1>, vector<128x2048xf32>
    %reduce_min3A_163 = arith.constant dense<0x7F800000> : vector<128xf32>
    %reduce_min3A_164 = vector.multi_reduction <minimumf>, %select_n3A_162, %reduce_min3A_163 [1] : vector<128x2048xf32> to vector<128xf32>
    %broadcast_in_dim3A_165 = vector.shape_cast %reduce_min3A_164 : vector<128xf32> to vector<128x1xf32>
    %mul3A_166 = arith.constant 2 : i32
    %mul3A_167 = vector.broadcast %mul3A_166 : i32 to vector<128x1xi32>
    %mul3A_168 = arith.muli %mul3A_167, %convert_element_type3A : vector<128x1xi32>
    %jit3A_169 = arith.constant 5 : i32
    %div3A_170 = vector.broadcast %jit3A_169 : i32 to vector<128x1xi32>
    %div3A_171 = arith.divsi %mul3A_168, %div3A_170 : vector<128x1xi32>
    %sign3A_172 = arith.constant 0 : i32
    %sign3A_173 = vector.broadcast %sign3A_172 : i32 to vector<128x1xi32>
    %sign3A_174 = arith.cmpi sgt, %mul3A_168, %sign3A_173 : vector<128x1xi32>
    %sign3A_175 = arith.extui %sign3A_174 : vector<128x1xi1> to vector<128x1xi32>
    %sign3A_176 = arith.constant 0 : i32
    %sign3A_177 = vector.broadcast %sign3A_176 : i32 to vector<128x1xi32>
    %sign3A_178 = arith.cmpi slt, %mul3A_168, %sign3A_177 : vector<128x1xi32>
    %sign3A_179 = arith.extui %sign3A_178 : vector<128x1xi1> to vector<128x1xi32>
    %sign3A_180 = arith.subi %sign3A_175, %sign3A_179 : vector<128x1xi32>
    %sign3A_181 = arith.constant 0 : i32
    %sign3A_182 = arith.cmpi sgt, %jit3A_169, %sign3A_181 : i32
    %sign3A_183 = arith.extui %sign3A_182 : i1 to i32
    %sign3A_184 = arith.constant 0 : i32
    %sign3A_185 = arith.cmpi slt, %jit3A_169, %sign3A_184 : i32
    %sign3A_186 = arith.extui %sign3A_185 : i1 to i32
    %sign3A_187 = arith.subi %sign3A_183, %sign3A_186 : i32
    %ne3A_188 = vector.broadcast %sign3A_187 : i32 to vector<128x1xi32>
    %ne3A_189 = arith.cmpi ne, %sign3A_180, %ne3A_188 : vector<128x1xi32>
    %rem3A_190 = vector.broadcast %jit3A_169 : i32 to vector<128x1xi32>
    %rem3A_191 = arith.remsi %mul3A_168, %rem3A_190 : vector<128x1xi32>
    %ne3A_192 = arith.constant 0 : i32
    %ne3A_193 = vector.broadcast %ne3A_192 : i32 to vector<128x1xi32>
    %ne3A_194 = arith.cmpi ne, %rem3A_191, %ne3A_193 : vector<128x1xi32>
    %and3A_195 = arith.andi %ne3A_189, %ne3A_194 : vector<128x1xi1>
    %sub3A_196 = arith.constant 1 : i32
    %sub3A_197 = vector.broadcast %sub3A_196 : i32 to vector<128x1xi32>
    %sub3A_198 = arith.subi %div3A_171, %sub3A_197 : vector<128x1xi32>
    %select_n3A_199 = arith.select %and3A_195, %sub3A_198, %div3A_171 : vector<128x1xi1>, vector<128x1xi32>
    %mul3A_200 = arith.constant 3 : i32
    %mul3A_201 = vector.broadcast %mul3A_200 : i32 to vector<128x1xi32>
    %mul3A_202 = arith.muli %mul3A_201, %convert_element_type3A : vector<128x1xi32>
    %add3A_203 = arith.constant 4 : i32
    %add3A_204 = vector.broadcast %add3A_203 : i32 to vector<128x1xi32>
    %add3A_205 = arith.addi %mul3A_202, %add3A_204 : vector<128x1xi32>
    %jit3A_206 = arith.constant 5 : i32
    %div3A_207 = vector.broadcast %jit3A_206 : i32 to vector<128x1xi32>
    %div3A_208 = arith.divsi %add3A_205, %div3A_207 : vector<128x1xi32>
    %sign3A_209 = arith.constant 0 : i32
    %sign3A_210 = vector.broadcast %sign3A_209 : i32 to vector<128x1xi32>
    %sign3A_211 = arith.cmpi sgt, %add3A_205, %sign3A_210 : vector<128x1xi32>
    %sign3A_212 = arith.extui %sign3A_211 : vector<128x1xi1> to vector<128x1xi32>
    %sign3A_213 = arith.constant 0 : i32
    %sign3A_214 = vector.broadcast %sign3A_213 : i32 to vector<128x1xi32>
    %sign3A_215 = arith.cmpi slt, %add3A_205, %sign3A_214 : vector<128x1xi32>
    %sign3A_216 = arith.extui %sign3A_215 : vector<128x1xi1> to vector<128x1xi32>
    %sign3A_217 = arith.subi %sign3A_212, %sign3A_216 : vector<128x1xi32>
    %sign3A_218 = arith.constant 0 : i32
    %sign3A_219 = arith.cmpi sgt, %jit3A_206, %sign3A_218 : i32
    %sign3A_220 = arith.extui %sign3A_219 : i1 to i32
    %sign3A_221 = arith.constant 0 : i32
    %sign3A_222 = arith.cmpi slt, %jit3A_206, %sign3A_221 : i32
    %sign3A_223 = arith.extui %sign3A_222 : i1 to i32
    %sign3A_224 = arith.subi %sign3A_220, %sign3A_223 : i32
    %ne3A_225 = vector.broadcast %sign3A_224 : i32 to vector<128x1xi32>
    %ne3A_226 = arith.cmpi ne, %sign3A_217, %ne3A_225 : vector<128x1xi32>
    %rem3A_227 = vector.broadcast %jit3A_206 : i32 to vector<128x1xi32>
    %rem3A_228 = arith.remsi %add3A_205, %rem3A_227 : vector<128x1xi32>
    %ne3A_229 = arith.constant 0 : i32
    %ne3A_230 = vector.broadcast %ne3A_229 : i32 to vector<128x1xi32>
    %ne3A_231 = arith.cmpi ne, %rem3A_228, %ne3A_230 : vector<128x1xi32>
    %and3A_232 = arith.andi %ne3A_226, %ne3A_231 : vector<128x1xi1>
    %sub3A_233 = arith.constant 1 : i32
    %sub3A_234 = vector.broadcast %sub3A_233 : i32 to vector<128x1xi32>
    %sub3A_235 = arith.subi %div3A_208, %sub3A_234 : vector<128x1xi32>
    %select_n3A_236 = arith.select %and3A_232, %sub3A_235, %div3A_208 : vector<128x1xi1>, vector<128x1xi32>
    %ge3A_237 = vector.broadcast %select_n3A_199 : vector<128x1xi32> to vector<128x2048xi32>
    %ge3A_238 = arith.cmpi sge, %iota3A, %ge3A_237 : vector<128x2048xi32>
    %lt3A_239 = vector.broadcast %select_n3A_236 : vector<128x1xi32> to vector<128x2048xi32>
    %lt3A_240 = arith.cmpi slt, %iota3A, %lt3A_239 : vector<128x2048xi32>
    %and3A_241 = arith.andi %ge3A_238, %lt3A_240 : vector<128x2048xi1>
    %jit3A_242 = arith.constant 0xFF800000 : f32
    %broadcast_in_dim3A_243 = vector.broadcast %jit3A_242 : f32 to vector<128x2048xf32>
    %select_n3A_244 = arith.select %and3A_241, %get3A_1, %broadcast_in_dim3A_243 : vector<128x2048xi1>, vector<128x2048xf32>
    %reduce_max3A_245 = arith.constant dense<0xFF800000> : vector<128xf32>
    %reduce_max3A_246 = vector.multi_reduction <maximumf>, %select_n3A_244, %reduce_max3A_245 [1] : vector<128x2048xf32> to vector<128xf32>
    %broadcast_in_dim3A_247 = vector.shape_cast %reduce_max3A_246 : vector<128xf32> to vector<128x1xf32>
    %jit3A_248 = arith.constant 0x7F800000 : f32
    %broadcast_in_dim3A_249 = vector.broadcast %jit3A_248 : f32 to vector<128x2048xf32>
    %select_n3A_250 = arith.select %and3A_241, %get3A_1, %broadcast_in_dim3A_249 : vector<128x2048xi1>, vector<128x2048xf32>
    %reduce_min3A_251 = arith.constant dense<0x7F800000> : vector<128xf32>
    %reduce_min3A_252 = vector.multi_reduction <minimumf>, %select_n3A_250, %reduce_min3A_251 [1] : vector<128x2048xf32> to vector<128xf32>
    %broadcast_in_dim3A_253 = vector.shape_cast %reduce_min3A_252 : vector<128xf32> to vector<128x1xf32>
    %mul3A_254 = arith.constant 3 : i32
    %mul3A_255 = vector.broadcast %mul3A_254 : i32 to vector<128x1xi32>
    %mul3A_256 = arith.muli %mul3A_255, %convert_element_type3A : vector<128x1xi32>
    %jit3A_257 = arith.constant 5 : i32
    %div3A_258 = vector.broadcast %jit3A_257 : i32 to vector<128x1xi32>
    %div3A_259 = arith.divsi %mul3A_256, %div3A_258 : vector<128x1xi32>
    %sign3A_260 = arith.constant 0 : i32
    %sign3A_261 = vector.broadcast %sign3A_260 : i32 to vector<128x1xi32>
    %sign3A_262 = arith.cmpi sgt, %mul3A_256, %sign3A_261 : vector<128x1xi32>
    %sign3A_263 = arith.extui %sign3A_262 : vector<128x1xi1> to vector<128x1xi32>
    %sign3A_264 = arith.constant 0 : i32
    %sign3A_265 = vector.broadcast %sign3A_264 : i32 to vector<128x1xi32>
    %sign3A_266 = arith.cmpi slt, %mul3A_256, %sign3A_265 : vector<128x1xi32>
    %sign3A_267 = arith.extui %sign3A_266 : vector<128x1xi1> to vector<128x1xi32>
    %sign3A_268 = arith.subi %sign3A_263, %sign3A_267 : vector<128x1xi32>
    %sign3A_269 = arith.constant 0 : i32
    %sign3A_270 = arith.cmpi sgt, %jit3A_257, %sign3A_269 : i32
    %sign3A_271 = arith.extui %sign3A_270 : i1 to i32
    %sign3A_272 = arith.constant 0 : i32
    %sign3A_273 = arith.cmpi slt, %jit3A_257, %sign3A_272 : i32
    %sign3A_274 = arith.extui %sign3A_273 : i1 to i32
    %sign3A_275 = arith.subi %sign3A_271, %sign3A_274 : i32
    %ne3A_276 = vector.broadcast %sign3A_275 : i32 to vector<128x1xi32>
    %ne3A_277 = arith.cmpi ne, %sign3A_268, %ne3A_276 : vector<128x1xi32>
    %rem3A_278 = vector.broadcast %jit3A_257 : i32 to vector<128x1xi32>
    %rem3A_279 = arith.remsi %mul3A_256, %rem3A_278 : vector<128x1xi32>
    %ne3A_280 = arith.constant 0 : i32
    %ne3A_281 = vector.broadcast %ne3A_280 : i32 to vector<128x1xi32>
    %ne3A_282 = arith.cmpi ne, %rem3A_279, %ne3A_281 : vector<128x1xi32>
    %and3A_283 = arith.andi %ne3A_277, %ne3A_282 : vector<128x1xi1>
    %sub3A_284 = arith.constant 1 : i32
    %sub3A_285 = vector.broadcast %sub3A_284 : i32 to vector<128x1xi32>
    %sub3A_286 = arith.subi %div3A_259, %sub3A_285 : vector<128x1xi32>
    %select_n3A_287 = arith.select %and3A_283, %sub3A_286, %div3A_259 : vector<128x1xi1>, vector<128x1xi32>
    %mul3A_288 = arith.constant 4 : i32
    %mul3A_289 = vector.broadcast %mul3A_288 : i32 to vector<128x1xi32>
    %mul3A_290 = arith.muli %mul3A_289, %convert_element_type3A : vector<128x1xi32>
    %add3A_291 = arith.constant 4 : i32
    %add3A_292 = vector.broadcast %add3A_291 : i32 to vector<128x1xi32>
    %add3A_293 = arith.addi %mul3A_290, %add3A_292 : vector<128x1xi32>
    %jit3A_294 = arith.constant 5 : i32
    %div3A_295 = vector.broadcast %jit3A_294 : i32 to vector<128x1xi32>
    %div3A_296 = arith.divsi %add3A_293, %div3A_295 : vector<128x1xi32>
    %sign3A_297 = arith.constant 0 : i32
    %sign3A_298 = vector.broadcast %sign3A_297 : i32 to vector<128x1xi32>
    %sign3A_299 = arith.cmpi sgt, %add3A_293, %sign3A_298 : vector<128x1xi32>
    %sign3A_300 = arith.extui %sign3A_299 : vector<128x1xi1> to vector<128x1xi32>
    %sign3A_301 = arith.constant 0 : i32
    %sign3A_302 = vector.broadcast %sign3A_301 : i32 to vector<128x1xi32>
    %sign3A_303 = arith.cmpi slt, %add3A_293, %sign3A_302 : vector<128x1xi32>
    %sign3A_304 = arith.extui %sign3A_303 : vector<128x1xi1> to vector<128x1xi32>
    %sign3A_305 = arith.subi %sign3A_300, %sign3A_304 : vector<128x1xi32>
    %sign3A_306 = arith.constant 0 : i32
    %sign3A_307 = arith.cmpi sgt, %jit3A_294, %sign3A_306 : i32
    %sign3A_308 = arith.extui %sign3A_307 : i1 to i32
    %sign3A_309 = arith.constant 0 : i32
    %sign3A_310 = arith.cmpi slt, %jit3A_294, %sign3A_309 : i32
    %sign3A_311 = arith.extui %sign3A_310 : i1 to i32
    %sign3A_312 = arith.subi %sign3A_308, %sign3A_311 : i32
    %ne3A_313 = vector.broadcast %sign3A_312 : i32 to vector<128x1xi32>
    %ne3A_314 = arith.cmpi ne, %sign3A_305, %ne3A_313 : vector<128x1xi32>
    %rem3A_315 = vector.broadcast %jit3A_294 : i32 to vector<128x1xi32>
    %rem3A_316 = arith.remsi %add3A_293, %rem3A_315 : vector<128x1xi32>
    %ne3A_317 = arith.constant 0 : i32
    %ne3A_318 = vector.broadcast %ne3A_317 : i32 to vector<128x1xi32>
    %ne3A_319 = arith.cmpi ne, %rem3A_316, %ne3A_318 : vector<128x1xi32>
    %and3A_320 = arith.andi %ne3A_314, %ne3A_319 : vector<128x1xi1>
    %sub3A_321 = arith.constant 1 : i32
    %sub3A_322 = vector.broadcast %sub3A_321 : i32 to vector<128x1xi32>
    %sub3A_323 = arith.subi %div3A_296, %sub3A_322 : vector<128x1xi32>
    %select_n3A_324 = arith.select %and3A_320, %sub3A_323, %div3A_296 : vector<128x1xi1>, vector<128x1xi32>
    %ge3A_325 = vector.broadcast %select_n3A_287 : vector<128x1xi32> to vector<128x2048xi32>
    %ge3A_326 = arith.cmpi sge, %iota3A, %ge3A_325 : vector<128x2048xi32>
    %lt3A_327 = vector.broadcast %select_n3A_324 : vector<128x1xi32> to vector<128x2048xi32>
    %lt3A_328 = arith.cmpi slt, %iota3A, %lt3A_327 : vector<128x2048xi32>
    %and3A_329 = arith.andi %ge3A_326, %lt3A_328 : vector<128x2048xi1>
    %jit3A_330 = arith.constant 0xFF800000 : f32
    %broadcast_in_dim3A_331 = vector.broadcast %jit3A_330 : f32 to vector<128x2048xf32>
    %select_n3A_332 = arith.select %and3A_329, %get3A_1, %broadcast_in_dim3A_331 : vector<128x2048xi1>, vector<128x2048xf32>
    %reduce_max3A_333 = arith.constant dense<0xFF800000> : vector<128xf32>
    %reduce_max3A_334 = vector.multi_reduction <maximumf>, %select_n3A_332, %reduce_max3A_333 [1] : vector<128x2048xf32> to vector<128xf32>
    %broadcast_in_dim3A_335 = vector.shape_cast %reduce_max3A_334 : vector<128xf32> to vector<128x1xf32>
    %jit3A_336 = arith.constant 0x7F800000 : f32
    %broadcast_in_dim3A_337 = vector.broadcast %jit3A_336 : f32 to vector<128x2048xf32>
    %select_n3A_338 = arith.select %and3A_329, %get3A_1, %broadcast_in_dim3A_337 : vector<128x2048xi1>, vector<128x2048xf32>
    %reduce_min3A_339 = arith.constant dense<0x7F800000> : vector<128xf32>
    %reduce_min3A_340 = vector.multi_reduction <minimumf>, %select_n3A_338, %reduce_min3A_339 [1] : vector<128x2048xf32> to vector<128xf32>
    %broadcast_in_dim3A_341 = vector.shape_cast %reduce_min3A_340 : vector<128xf32> to vector<128x1xf32>
    %mul3A_342 = arith.constant 4 : i32
    %mul3A_343 = vector.broadcast %mul3A_342 : i32 to vector<128x1xi32>
    %mul3A_344 = arith.muli %mul3A_343, %convert_element_type3A : vector<128x1xi32>
    %jit3A_345 = arith.constant 5 : i32
    %div3A_346 = vector.broadcast %jit3A_345 : i32 to vector<128x1xi32>
    %div3A_347 = arith.divsi %mul3A_344, %div3A_346 : vector<128x1xi32>
    %sign3A_348 = arith.constant 0 : i32
    %sign3A_349 = vector.broadcast %sign3A_348 : i32 to vector<128x1xi32>
    %sign3A_350 = arith.cmpi sgt, %mul3A_344, %sign3A_349 : vector<128x1xi32>
    %sign3A_351 = arith.extui %sign3A_350 : vector<128x1xi1> to vector<128x1xi32>
    %sign3A_352 = arith.constant 0 : i32
    %sign3A_353 = vector.broadcast %sign3A_352 : i32 to vector<128x1xi32>
    %sign3A_354 = arith.cmpi slt, %mul3A_344, %sign3A_353 : vector<128x1xi32>
    %sign3A_355 = arith.extui %sign3A_354 : vector<128x1xi1> to vector<128x1xi32>
    %sign3A_356 = arith.subi %sign3A_351, %sign3A_355 : vector<128x1xi32>
    %sign3A_357 = arith.constant 0 : i32
    %sign3A_358 = arith.cmpi sgt, %jit3A_345, %sign3A_357 : i32
    %sign3A_359 = arith.extui %sign3A_358 : i1 to i32
    %sign3A_360 = arith.constant 0 : i32
    %sign3A_361 = arith.cmpi slt, %jit3A_345, %sign3A_360 : i32
    %sign3A_362 = arith.extui %sign3A_361 : i1 to i32
    %sign3A_363 = arith.subi %sign3A_359, %sign3A_362 : i32
    %ne3A_364 = vector.broadcast %sign3A_363 : i32 to vector<128x1xi32>
    %ne3A_365 = arith.cmpi ne, %sign3A_356, %ne3A_364 : vector<128x1xi32>
    %rem3A_366 = vector.broadcast %jit3A_345 : i32 to vector<128x1xi32>
    %rem3A_367 = arith.remsi %mul3A_344, %rem3A_366 : vector<128x1xi32>
    %ne3A_368 = arith.constant 0 : i32
    %ne3A_369 = vector.broadcast %ne3A_368 : i32 to vector<128x1xi32>
    %ne3A_370 = arith.cmpi ne, %rem3A_367, %ne3A_369 : vector<128x1xi32>
    %and3A_371 = arith.andi %ne3A_365, %ne3A_370 : vector<128x1xi1>
    %sub3A_372 = arith.constant 1 : i32
    %sub3A_373 = vector.broadcast %sub3A_372 : i32 to vector<128x1xi32>
    %sub3A_374 = arith.subi %div3A_347, %sub3A_373 : vector<128x1xi32>
    %select_n3A_375 = arith.select %and3A_371, %sub3A_374, %div3A_347 : vector<128x1xi1>, vector<128x1xi32>
    %mul3A_376 = arith.constant 5 : i32
    %mul3A_377 = vector.broadcast %mul3A_376 : i32 to vector<128x1xi32>
    %mul3A_378 = arith.muli %mul3A_377, %convert_element_type3A : vector<128x1xi32>
    %add3A_379 = arith.constant 4 : i32
    %add3A_380 = vector.broadcast %add3A_379 : i32 to vector<128x1xi32>
    %add3A_381 = arith.addi %mul3A_378, %add3A_380 : vector<128x1xi32>
    %jit3A_382 = arith.constant 5 : i32
    %div3A_383 = vector.broadcast %jit3A_382 : i32 to vector<128x1xi32>
    %div3A_384 = arith.divsi %add3A_381, %div3A_383 : vector<128x1xi32>
    %sign3A_385 = arith.constant 0 : i32
    %sign3A_386 = vector.broadcast %sign3A_385 : i32 to vector<128x1xi32>
    %sign3A_387 = arith.cmpi sgt, %add3A_381, %sign3A_386 : vector<128x1xi32>
    %sign3A_388 = arith.extui %sign3A_387 : vector<128x1xi1> to vector<128x1xi32>
    %sign3A_389 = arith.constant 0 : i32
    %sign3A_390 = vector.broadcast %sign3A_389 : i32 to vector<128x1xi32>
    %sign3A_391 = arith.cmpi slt, %add3A_381, %sign3A_390 : vector<128x1xi32>
    %sign3A_392 = arith.extui %sign3A_391 : vector<128x1xi1> to vector<128x1xi32>
    %sign3A_393 = arith.subi %sign3A_388, %sign3A_392 : vector<128x1xi32>
    %sign3A_394 = arith.constant 0 : i32
    %sign3A_395 = arith.cmpi sgt, %jit3A_382, %sign3A_394 : i32
    %sign3A_396 = arith.extui %sign3A_395 : i1 to i32
    %sign3A_397 = arith.constant 0 : i32
    %sign3A_398 = arith.cmpi slt, %jit3A_382, %sign3A_397 : i32
    %sign3A_399 = arith.extui %sign3A_398 : i1 to i32
    %sign3A_400 = arith.subi %sign3A_396, %sign3A_399 : i32
    %ne3A_401 = vector.broadcast %sign3A_400 : i32 to vector<128x1xi32>
    %ne3A_402 = arith.cmpi ne, %sign3A_393, %ne3A_401 : vector<128x1xi32>
    %rem3A_403 = vector.broadcast %jit3A_382 : i32 to vector<128x1xi32>
    %rem3A_404 = arith.remsi %add3A_381, %rem3A_403 : vector<128x1xi32>
    %ne3A_405 = arith.constant 0 : i32
    %ne3A_406 = vector.broadcast %ne3A_405 : i32 to vector<128x1xi32>
    %ne3A_407 = arith.cmpi ne, %rem3A_404, %ne3A_406 : vector<128x1xi32>
    %and3A_408 = arith.andi %ne3A_402, %ne3A_407 : vector<128x1xi1>
    %sub3A_409 = arith.constant 1 : i32
    %sub3A_410 = vector.broadcast %sub3A_409 : i32 to vector<128x1xi32>
    %sub3A_411 = arith.subi %div3A_384, %sub3A_410 : vector<128x1xi32>
    %select_n3A_412 = arith.select %and3A_408, %sub3A_411, %div3A_384 : vector<128x1xi1>, vector<128x1xi32>
    %ge3A_413 = vector.broadcast %select_n3A_375 : vector<128x1xi32> to vector<128x2048xi32>
    %ge3A_414 = arith.cmpi sge, %iota3A, %ge3A_413 : vector<128x2048xi32>
    %lt3A_415 = vector.broadcast %select_n3A_412 : vector<128x1xi32> to vector<128x2048xi32>
    %lt3A_416 = arith.cmpi slt, %iota3A, %lt3A_415 : vector<128x2048xi32>
    %and3A_417 = arith.andi %ge3A_414, %lt3A_416 : vector<128x2048xi1>
    %jit3A_418 = arith.constant 0xFF800000 : f32
    %broadcast_in_dim3A_419 = vector.broadcast %jit3A_418 : f32 to vector<128x2048xf32>
    %select_n3A_420 = arith.select %and3A_417, %get3A_1, %broadcast_in_dim3A_419 : vector<128x2048xi1>, vector<128x2048xf32>
    %reduce_max3A_421 = arith.constant dense<0xFF800000> : vector<128xf32>
    %reduce_max3A_422 = vector.multi_reduction <maximumf>, %select_n3A_420, %reduce_max3A_421 [1] : vector<128x2048xf32> to vector<128xf32>
    %broadcast_in_dim3A_423 = vector.shape_cast %reduce_max3A_422 : vector<128xf32> to vector<128x1xf32>
    %jit3A_424 = arith.constant 0x7F800000 : f32
    %broadcast_in_dim3A_425 = vector.broadcast %jit3A_424 : f32 to vector<128x2048xf32>
    %select_n3A_426 = arith.select %and3A_417, %get3A_1, %broadcast_in_dim3A_425 : vector<128x2048xi1>, vector<128x2048xf32>
    %reduce_min3A_427 = arith.constant dense<0x7F800000> : vector<128xf32>
    %reduce_min3A_428 = vector.multi_reduction <minimumf>, %select_n3A_426, %reduce_min3A_427 [1] : vector<128x2048xf32> to vector<128xf32>
    %broadcast_in_dim3A_429 = vector.shape_cast %reduce_min3A_428 : vector<128xf32> to vector<128x1xf32>
    %broadcast_in_dim3A_430 = arith.constant 0x7F800000 : f32
    %broadcast_in_dim3A_431 = vector.broadcast %broadcast_in_dim3A_430 : f32 to vector<128x1xf32>
    %min3A = arith.minimumf %broadcast_in_dim3A_72, %broadcast_in_dim3A_159 : vector<128x1xf32>
    %max3A = arith.maximumf %broadcast_in_dim3A_72, %broadcast_in_dim3A_159 : vector<128x1xf32>
    %min3A_432 = arith.minimumf %broadcast_in_dim3A_247, %broadcast_in_dim3A_335 : vector<128x1xf32>
    %max3A_433 = arith.maximumf %broadcast_in_dim3A_247, %broadcast_in_dim3A_335 : vector<128x1xf32>
    %min3A_434 = arith.minimumf %broadcast_in_dim3A_423, %broadcast_in_dim3A_77 : vector<128x1xf32>
    %max3A_435 = arith.maximumf %broadcast_in_dim3A_423, %broadcast_in_dim3A_77 : vector<128x1xf32>
    %min3A_436 = arith.minimumf %broadcast_in_dim3A_165, %broadcast_in_dim3A_253 : vector<128x1xf32>
    %max3A_437 = arith.maximumf %broadcast_in_dim3A_165, %broadcast_in_dim3A_253 : vector<128x1xf32>
    %min3A_438 = arith.minimumf %broadcast_in_dim3A_341, %broadcast_in_dim3A_429 : vector<128x1xf32>
    %max3A_439 = arith.maximumf %broadcast_in_dim3A_341, %broadcast_in_dim3A_429 : vector<128x1xf32>
    %min3A_440 = arith.minimumf %broadcast_in_dim3A_431, %broadcast_in_dim3A_431 : vector<128x1xf32>
    %max3A_441 = arith.maximumf %broadcast_in_dim3A_431, %broadcast_in_dim3A_431 : vector<128x1xf32>
    %min3A_442 = arith.minimumf %broadcast_in_dim3A_431, %broadcast_in_dim3A_431 : vector<128x1xf32>
    %max3A_443 = arith.maximumf %broadcast_in_dim3A_431, %broadcast_in_dim3A_431 : vector<128x1xf32>
    %min3A_444 = arith.minimumf %broadcast_in_dim3A_431, %broadcast_in_dim3A_431 : vector<128x1xf32>
    %max3A_445 = arith.maximumf %broadcast_in_dim3A_431, %broadcast_in_dim3A_431 : vector<128x1xf32>
    %min3A_446 = arith.minimumf %min3A, %max3A_433 : vector<128x1xf32>
    %max3A_447 = arith.maximumf %min3A, %max3A_433 : vector<128x1xf32>
    %min3A_448 = arith.minimumf %max3A, %min3A_432 : vector<128x1xf32>
    %max3A_449 = arith.maximumf %max3A, %min3A_432 : vector<128x1xf32>
    %min3A_450 = arith.minimumf %min3A_434, %max3A_437 : vector<128x1xf32>
    %max3A_451 = arith.maximumf %min3A_434, %max3A_437 : vector<128x1xf32>
    %min3A_452 = arith.minimumf %max3A_435, %min3A_436 : vector<128x1xf32>
    %max3A_453 = arith.maximumf %max3A_435, %min3A_436 : vector<128x1xf32>
    %min3A_454 = arith.minimumf %min3A_438, %max3A_441 : vector<128x1xf32>
    %max3A_455 = arith.maximumf %min3A_438, %max3A_441 : vector<128x1xf32>
    %min3A_456 = arith.minimumf %max3A_439, %min3A_440 : vector<128x1xf32>
    %max3A_457 = arith.maximumf %max3A_439, %min3A_440 : vector<128x1xf32>
    %min3A_458 = arith.minimumf %min3A_442, %max3A_445 : vector<128x1xf32>
    %max3A_459 = arith.maximumf %min3A_442, %max3A_445 : vector<128x1xf32>
    %min3A_460 = arith.minimumf %max3A_443, %min3A_444 : vector<128x1xf32>
    %max3A_461 = arith.maximumf %max3A_443, %min3A_444 : vector<128x1xf32>
    %min3A_462 = arith.minimumf %min3A_446, %min3A_448 : vector<128x1xf32>
    %max3A_463 = arith.maximumf %min3A_446, %min3A_448 : vector<128x1xf32>
    %min3A_464 = arith.minimumf %max3A_447, %max3A_449 : vector<128x1xf32>
    %max3A_465 = arith.maximumf %max3A_447, %max3A_449 : vector<128x1xf32>
    %min3A_466 = arith.minimumf %max3A_451, %max3A_453 : vector<128x1xf32>
    %max3A_467 = arith.maximumf %max3A_451, %max3A_453 : vector<128x1xf32>
    %min3A_468 = arith.minimumf %min3A_450, %min3A_452 : vector<128x1xf32>
    %max3A_469 = arith.maximumf %min3A_450, %min3A_452 : vector<128x1xf32>
    %min3A_470 = arith.minimumf %min3A_454, %min3A_456 : vector<128x1xf32>
    %max3A_471 = arith.maximumf %min3A_454, %min3A_456 : vector<128x1xf32>
    %min3A_472 = arith.minimumf %max3A_455, %max3A_457 : vector<128x1xf32>
    %max3A_473 = arith.maximumf %max3A_455, %max3A_457 : vector<128x1xf32>
    %min3A_474 = arith.minimumf %max3A_459, %max3A_461 : vector<128x1xf32>
    %max3A_475 = arith.maximumf %max3A_459, %max3A_461 : vector<128x1xf32>
    %min3A_476 = arith.minimumf %min3A_458, %min3A_460 : vector<128x1xf32>
    %max3A_477 = arith.maximumf %min3A_458, %min3A_460 : vector<128x1xf32>
    %min3A_478 = arith.minimumf %min3A_462, %max3A_467 : vector<128x1xf32>
    %max3A_479 = arith.maximumf %min3A_462, %max3A_467 : vector<128x1xf32>
    %min3A_480 = arith.minimumf %max3A_463, %min3A_466 : vector<128x1xf32>
    %max3A_481 = arith.maximumf %max3A_463, %min3A_466 : vector<128x1xf32>
    %min3A_482 = arith.minimumf %min3A_464, %max3A_469 : vector<128x1xf32>
    %max3A_483 = arith.maximumf %min3A_464, %max3A_469 : vector<128x1xf32>
    %min3A_484 = arith.minimumf %max3A_465, %min3A_468 : vector<128x1xf32>
    %max3A_485 = arith.maximumf %max3A_465, %min3A_468 : vector<128x1xf32>
    %min3A_486 = arith.minimumf %min3A_470, %max3A_475 : vector<128x1xf32>
    %max3A_487 = arith.maximumf %min3A_470, %max3A_475 : vector<128x1xf32>
    %min3A_488 = arith.minimumf %max3A_471, %min3A_474 : vector<128x1xf32>
    %max3A_489 = arith.maximumf %max3A_471, %min3A_474 : vector<128x1xf32>
    %min3A_490 = arith.minimumf %min3A_472, %max3A_477 : vector<128x1xf32>
    %max3A_491 = arith.maximumf %min3A_472, %max3A_477 : vector<128x1xf32>
    %min3A_492 = arith.minimumf %max3A_473, %min3A_476 : vector<128x1xf32>
    %max3A_493 = arith.maximumf %max3A_473, %min3A_476 : vector<128x1xf32>
    %min3A_494 = arith.minimumf %min3A_478, %min3A_482 : vector<128x1xf32>
    %max3A_495 = arith.maximumf %min3A_478, %min3A_482 : vector<128x1xf32>
    %min3A_496 = arith.minimumf %min3A_480, %min3A_484 : vector<128x1xf32>
    %max3A_497 = arith.maximumf %min3A_480, %min3A_484 : vector<128x1xf32>
    %min3A_498 = arith.minimumf %max3A_479, %max3A_483 : vector<128x1xf32>
    %max3A_499 = arith.maximumf %max3A_479, %max3A_483 : vector<128x1xf32>
    %min3A_500 = arith.minimumf %max3A_481, %max3A_485 : vector<128x1xf32>
    %max3A_501 = arith.maximumf %max3A_481, %max3A_485 : vector<128x1xf32>
    %min3A_502 = arith.minimumf %max3A_487, %max3A_491 : vector<128x1xf32>
    %max3A_503 = arith.maximumf %max3A_487, %max3A_491 : vector<128x1xf32>
    %min3A_504 = arith.minimumf %max3A_489, %max3A_493 : vector<128x1xf32>
    %max3A_505 = arith.maximumf %max3A_489, %max3A_493 : vector<128x1xf32>
    %min3A_506 = arith.minimumf %min3A_486, %min3A_490 : vector<128x1xf32>
    %max3A_507 = arith.maximumf %min3A_486, %min3A_490 : vector<128x1xf32>
    %min3A_508 = arith.minimumf %min3A_488, %min3A_492 : vector<128x1xf32>
    %max3A_509 = arith.maximumf %min3A_488, %min3A_492 : vector<128x1xf32>
    %min3A_510 = arith.minimumf %min3A_494, %min3A_496 : vector<128x1xf32>
    %max3A_511 = arith.maximumf %min3A_494, %min3A_496 : vector<128x1xf32>
    %min3A_512 = arith.minimumf %max3A_495, %max3A_497 : vector<128x1xf32>
    %max3A_513 = arith.maximumf %max3A_495, %max3A_497 : vector<128x1xf32>
    %min3A_514 = arith.minimumf %min3A_498, %min3A_500 : vector<128x1xf32>
    %max3A_515 = arith.maximumf %min3A_498, %min3A_500 : vector<128x1xf32>
    %min3A_516 = arith.minimumf %max3A_499, %max3A_501 : vector<128x1xf32>
    %max3A_517 = arith.maximumf %max3A_499, %max3A_501 : vector<128x1xf32>
    %min3A_518 = arith.minimumf %max3A_503, %max3A_505 : vector<128x1xf32>
    %max3A_519 = arith.maximumf %max3A_503, %max3A_505 : vector<128x1xf32>
    %min3A_520 = arith.minimumf %min3A_502, %min3A_504 : vector<128x1xf32>
    %max3A_521 = arith.maximumf %min3A_502, %min3A_504 : vector<128x1xf32>
    %min3A_522 = arith.minimumf %max3A_507, %max3A_509 : vector<128x1xf32>
    %max3A_523 = arith.maximumf %max3A_507, %max3A_509 : vector<128x1xf32>
    %min3A_524 = arith.minimumf %min3A_506, %min3A_508 : vector<128x1xf32>
    %max3A_525 = arith.maximumf %min3A_506, %min3A_508 : vector<128x1xf32>
    %min3A_526 = arith.minimumf %min3A_510, %max3A_519 : vector<128x1xf32>
    %max3A_527 = arith.maximumf %min3A_510, %max3A_519 : vector<128x1xf32>
    %min3A_528 = arith.minimumf %max3A_511, %min3A_518 : vector<128x1xf32>
    %max3A_529 = arith.maximumf %max3A_511, %min3A_518 : vector<128x1xf32>
    %min3A_530 = arith.minimumf %min3A_512, %max3A_521 : vector<128x1xf32>
    %max3A_531 = arith.maximumf %min3A_512, %max3A_521 : vector<128x1xf32>
    %min3A_532 = arith.minimumf %max3A_513, %min3A_520 : vector<128x1xf32>
    %max3A_533 = arith.maximumf %max3A_513, %min3A_520 : vector<128x1xf32>
    %min3A_534 = arith.minimumf %min3A_514, %max3A_523 : vector<128x1xf32>
    %max3A_535 = arith.maximumf %min3A_514, %max3A_523 : vector<128x1xf32>
    %min3A_536 = arith.minimumf %max3A_515, %min3A_522 : vector<128x1xf32>
    %max3A_537 = arith.maximumf %max3A_515, %min3A_522 : vector<128x1xf32>
    %min3A_538 = arith.minimumf %min3A_516, %max3A_525 : vector<128x1xf32>
    %max3A_539 = arith.maximumf %min3A_516, %max3A_525 : vector<128x1xf32>
    %min3A_540 = arith.minimumf %max3A_517, %min3A_524 : vector<128x1xf32>
    %max3A_541 = arith.maximumf %max3A_517, %min3A_524 : vector<128x1xf32>
    %min3A_542 = arith.minimumf %min3A_526, %min3A_534 : vector<128x1xf32>
    %max3A_543 = arith.maximumf %min3A_526, %min3A_534 : vector<128x1xf32>
    %min3A_544 = arith.minimumf %min3A_528, %min3A_536 : vector<128x1xf32>
    %max3A_545 = arith.maximumf %min3A_528, %min3A_536 : vector<128x1xf32>
    %min3A_546 = arith.minimumf %min3A_530, %min3A_538 : vector<128x1xf32>
    %max3A_547 = arith.maximumf %min3A_530, %min3A_538 : vector<128x1xf32>
    %min3A_548 = arith.minimumf %min3A_532, %min3A_540 : vector<128x1xf32>
    %max3A_549 = arith.maximumf %min3A_532, %min3A_540 : vector<128x1xf32>
    %min3A_550 = arith.minimumf %max3A_527, %max3A_535 : vector<128x1xf32>
    %min3A_551 = arith.minimumf %max3A_529, %max3A_537 : vector<128x1xf32>
    %min3A_552 = arith.minimumf %max3A_531, %max3A_539 : vector<128x1xf32>
    %min3A_553 = arith.minimumf %max3A_533, %max3A_541 : vector<128x1xf32>
    %min3A_554 = arith.minimumf %min3A_542, %min3A_546 : vector<128x1xf32>
    %max3A_555 = arith.maximumf %min3A_542, %min3A_546 : vector<128x1xf32>
    %min3A_556 = arith.minimumf %min3A_544, %min3A_548 : vector<128x1xf32>
    %max3A_557 = arith.maximumf %min3A_544, %min3A_548 : vector<128x1xf32>
    %min3A_558 = arith.minimumf %max3A_543, %max3A_547 : vector<128x1xf32>
    %max3A_559 = arith.maximumf %max3A_543, %max3A_547 : vector<128x1xf32>
    %min3A_560 = arith.minimumf %max3A_545, %max3A_549 : vector<128x1xf32>
    %max3A_561 = arith.maximumf %max3A_545, %max3A_549 : vector<128x1xf32>
    %min3A_562 = arith.minimumf %min3A_550, %min3A_552 : vector<128x1xf32>
    %min3A_563 = arith.minimumf %min3A_551, %min3A_553 : vector<128x1xf32>
    %min3A_564 = arith.minimumf %min3A_554, %min3A_556 : vector<128x1xf32>
    %max3A_565 = arith.maximumf %min3A_554, %min3A_556 : vector<128x1xf32>
    %min3A_566 = arith.minimumf %max3A_555, %max3A_557 : vector<128x1xf32>
    %max3A_567 = arith.maximumf %max3A_555, %max3A_557 : vector<128x1xf32>
    %min3A_568 = arith.minimumf %min3A_558, %min3A_560 : vector<128x1xf32>
    %max3A_569 = arith.maximumf %min3A_558, %min3A_560 : vector<128x1xf32>
    %min3A_570 = arith.minimumf %max3A_559, %max3A_561 : vector<128x1xf32>
    %max3A_571 = arith.maximumf %max3A_559, %max3A_561 : vector<128x1xf32>
    %min3A_572 = arith.minimumf %min3A_562, %min3A_563 : vector<128x1xf32>
    %max3A_573 = arith.maximumf %min3A_562, %min3A_563 : vector<128x1xf32>
    %concatenate3A = tpu.concatenate %min3A_564, %max3A_565, %min3A_566, %max3A_567, %min3A_568, %max3A_569, %min3A_570, %max3A_571, %min3A_572, %max3A_573 in 1 : vector<128x1xf32>, vector<128x1xf32>, vector<128x1xf32>, vector<128x1xf32>, vector<128x1xf32>, vector<128x1xf32>, vector<128x1xf32>, vector<128x1xf32>, vector<128x1xf32>, vector<128x1xf32> -> vector<128x10xf32>
    %swap3A = arith.constant 0 : index
    %swap3A_574 = arith.constant 0 : index
    %swap3A_575 = vector.load %arg3[%swap3A, %swap3A_574] : memref<128x10xf32, #tpu.memory_space<vmem>>, vector<128x10xf32>
    tpu.vector_store %arg3[%swap3A, %swap3A_574], %concatenate3A {strides = array<i32>} : memref<128x10xf32, #tpu.memory_space<vmem>>, vector<128x10xf32>,
    return
  }
  func.func @transform_0(%arg0: i32) -> (i32, i32) {
    %add3A = arith.constant 1 : i32
    %add3A_0 = arith.addi %arg0, %add3A : i32
    %c0_i32 = arith.constant 0 : i32
    %c0_i32_1 = arith.constant 0 : i32
    return %add3A_0, %c0_i32 : i32, i32
  }
  func.func @transform_1(%arg0: i32) -> (i32, i32) {
    %add3A = arith.constant 1 : i32
    %add3A_0 = arith.addi %arg0, %add3A : i32
    %c0_i32 = arith.constant 0 : i32
    %c0_i32_1 = arith.constant 0 : i32
    return %add3A_0, %c0_i32 : i32, i32
  }
  func.func @transform_2(%arg0: i32) -> (i32, i32) {
    %c0_i32 = arith.constant 0 : i32
    %c0_i32_0 = arith.constant 0 : i32
    return %arg0, %c0_i32 : i32, i32
  }
}

</mosaic_0001>

<sc_bundles>
// kernel: kernel.4.cloned.1.call-start
scs
__scs_entry_jumppad:
0x0: {  	(pc) =	sbr.rel $0x88, $3  }
0x1: {  	(tag) =	ssettag $0x0;
	lr =	simm.s32 $0x1  }
0x2: {  	[smem:$0x3F9F] =	sst lr;
	_ =	strace $0xD0000000  }
0x3: {  	_ = 	snop  }
0x4: {  	_ = 	snop  }
0x5: {  	_ = 	snop  }
0x6: {  	_ = 	snop  }
0x7: {  	_ = 	snop  }
__scs_overlays_trampoline_lowered:
0x8: {  	[smem:$0x3FAE] =	sst s0  }
0x9: {  	[smem:$0x3FAF] =	sst s1  }
0xa: {  	[smem:$0x3FB0] =	sst s2  }
0xb: {  	[smem:$0x3FB1] =	sst s3  }
0xc: {  	[smem:$0x3FB2] =	sst s4  }
0xd: {  	[smem:$0x3FB3] =	sst s5  }
0xe: {  	[smem:$0x3FB4] =	sst s6  }
0xf: {  	[smem:$0x3FB5] =	sst s7  }
0x10: {  	[smem:$0x3FB6] =	sst s8  }
0x11: {  	[smem:$0x3FB7] =	sst s9;
	s0 =	simm.s32 @!p0 $0x0  }
0x12: {  	s1 =	sld [smem:$0x3F9D];
	s0 =	simm.s32 @p0 $0x1  }
0x13: {  	[smem:$0x3FB8] =	sst s0;
	s0 =	simm.s32 @!p1 $0x0  }
0x14: {  	s2 =	sld [smem:$0x3F9C];
	s0 =	simm.s32 @p1 $0x1  }
0x15: {  	[smem:$0x3FB9] =	sst s0;
	s0 =	simm.s32 @!p2 $0x0  }
0x16: {  	s3 =	sld [smem:$0x3FDB];
	s0 =	simm.s32 @p2 $0x1  }
0x17: {  	s4 =	simm.s32 $0x1BF5;
	[smem:$0x3FBB] =	sst s0  }
0x18: {  	s0 =	sld [smem:$0x3F9E];
	_ =	swait.ge [sflag:s4], $0x0  }
0x19: {  	s7 =	sld [smem:$0x3F9F]  }
0x1a: {  	s8 =	sadd.s32 $0xFFFFE003, lr  }
0x1b: {  	s9 =	sadd.s32 $0xFFFFFEF7, lr;
	s5 =	simm.s32 $0xFFFFFFFF;
	p2 =	slt.u32 s8, $0xFFFFF086  }
0x1c: {  	p1 =	slt.u32 s9, $0xF7A;
	s5 =	simm.s32 @!p2 $0x0  }
0x1d: {  	s5 =	simm.s32 @p1 $0x1;
	p0 =	seq.s32 s7, s2  }
0x1e: {  	s7 =	smul.u32 @!p0 $0xF7A, s2;
	p2 =	seq.s32 @!p0 s5, $0x0  }
0x1f: {  	s9 =	smul.u32 $0xF7A, s1;
	s8 =	simm.s32 @!p0 $0x1BF5;
	p2 =	por !p2, p0  }
0x20: {  	[sflag:s8] =	ssyncset.s32 @!p0 $0xFFFFF086;
	s6 =	sadd.s32 @!p0 s3, s7;
	s7 =	simm.s32 @!p0 $0x108  }
0x21: {  	s3 =	sadd.s32 s3, s9;
	s6 =	sadd.s32 @!p0 $0x88, s6;
	s7 =	simm.s32 @p2 $0x1082  }
0x22: {  	[simem:s7], [sflag:s8] =	dma.local @!p0 [hbm:s6], $0xF7A  }
0x23: {  	s9 =	sor.u32 $0xD0000000, s2;
	s6 =	simm.s32 $0x108;
	_ =	swait.ge @!p0 [sflag:s8], $0x0  }
0x24: {  	s3 =	sadd.s32 $0x88, s3;
	s6 =	simm.s32 @!p1 $0x1082;
	[sflag:s4] =	ssyncset.s32 $0xFFFFF086  }
0x25: {  	[simem:s6], [sflag:s4] =	dma.local [hbm:s3], $0xF7A  }
0x26: {  	[smem:$0x3F9F] =	sst s1;
	(tag) =	ssettag s2;
	_ =	strace s9  }
0x27: {  	s1 =	sld [smem:$0x3FAF]  }
0x28: {  	s2 =	sld [smem:$0x3FB0]  }
0x29: {  	s4 =	sld [smem:$0x3FB2]  }
0x2a: {  	p0 =	seq.s32 s5, $0x0;
	s5 =	sld [smem:$0x3FB3]  }
0x2b: {  	s6 =	sld [smem:$0x3FB4]  }
0x2c: {  	s7 =	sld [smem:$0x3FB5]  }
0x2d: {  	s3 =	simm.s32 $0x108;
	s8 =	sld [smem:$0x3FB6]  }
0x2e: {  	s3 =	simm.s32 @!p0 $0x1082;
	s9 =	sld [smem:$0x3FB7]  }
0x2f: {  	lr =	sadd.s32 s0, s3;
	s0 =	sld [smem:$0x3FAE]  }
0x30: {  	s3 =	sld [smem:$0x3FB1]  }
0x31: {  	[smem:$0x3FBA] =	sst s10  }
0x32: {  	s10 =	sld [smem:$0x3FB8];
	_ =	sdelay $0x3  }
0x33: {  	p0 =	seq.s32 s10, $0x1;
	s10 =	sld [smem:$0x3FBA];
	_ =	sdelay $0x3  }
0x34: {  	[smem:$0x3FBA] =	sst s10  }
0x35: {  	s10 =	sld [smem:$0x3FB9];
	_ =	sdelay $0x3  }
0x36: {  	p1 =	seq.s32 s10, $0x1;
	s10 =	sld [smem:$0x3FBA];
	_ =	sdelay $0x3  }
0x37: {  	[smem:$0x3FBA] =	sst s10  }
0x38: {  	s10 =	sld [smem:$0x3FBB]  }
0x39: {  	_ = 	snop;
	(pc) =	sbr.ind lr, $3  }
0x3a: {  	_ = 	snop  }
0x3b: {  	_ = 	snop  }
0x3c: {  	p2 =	seq.s32 s10, $0x1;
	s10 =	sld [smem:$0x3FBA]  }
0x3d: {  	_ =	shalt  }
0x3e: {  	_ =	shalt  }
0x3f: {  	_ =	shalt  }
0x40: {  	_ =	shalt  }
0x41: {  	_ =	shalt  }
0x42: {  	_ =	shalt  }
0x43: {  	_ =	shalt  }
0x44: {  	_ =	shalt  }
0x45: {  	_ =	shalt  }
0x46: {  	_ =	shalt  }
0x47: {  	_ =	shalt  }
0x48: {  	_ =	shalt  }
0x49: {  	_ =	shalt  }
0x4a: {  	_ =	shalt  }
0x4b: {  	_ =	shalt  }
0x4c: {  	_ =	shalt  }
0x4d: {  	_ =	shalt  }
0x4e: {  	_ =	shalt  }
0x4f: {  	_ =	shalt  }
0x50: {  	_ =	shalt  }
0x51: {  	_ =	shalt  }
0x52: {  	_ =	shalt  }
0x53: {  	_ =	shalt  }
0x54: {  	_ =	shalt  }
0x55: {  	_ =	shalt  }
0x56: {  	_ =	shalt  }
0x57: {  	_ =	shalt  }
0x58: {  	_ =	shalt  }
0x59: {  	_ =	shalt  }
0x5a: {  	_ =	shalt  }
0x5b: {  	_ =	shalt  }
0x5c: {  	_ =	shalt  }
0x5d: {  	_ =	shalt  }
0x5e: {  	_ =	shalt  }
0x5f: {  	_ =	shalt  }
0x60: {  	_ =	shalt  }
0x61: {  	_ =	shalt  }
0x62: {  	_ =	shalt  }
0x63: {  	_ =	shalt  }
0x64: {  	_ =	shalt  }
0x65: {  	_ =	shalt  }
0x66: {  	_ =	shalt  }
0x67: {  	_ =	shalt  }
0x68: {  	_ =	shalt  }
0x69: {  	_ =	shalt  }
0x6a: {  	_ =	shalt  }
0x6b: {  	_ =	shalt  }
0x6c: {  	_ =	shalt  }
0x6d: {  	_ =	shalt  }
0x6e: {  	_ =	shalt  }
0x6f: {  	_ =	shalt  }
0x70: {  	_ =	shalt  }
0x71: {  	_ =	shalt  }
0x72: {  	_ =	shalt  }
0x73: {  	_ =	shalt  }
0x74: {  	_ =	shalt  }
0x75: {  	_ =	shalt  }
0x76: {  	_ =	shalt  }
0x77: {  	_ =	shalt  }
0x78: {  	_ =	shalt  }
0x79: {  	_ =	shalt  }
0x7a: {  	_ =	shalt  }
0x7b: {  	_ =	shalt  }
0x7c: {  	_ =	shalt  }
0x7d: {  	_ =	shalt  }
0x7e: {  	_ =	shalt  }
0x7f: {  	_ =	shalt  }
0x80: {  	_ =	shalt  }
0x81: {  	_ =	shalt  }
0x82: {  	_ =	shalt  }
0x83: {  	_ =	shalt  }
0x84: {  	_ =	shalt  }
0x85: {  	_ =	shalt  }
0x86: {  	_ =	shalt  }
0x87: {  	_ =	shalt  }
.Lfunc_end0:
.L_simem_size_0:
called_computation_lowered:
.L_overlay_start_0:
0x88: {  	s2 =	sld [smem:$0x3FD9]  }
0x89: {  	s3 =	sld [smem:$0x3FFE];
	_ =	sdelay $0x1  }
0x8a: {  	s1 =	srdreg.scid  }
0x8b: {  	s0 =	sand.u32 $0x1, s1  }
0x8c: {  	s18 =	sshll.u32 s0, $0xA;
	s2 =	sadd.s32 s3, s2  }
0x8d: {  	s2 =	sadd.s32 s2, s18  }
0x8e: {  	[smem:$0x3FC6] =	sst s2  }
0x8f: {  	_ = 	snop  }
0x90: {  	s2 =	sld [smem:$0x3FC9]  }
0x91: {  	s19 =	sld [smem:$0x3FC8]  }
0x92: {  	s4 =	sld [smem:$0x3FD0];
	(tm) =	ssettm $0x1  }
0x93: {  	s5 =	sld [smem:$0x3FFB];
	_ =	sdelay $0x3  }
0x94: {  	_ =	strace s5  }
0x95: {  	s5 =	sld [smem:$0x3FFC];
	_ =	sdelay $0x3  }
0x96: {  	_ =	strace s5  }
0x97: {  	s5 =	sld [smem:$0x3FFD];
	_ =	sdelay $0x3  }
0x98: {  	_ =	strace s5  }
0x99: {  	_ =	strace $0x8FFFFFFF  }
0x9a: {  	s20 =	sld [smem:$0x3FDB];
	_ =	sdelay $0x1  }
0x9b: {  	s6 =	simm.s32 $_scs_section_size  }
0x9c: {  	s7 =	simm.s32 $_size__tile_overlayer_lowered;
	s8 =	simm.s32 $_tile_overlayer_lowered  }
0x9d: {  	s23 =	simm.s32 $0x1BFF;
	s22 =	sshll.u32 s8, $0x1;
	s5 =	sadd.s32 s6, s20  }
0x9e: {  	s9 =	simm.s32 $0x0;
	s21 =	sshll.u32 s7, $0x1;
	s7 =	sadd.s32 s22, s5  }
0x9f: {  	[timem:s9], [sflag:s23] =	dma.local [hbm:s7], s21  }
0xa0: {  	_ =	swait.ge [sflag:s23], s21  }
0xa1: {  	s6 =	ssub.s32 $0x0, s21;
	[sflag:s23] =	ssyncset.done $0x0  }
0xa2: {  	[sflag:s23] =	ssyncadd.s32 s6;
	_ =	sdelay $0x1  }
0xa3: {  	s24 =	simm.s32 $0x1B8B  }
0xa4: {  	_ =	swait.ge [sflag:s24], $0x1  }
0xa5: {  	[sflag:s24] =	ssyncset.done $0x0  }
0xa6: {  	s25 =	simm.s32 $0x1B8E;
	[sflag:s24] =	ssyncadd.s32 $0xFFFFFFFF  }
0xa7: {  	s26 =	simm.s32 $execute0_lowered;
	[smem:$0x3FD2] =	sst s25  }
0xa8: {  	s6 =	sshll.u32 s26, $0x1;
	_ =	strace $0x80000046;
	[dreg:$0x1] =	wrdreg $0xFFFFFFFF  }
0xa9: {  	s28 =	simm.s32 $_size_execute0_lowered;
	s5 =	sadd.s32 s5, s6;
	[dreg:$0x0] =	wrdreg $0x0  }
0xaa: {  	s6 =	sshll.u32 s28, $0x1;
	[dreg:$0x2] =	wrdreg s5  }
0xab: {  	[dreg:$0x3] =	wrdreg s6  }
0xac: {  	[dreg:$0x4] =	wrdreg $0xC0  }
0xad: {  	_ =	task [dreg:s9], $0x5FFFF  }
0xae: {  	[dreg:$0x1] =	wrdreg $0xFFFFFFFF  }
0xaf: {  	[dreg:$0x0] =	wrdreg $0x60  }
0xb0: {  	[dreg:$0x2] =	wrdreg s2  }
0xb1: {  	[dreg:$0x3] =	wrdreg s19  }
0xb2: {  	[dreg:$0x4] =	wrdreg s4  }
0xb3: {  	[dreg:$0x5] =	wrdreg $0x9  }
0xb4: {  	_ =	task.clear_ibuf [dreg:s9], $0x6FFFF;
	_ =	strace $0x90000046  }
0xb5: {  	s29 =	simm.s32 $0x9;
	_ =	strace $0x80000048  }
0xb6: {  	_ =	swait.ge [sflag:s29], $0x1  }
0xb7: {  	[sflag:s29] =	ssyncadd.s32 $0xFFFFFFFF  }
0xb8: {  	_ =	strace $0x90000048  }
0xb9: {  	_ =	sfence  }
0xba: {  	s30 =	sld [smem:$0x0];
	_ =	sdelay $0x2  }
0xbb: {  	s31 =	sshll.u32 s1, $0xD;
	s1 =	sshrl.u32 s1, $0x2  }
0xbc: {  	s3 =	sand.u32 $0x4000, s31;
	s1 =	sadd.s32 s1, s30  }
0xbd: {  	s0 =	sor.u32 s3, s0;
	s1 =	sshll.u32 s1, $0x11  }
0xbe: {  	s0 =	sor.u32 s1, s0  }
0xbf: {  	s0 =	sadd.s32 $0x8F2B, s0  }
0xc0: {  	[sflag:s0] =	ssyncadd.remote.s32 $0x1  }
0xc1: {  	_ =	sfence.sel $0xFFFF  }
0xc2: {  	[dreg:$0x0] =	wrdreg $0xFFFFFFFF;
	(pc) =	sbr.abs _section_cstart, $3  }
0xc3: {  	[dreg:$0x1] =	wrdreg $0xFFFFFFFF  }
0xc4: {  	_ =	task.clear_ibuf [dreg:s9], $0x2FFFF;
	_ =	strace $0x9FFFFFFF  }
0xc5: {  	(tm) =	ssettm $0x7FFFFFFF  }
tec
execute0_lowered:
.L_overlay_start_1:
0x0: {  	(tag) =	ssettag $0x1  }
0x1: {  	s0 =	rddreg [dreg:$0x0];
	s3 =	srdreg.scid  }
0x2: {  	s2 =	rddreg [dreg:$0x2];
	s1 =	stileid.u32;
	s4 =	sand.u32 $0x1, s3  }
0x3: {  	s3 =	simm.s32 $0x0;
	s7 =	sshll.u32 s1, $0x1;
	s26 =	sshll.u32 s1, $0xB  }
0x4: {  	s9 =	sshll.u32 s1, $0x5;
	s1 =	simm.s32 $0x0;
	s5 =	ssub.s32 $0x2, s4  }
0x5: {  	[smem:$0x7FF] =	sst s3;
	s24 =	sor.u32 s4, s7;
	s4 =	sshll.u32 s4, $0x6  }
0x6: {  	v0 =	vlaneseq.u32;
	vm0 =	vmmov $0x1;
	s6 =	sshrl.u32 s5, $0x1;
	s0 =	sadd.s32 s0, s4;
	s10 =	smul.u32 $0x5, s24  }
.Ltmp0:
0x7: {  	vm1 =	vcmask $0x328;
	vm2 =	vcmask $0x704;
	vm3 =	vcmask $0x1714;
	s25 =	sshll.u32 s24, $0x2;
	s0 =	sadd.s32 s26, s0;
	(pc) =	sbr.rel .LBB2_1-.Ltmp0, $4  }
0x8: {  	vm4 =	vcmask $0x728;
	vm5 =	vcmask $0x1B14;
	vm6 =	vcmask $0xB28;
	_ =	strace $0x80000047;
	s29 =	sand.u32 $0xC, s25;
	[dreg:$0x4] =	wrdreg s0  }
0x9: {  	vm7 =	vcmask $0x1F14;
	vm8 =	vcmask $0xF28;
	vm9 =	vcmask $0x2328;
	s8 =	ssub.s32 s5, s6;
	[dreg:$0x5] =	wrdreg s29;
	s30 =	sadd.s32 s2, s10  }
0xa: {  	vm3 =	vmor vm4, vm3;
	vm4 =	vcmask $0xB08;
	vm5 =	vmor vm6, vm5;
	s28 =	sand.u32 $0x1C0, s9;
	s31 =	smax.u32 s8, $0x1;
	[dreg:$0x6] =	wrdreg s30  }
0xb: {  	vm6 =	vcmask $0xF0C;
	vm7 =	vmor vm8, vm7;
	vm8 =	vcmask $0x1310;
	s12 =	sshrl.u32 s28, $0x2;
	s2 =	simm.s32 $0x1;
	[dreg:$0x7] =	wrdreg s31  }
.LBB2_28:
0xc: {  	s3 =	simm.s32 $0x0  }
0xd: {  	s0 =	rddreg [dreg:$0x6];
	s1 =	simm.s32 $0x2000;
	s2 =	simm.s32 $0x1  }
0xe: {  	[hbm4b:s0+s3] =	stream.linear.scatter [tilespmem:s1], [sflag:$0x1], $0x28, $0x38;
	[tilespmem:$0x2480] =	vst v63  }
0xf: {  	_ =	swait.ge [sflag:s2], $0x28  }
0x10: {  	s30 =	rddreg [dreg:$0x8]  }
0x11: {  	s31 =	rddreg [dreg:$0x7];
	s1 =	sadd.s32 $0x1, s30  }
0x12: {  	p0 =	sne.s32 s1, s31  }
.Ltmp1:
0x13: {  	_ = 	snop;
	(pc) =	sbr.rel @!p0 .LBB2_29-.Ltmp1, $3  }
0x14: {  	_ =	sdelay $0x1  }
0x15: {  	[sflag:s2] =	ssyncset.done $0x0  }
0x16: {  	[sflag:s2] =	ssyncadd.s32 $0xFFFFFFD8  }
.LBB2_1:
0x17: {  	[dreg:$0x8] =	wrdreg s1  }
0x18: {  	s0 =	rddreg [dreg:$0x1];
	s29 =	simm.s32 $0x2080  }
0x19: {  	[tilespmem:s29], [sflag:$0x1] =	stream.linear.gather [hbm4b:s0+s3], $0x400, $0x38;
	[tilespmem:$0x2480] =	vst v63  }
0x1a: {  	_ =	swait.ge [sflag:s2], $0x400  }
0x1b: {  	s31 =	simm.s32 $0x200;
	s4 =	simm.s32 $0x400;
	[sflag:s2] =	ssyncset.done $0x0  }
.Ltmp2:
0x1c: {  	s30 =	rddreg [dreg:$0x4];
	[sflag:s2] =	ssyncadd.s32 $0xFFFFFC00;
	(pc) =	sbr.rel .LBB2_2-.Ltmp2, $4  }
0x1d: {  	[tilespmem:s3], [sflag:$0x1] =	stream.strided.gather [hbm4b:s30+s31], $0x2000, s4, s31, $0x38;
	[tilespmem:$0x2480] =	vst v63  }
0x1e: {  	_ =	swait.ge [sflag:s2], $0x2000  }
0x1f: {  	[sflag:s2] =	ssyncset.done $0x0  }
0x20: {  	s15 =	simm.s32 $0x50;
	s16 =	simm.s32 $0x0;
	[sflag:s2] =	ssyncadd.s32 $0xFFFFE000  }
.LBB2_27:
0x21: {  	v2 =	vbroadcast v2, $0xF;
	v9 =	vmax.f32 v9, v10;
	v60 =	vmax.f32 v14, v15  }
0x22: {  	v61 =	vmin.f32 v11, v12;
	v62 =	vmin.f32 v13, v16;
	v1 =	vbroadcast v1, $0xF  }
0x23: {  	v3 =	vbroadcast v3, $0xF;
	v9 =	vmax.f32 v9, v60;
	v2 =	vnsel vm0, $0x7F800000, v2  }
0x24: {  	v10 =	vmin.f32 v61, v62;
	(xrf0) =	vmax.scan.msk.f32 $0xffff, v9;
	v1 =	vsel vm1, v2, v1;
	v2 =	vbroadcast v4, $0xF  }
0x25: {  	(xrf0) =	vmin.scan.msk.f32 $0xffff, v10;
	v1 =	vsel vm2, v3, v1;
	v3 =	vbroadcast v5, $0xF  }
0x26: {  	v1 =	vsel vm3, v1, v2  }
0x27: {  	v1 =	vsel vm4, v3, v1;
	v3 =	vbroadcast v7, $0xF  }
0x28: {  	v2 =	vbroadcast v6, $0xF;
	_ =	sdelay $0x1  }
0x29: {  	v1 =	vsel vm5, v1, v2;
	v2 =	vbroadcast v8, $0xF;
	v63, _, _ =	vpop (xrf0)  }
0x2a: {  	v1 =	vsel vm6, v3, v1;
	v4 =	vbroadcast v63, $0xF;
	v3, _, _ =	vpop (xrf0)  }
0x2b: {  	v1 =	vsel vm7, v1, v2;
	v2 =	vbroadcast v3, $0xF  }
0x2c: {  	v1 =	vsel vm8, v4, v1  }
0x2d: {  	v1 =	vsel vm9, v1, v2  }
0x2e: {  	(xrf1) =	vsort.ascd.msk.f32 $0xffff, v1, v1;
	_ =	sdelay $0x8  }
0x2f: {  	s0 =	smul.u32 $0x28, s16;
	s16 =	sadd.s32 $0x1, s16  }
0x30: {  	p0 =	sne.s32 s16, $0x4  }
.Ltmp3:
0x31: {  	_ = 	snop;
	(pc) =	sbr.rel @!p0 .LBB2_28-.Ltmp3, $3  }
0x32: {  	_ =	sdelay $0x1  }
0x33: {  	s0 =	sshra.s32 s0, $0x2;
	v1, _, _ =	vpop (xrf1)  }
0x34: {  	s15 =	sadd.s32 $0x80, s15;
	[tilespmem:s0+$0x2000] =	vst v1  }
.LBB2_2:
0x35: {  	v1 =	vld [tilespmem:s12+$0x2080];
	_ =	sdelay $0x2  }
0x36: {  	s0 =	rddreg [dreg:$0x5]  }
0x37: {  	s0 =	sor.u32 s0, s16  }
0x38: {  	v2 =	vmov s0;
	v1 =	vcvt.s32.f32 v1  }
0x39: {  	vm10 =	veq.s32 v2, v0  }
0x3a: {  	v1 =	vnsel vm10, $0x0, v1  }
0x3b: {  	(xrf0) =	vmax.scan.msk.f32 $0xffff, v1;
	_ =	sdelay $0x5  }
0x3c: {  	v1, _, _ =	vpop (xrf0)  }
0x3d: {  	(v2sf) =	vpush v1, $0xF;
	_ =	sdelay $0xe  }
0x3e: {  	s25 =	spop (v2sf)  }
0x3f: {  	s18 =	scvt.f32.s32 s25;
	_ =	sdelay $0x1  }
0x40: {  	s0 =	sadd.s32 $0x4, s18  }
0x41: {  	s2 =	smulhi.u32 $0x66666667, s0;
	s17 =	sshra.s32 s0, $0x1F  }
0x42: {  	s17 =	smul.u32 $0x66666667, s17;
	_ =	sdelay $0x1  }
0x43: {  	s2 =	sadd.s32 s17, s2  }
0x44: {  	s17 =	sshrl.u32 s2, $0x1F;
	s2 =	sshra.s32 s2, $0x1  }
0x45: {  	s2 =	sadd.s32 s17, s2  }
0x46: {  	s17 =	smul.u32 $0xFFFFFFFB, s2  }
0x47: {  	s19 =	ssub.s32 $0xFFFFFFFC, s18  }
0x48: {  	p0 =	slt.s32 s0, $0x1;
	p1 =	sne.s32 s17, s19  }
0x49: {  	p0 =	por !p0, !p1  }
0x4a: {  	s0 =	simm.s32 $0x1;
	p0 =	por !p0, !p0  }
0x4b: {  	s0 =	simm.s32 @!p0 $0x0  }
0x4c: {  	s0 =	ssub.s32 s2, s0  }
0x4d: {  	s2 =	sadd.s32 $0xFFFFFFFF, s0  }
0x4e: {  	s26 =	sand.u32 $0xF, s2  }
0x4f: {  	p5 =	slt.s32 s0, $0x2;
	s28 =	sshra.s32 s2, $0x1F;
	p6 =	sne.s32 s26, $0x0  }
0x50: {  	s29 =	sshrl.u32 s28, $0x1C;
	p0 =	por !p5, !p6  }
0x51: {  	s17 =	simm.s32 $0x1;
	s2 =	sadd.s32 s29, s2;
	p0 =	por !p0, !p0  }
0x52: {  	s2 =	sshra.s32 s2, $0x4;
	s17 =	simm.s32 @!p0 $0x0  }
0x53: {  	s2 =	ssub.s32 s2, s17  }
0x54: {  	s20 =	sshll.u32 s2, $0x4;
	s17 =	sshll.u32 s2, $0x6  }
0x55: {  	s30 =	sand.u32 $0x70, s20;
	s21 =	sand.u32 $0xFFFFFE00, s17  }
0x56: {  	s19 =	sadd.s32 $0xFFFFFFFF, s2;
	s17 =	sshll.u32 s16, $0x7;
	s21 =	sor.u32 s30, s21  }
0x57: {  	p0 =	sgt.s32 s19, $0x0;
	s31 =	sadd.s32 s17, s21;
	s21 =	smov.u32 s19  }
0x58: {  	s21 =	simm.s32 @!p0 $0x0  }
0x59: {  	s22 =	sadd.s32 $0x3, s21  }
0x5a: {  	v3 =	vmov s20;
	v4 =	vor.u32 s20, v0;
	s20 =	sshrl.u32 s22, $0x2  }
0x5b: {  	v2 =	vld [tilespmem:s17+$0x0];
	s21 =	sand.u32 $0xFFFFFFE, s20  }
0x5c: {  	v5 =	vld [tilespmem:s31+$0x0];
	p0 =	seq.s32 s21, $0x0  }
.Ltmp4:
0x5d: {  	_ = 	snop;
	(pc) =	sbr.rel @p0 .LBB2_3-.Ltmp4, $4  }
0x5e: {  	v1 =	vmov s0  }
0x5f: {  	vm10 =	vgt.s32 v1, v0;
	vm11 =	vgt.s32 v3, $0xFFFFFFFF;
	vm12 =	vlt.s32 v4, s0  }
0x60: {  	vm11 =	vmand vm11, vm12;
	v1 =	vnsel vm10, $0xFF800000, v2  }
0x61: {  	v3 =	vnsel vm10, $0x7F800000, v2;
	v4 =	vnsel vm11, $0xFF800000, v5;
	v2 =	vnsel vm11, $0x7F800000, v5  }
0x62: {  	s0 =	simm.s32 $0x8  }
0x63: {  	s2 =	simm.s32 $0x6;
	s23 =	simm.s32 $0x7;
	p0 =	sgt.s32 s19, $0x8  }
0x64: {  	s24 =	simm.s32 $0x2;
	s25 =	simm.s32 $0x3;
	s26 =	simm.s32 $0x4  }
0x65: {  	p1 =	sgt.s32 s19, $0x6;
	s28 =	smov.u32 s19;
	p2 =	sgt.s32 s19, $0x7  }
0x66: {  	p3 =	sgt.s32 s19, $0x3;
	p4 =	sgt.s32 s19, $0x4;
	s29 =	smov.u32 s19  }
0x67: {  	s30 =	smov.u32 s19;
	s28 =	smov.u32 @p0 s0;
	s0 =	smov.u32 s19  }
0x68: {  	p0 =	sgt.s32 s19, $0x2;
	s30 =	smov.u32 @p4 s26;
	s0 =	smov.u32 @p1 s2  }
0x69: {  	s2 =	smov.u32 s19;
	s8 =	sshll.u32 s28, $0x4;
	s29 =	smov.u32 @p0 s24  }
0x6a: {  	s24 =	smov.u32 s19;
	s9 =	sshll.u32 s28, $0x6;
	p0 =	sgt.u32 s21, $0x2  }
0x6b: {  	s2 =	smov.u32 @p2 s23;
	s24 =	smov.u32 @p3 s25;
	s23 =	sand.u32 $0x70, s8  }
0x6c: {  	v6 =	vmov s17;
	s25 =	sand.u32 $0xFFFFFE00, s9;
	s10 =	sshll.u32 s0, $0x4;
	s0 =	sshll.u32 s0, $0x6  }
0x6d: {  	s31 =	sshll.u32 s29, $0x4;
	s29 =	sshll.u32 s29, $0x6;
	s8 =	sshll.u32 s30, $0x4  }
0x6e: {  	s30 =	sshll.u32 s30, $0x6;
	s11 =	sshll.u32 s2, $0x4;
	s2 =	sshll.u32 s2, $0x6  }
0x6f: {  	v9 =	vld [tilespmem:s15+$0x0];
	s1 =	sshll.u32 s24, $0x4;
	s24 =	sshll.u32 s24, $0x6;
	s26 =	sand.u32 $0x70, s10  }
0x70: {  	v13 =	vld [tilespmem:s15+$0xFFFFFFC0];
	s23 =	sor.u32 s23, s25;
	s0 =	sand.u32 $0xFFFFFE00, s0;
	s13 =	sand.u32 $0x70, s31  }
0x71: {  	s29 =	sand.u32 $0xFFFFFE00, s29;
	s0 =	sor.u32 s26, s0;
	v8 =	vld.idx.msk [tilespmem:v6+s23+$0x0 ss:$0x1], $0xffff;
	s1 =	sand.u32 $0x70, s1  }
.Ltmp5:
0x72: {  	s14 =	sor.u32 s13, s29;
	s24 =	sand.u32 $0xFFFFFE00, s24;
	v11 =	vld.idx.msk [tilespmem:v6+s0+$0x0 ss:$0x1], $0xffff;
	(pc) =	sbr.rel @!p0 .LBB2_32-.Ltmp5, $4  }
0x73: {  	s25 =	sand.u32 $0x70, s8;
	s26 =	sand.u32 $0xFFFFFE00, s30;
	v14 =	vld.idx.msk [tilespmem:v6+s14+$0x0 ss:$0x1], $0xffff;
	s24 =	sor.u32 s1, s24  }
0x74: {  	s30 =	sand.u32 $0x70, s11;
	s2 =	sand.u32 $0xFFFFFE00, s2;
	s29 =	sor.u32 s25, s26;
	v15 =	vld.idx.msk [tilespmem:v6+s24+$0x0 ss:$0x1], $0xffff  }
0x75: {  	v7 =	vimm.f32 $-Inf;
	s31 =	sor.u32 s30, s2;
	v17 =	vld.idx.msk [tilespmem:v6+s29+$0x0 ss:$0x1], $0xffff  }
0x76: {  	v5 =	vimm.f32 $+Inf;
	v12 =	vimm.f32 $-Inf;
	v10 =	vimm.f32 $+Inf;
	s23 =	simm.s32 $0x2;
	s25 =	sadd.s32 $0x200, s15;
	v16 =	vld.idx.msk [tilespmem:v6+s31+$0x0 ss:$0x1], $0xffff;
	s24 =	simm.s32 $0x10  }
.LBB2_31:
0x77: {  	s0 =	sadd.s32 $0xFFFFFFFE, s24  }
0x78: {  	s1 =	sadd.s32 $0xFFFFFFFF, s24;
	p0 =	slt.s32 s24, s19;
	s2 =	sadd.s32 $0xFFFFFFFA, s24  }
0x79: {  	s8 =	sadd.s32 $0xFFFFFFFB, s24;
	s26 =	sadd.s32 $0xFFFFFFFC, s24;
	s28 =	smov.u32 s19  }
0x7a: {  	s29 =	smov.u32 s19;
	s30 =	smov.u32 s19;
	s23 =	sadd.s32 $0x2, s23  }
0x7b: {  	p4 =	slt.s32 s0, s19;
	p3 =	slt.s32 s1, s19;
	s28 =	smov.u32 @p0 s24  }
0x7c: {  	v1 =	vmax.f32 v1, v13;
	v4 =	vmax.f32 v4, v14;
	p2 =	slt.s32 s2, s19;
	p1 =	slt.s32 s8, s19;
	p0 =	slt.s32 s26, s19  }
0x7d: {  	v1 =	vmax.f32 v1, v9;
	v4 =	vmax.f32 v4, v11;
	s29 =	smov.u32 @p4 s0;
	s0 =	smov.u32 s19;
	s30 =	smov.u32 @p2 s2  }
0x7e: {  	v3 =	vmin.f32 v3, v13;
	v7 =	vmax.f32 v7, v15;
	s2 =	smov.u32 s19;
	s0 =	smov.u32 @p3 s1;
	s1 =	sshll.u32 s28, $0x4;
	v12 =	vmax.f32 v12, v17  }
0x7f: {  	v3 =	vmin.f32 v3, v9;
	s2 =	smov.u32 @p1 s8;
	s8 =	sshll.u32 s28, $0x6;
	s28 =	smov.u32 s19;
	v7 =	vmax.f32 v7, v16;
	v12 =	vmax.f32 v12, v8  }
0x80: {  	v2 =	vmin.f32 v2, v14;
	v5 =	vmin.f32 v5, v15;
	v9 =	vmin.f32 v10, v17;
	s28 =	smov.u32 @p0 s26;
	s1 =	sand.u32 $0x70, s1;
	s8 =	sand.u32 $0xFFFFFE00, s8  }
0x81: {  	v2 =	vmin.f32 v2, v11;
	s26 =	sshll.u32 s29, $0x4;
	s29 =	sshll.u32 s29, $0x6;
	s31 =	sshll.u32 s0, $0x4;
	v5 =	vmin.f32 v5, v16;
	v10 =	vmin.f32 v9, v8  }
0x82: {  	s10 =	sshll.u32 s30, $0x4;
	s30 =	sshll.u32 s30, $0x6;
	s0 =	sshll.u32 s0, $0x6  }
0x83: {  	s11 =	sshll.u32 s2, $0x4;
	s2 =	sshll.u32 s2, $0x6;
	s13 =	sshll.u32 s28, $0x4  }
0x84: {  	s28 =	sshll.u32 s28, $0x6;
	s26 =	sand.u32 $0x70, s26;
	s1 =	sor.u32 s1, s8;
	v9 =	vld [tilespmem:s25+$0x0]  }
0x85: {  	s8 =	sand.u32 $0x70, s10;
	s10 =	sand.u32 $0xFFFFFE00, s30;
	s29 =	sand.u32 $0xFFFFFE00, s29;
	v13 =	vld [tilespmem:s25+$0xFFFFFFC0]  }
0x86: {  	p0 =	slt.u32 s23, s21;
	s11 =	sand.u32 $0x70, s11;
	s26 =	sor.u32 s26, s29;
	v8 =	vld.idx.msk [tilespmem:v6+s1+$0x0 ss:$0x1], $0xffff  }
.Ltmp6:
0x87: {  	s2 =	sand.u32 $0xFFFFFE00, s2;
	s1 =	sor.u32 s8, s10;
	v11 =	vld.idx.msk [tilespmem:v6+s26+$0x0 ss:$0x1], $0xffff;
	(pc) =	sbr.rel @p0 .LBB2_31-.Ltmp6, $4  }
0x88: {  	s8 =	sand.u32 $0xFFFFFE00, s28;
	v14 =	vld.idx.msk [tilespmem:v6+s1+$0x0 ss:$0x1], $0xffff;
	s1 =	sor.u32 s11, s2;
	s2 =	sand.u32 $0x70, s13  }
0x89: {  	s0 =	sand.u32 $0xFFFFFE00, s0;
	v15 =	vld.idx.msk [tilespmem:v6+s1+$0x0 ss:$0x1], $0xffff;
	s1 =	sor.u32 s2, s8;
	s2 =	sand.u32 $0x70, s31  }
0x8a: {  	v17 =	vld.idx.msk [tilespmem:v6+s1+$0x0 ss:$0x1], $0xffff;
	s0 =	sor.u32 s2, s0  }
0x8b: {  	s24 =	sadd.s32 $0x8, s24;
	s25 =	sadd.s32 $0x200, s25;
	v16 =	vld.idx.msk [tilespmem:v6+s0+$0x0 ss:$0x1], $0xffff  }
.LBB2_32:
0x8c: {  	v1 =	vmax.f32 v1, v13  }
.Ltmp7:
0x8d: {  	v3 =	vmin.f32 v3, v13;
	v4 =	vmax.f32 v4, v14;
	v1 =	vmax.f32 v1, v9;
	(pc) =	sbr.rel .LBB2_4-.Ltmp7, $4  }
0x8e: {  	v3 =	vmin.f32 v3, v9;
	v2 =	vmin.f32 v2, v14;
	v4 =	vmax.f32 v4, v11  }
0x8f: {  	v6 =	vmax.f32 v7, v15;
	v5 =	vmin.f32 v5, v15;
	v2 =	vmin.f32 v2, v11  }
0x90: {  	v7 =	vmax.f32 v12, v17;
	v9 =	vmin.f32 v10, v17;
	v6 =	vmax.f32 v6, v16  }
0x91: {  	v7 =	vmax.f32 v7, v8;
	v5 =	vmin.f32 v5, v16;
	v8 =	vmin.f32 v9, v8  }
.LBB2_3:
0x92: {  	v6 =	vimm.f32 $-Inf  }
0x93: {  	v5 =	vimm.f32 $+Inf;
	v7 =	vimm.f32 $-Inf;
	v8 =	vimm.f32 $+Inf  }
.LBB2_4:
0x94: {  	p0 =	seq.s32 s21, s20  }
.Ltmp8:
0x95: {  	_ = 	snop;
	(pc) =	sbr.rel @p0 .LBB2_7-.Ltmp8, $1  }
0x96: {  	_ =	sdelay $0x3  }
0x97: {  	s2 =	sshrl.u32 s22, $0x3;
	s31 =	sand.u32 $0xFFFFFFF8, s22  }
0x98: {  	v9 =	vmov s17;
	s0 =	sshll.u32 s2, $0x9;
	s2 =	sshll.u32 s2, $0x7;
	s22 =	sor.u32 $0x4, s31  }
.LBB2_6:
0x99: {  	s1 =	sadd.s32 $0xFFFFFFFE, s22  }
0x9a: {  	s8 =	sadd.s32 $0xFFFFFFFF, s22;
	s10 =	smov.u32 s19;
	s11 =	smov.u32 s19  }
0x9b: {  	s23 =	sand.u32 $0x40, s2;
	p0 =	slt.s32 s1, s19;
	p1 =	slt.s32 s8, s19  }
0x9c: {  	s13 =	sand.u32 $0x7FFFFE00, s0;
	s10 =	smov.u32 @p0 s1;
	s11 =	smov.u32 @p1 s8  }
0x9d: {  	p0 =	slt.s32 s22, s19;
	s1 =	sor.u32 s23, s13;
	s13 =	smov.u32 s19  }
0x9e: {  	s24 =	sshll.u32 s10, $0x4;
	s10 =	sshll.u32 s10, $0x6;
	s25 =	sshll.u32 s11, $0x4  }
0x9f: {  	s13 =	smov.u32 @p0 s22;
	s11 =	sshll.u32 s11, $0x6;
	s8 =	sand.u32 $0x70, s24  }
0xa0: {  	s10 =	sand.u32 $0xFFFFFE00, s10;
	s26 =	sand.u32 $0xFFFFFE00, s11;
	s28 =	sshll.u32 s13, $0x4  }
0xa1: {  	v10 =	vld.idx.msk [tilespmem:v9+s1+$0x10 ss:$0x1], $0xffff;
	s13 =	sshll.u32 s13, $0x6;
	s8 =	sor.u32 s8, s10;
	s10 =	sand.u32 $0x70, s25  }
0xa2: {  	s29 =	sand.u32 $0x70, s28;
	s30 =	sand.u32 $0xFFFFFE00, s13;
	v11 =	vld.idx.msk [tilespmem:v9+s8+$0x0 ss:$0x1], $0xffff;
	s1 =	sor.u32 s10, s26  }
0xa3: {  	s21 =	sadd.s32 $0x1, s21;
	s31 =	sor.u32 s29, s30;
	v12 =	vld.idx.msk [tilespmem:v9+s1+$0x0 ss:$0x1], $0xffff  }
0xa4: {  	p0 =	slt.u32 s21, s20;
	v13 =	vld.idx.msk [tilespmem:v9+s31+$0x0 ss:$0x1], $0xffff  }
.Ltmp9:
0xa5: {  	_ = 	snop;
	(pc) =	sbr.rel @p0 .LBB2_6-.Ltmp9, $4  }
0xa6: {  	_ = 	snop  }
0xa7: {  	v1 =	vmax.f32 v1, v10;
	v3 =	vmin.f32 v3, v10  }
0xa8: {  	v4 =	vmax.f32 v4, v11;
	v2 =	vmin.f32 v2, v11;
	v6 =	vmax.f32 v6, v12  }
0xa9: {  	s0 =	sadd.s32 $0x100, s0;
	s2 =	sadd.s32 $0x40, s2;
	s22 =	sadd.s32 $0x4, s22;
	v7 =	vmax.f32 v7, v13;
	v5 =	vmin.f32 v5, v12;
	v8 =	vmin.f32 v8, v13  }
.LBB2_7:
0xaa: {  	s0 =	smulhi.u32 $0x66666667, s18;
	s1 =	sshra.s32 s18, $0x1F;
	s19 =	sshll.u32 s18, $0x1  }
0xab: {  	s1 =	smul.u32 $0x66666667, s1;
	s2 =	sadd.s32 $0x4, s19  }
0xac: {  	s7 =	smulhi.u32 $0x66666667, s2;
	s8 =	sshra.s32 s2, $0x1F  }
0xad: {  	s0 =	sadd.s32 s1, s0;
	s8 =	smul.u32 $0x66666667, s8  }
0xae: {  	s10 =	sshrl.u32 s0, $0x1F;
	s0 =	sshra.s32 s0, $0x1  }
0xaf: {  	s0 =	sadd.s32 s10, s0;
	s1 =	sadd.s32 s8, s7  }
0xb0: {  	s10 =	smul.u32 $0xFFFFFFFB, s0;
	s11 =	sshrl.u32 s1, $0x1F;
	s1 =	sshra.s32 s1, $0x1  }
0xb1: {  	s9 =	ssub.s32 $0x0, s18;
	s1 =	sadd.s32 s11, s1  }
0xb2: {  	p0 =	slt.s32 s18, $0x1;
	p1 =	sne.s32 s10, s9;
	s13 =	smul.u32 $0xFFFFFFFB, s1  }
0xb3: {  	s14 =	ssub.s32 $0xFFFFFFFC, s19;
	p2 =	slt.s32 s2, $0x1;
	p0 =	por !p0, !p1  }
0xb4: {  	s10 =	simm.s32 $0x1;
	p0 =	por !p0, !p0;
	p3 =	sne.s32 s13, s14  }
0xb5: {  	s10 =	simm.s32 @!p0 $0x0;
	p0 =	por !p2, !p3  }
0xb6: {  	s2 =	simm.s32 $0x1;
	s0 =	ssub.s32 s0, s10;
	p0 =	por !p0, !p0  }
0xb7: {  	s20 =	sshra.s32 s0, $0x1F;
	s2 =	simm.s32 @!p0 $0x0  }
0xb8: {  	s10 =	sand.u32 $0xF, s0;
	p4 =	slt.s32 s0, $0x1;
	s8 =	sshrl.u32 s20, $0x1C  }
0xb9: {  	p5 =	sne.s32 s10, $0x0;
	s1 =	ssub.s32 s1, s2;
	s2 =	simm.s32 $0x1  }
0xba: {  	s8 =	sadd.s32 s8, s0;
	p0 =	por !p4, !p5;
	s21 =	sadd.s32 $0xFFFFFFFF, s1  }
0xbb: {  	p6 =	slt.s32 s1, $0x2;
	s22 =	sshra.s32 s8, $0x4;
	s24 =	sand.u32 $0xF, s21  }
0xbc: {  	p0 =	por !p0, !p0;
	s23 =	sshra.s32 s21, $0x1F;
	p2 =	sne.s32 s24, $0x0  }
0xbd: {  	s2 =	simm.s32 @!p0 $0x0;
	s10 =	sshrl.u32 s23, $0x1C;
	p1 =	por !p6, !p2  }
0xbe: {  	s8 =	sadd.s32 s10, s21;
	s10 =	simm.s32 $0x1;
	p1 =	por !p1, !p1  }
0xbf: {  	s2 =	ssub.s32 s22, s2;
	s8 =	sshra.s32 s8, $0x4;
	s10 =	simm.s32 @!p1 $0x0  }
0xc0: {  	s25 =	sshll.u32 s2, $0x4;
	s13 =	sshll.u32 s2, $0x6;
	s23 =	ssub.s32 s8, s10  }
0xc1: {  	s2 =	sadd.s32 $0x1, s2;
	s29 =	sshll.u32 s23, $0x4;
	s30 =	sshll.u32 s23, $0x6  }
0xc2: {  	s28 =	sand.u32 $0xFFFFFE00, s13;
	s20 =	sand.u32 $0x70, s29;
	s13 =	sand.u32 $0xFFFFFE00, s30  }
0xc3: {  	s13 =	sor.u32 s20, s13;
	s20 =	ssub.s32 s23, s2  }
0xc4: {  	p1 =	sgt.s32 s20, $0x0  }
0xc5: {  	v1 =	vmax.f32 v1, v4;
	v4 =	vmax.f32 v6, v7;
	s26 =	sand.u32 $0x70, s25;
	s20 =	simm.s32 @!p1 $0x0  }
0xc6: {  	v2 =	vmin.f32 v3, v2;
	v3 =	vmin.f32 v5, v8;
	v1 =	vmax.f32 v1, v4;
	s8 =	sor.u32 s26, s28;
	s24 =	sadd.s32 $0x3, s20  }
0xc7: {  	v2 =	vmin.f32 v2, v3;
	(xrf0) =	vmax.scan.msk.f32 $0xffff, v1;
	s8 =	sadd.s32 s17, s8;
	s20 =	sshrl.u32 s24, $0x2  }
0xc8: {  	(xrf0) =	vmin.scan.msk.f32 $0xffff, v2;
	v4 =	vld [tilespmem:s8+$0x0];
	s31 =	sadd.s32 s17, s13;
	s21 =	sand.u32 $0x1FFFFFFE, s20  }
0xc9: {  	v6 =	vld [tilespmem:s31+$0x0];
	p1 =	seq.s32 s21, $0x0  }
.Ltmp10:
0xca: {  	v1 =	vor.u32 s25, v0;
	(pc) =	sbr.rel @p1 .LBB2_8-.Ltmp10, $4  }
0xcb: {  	vm10 =	vge.s32 v1, s0;
	vm11 =	vlt.s32 v1, s1;
	v1 =	vor.u32 s29, v0  }
0xcc: {  	vm10 =	vmand vm10, vm11;
	vm11 =	vge.s32 v1, s0;
	vm12 =	vlt.s32 v1, s1  }
0xcd: {  	v2, _, _ =	vpop (xrf0);
	s25 =	simm.s32 $0xFFFFFFFF;
	vm11 =	vmand vm11, vm12;
	v3 =	vnsel vm10, $0xFF800000, v4  }
0xce: {  	s25 =	simm.s32 @!p0 $0x0;
	v1, _, _ =	vpop (xrf0);
	v4 =	vnsel vm10, $0x7F800000, v4;
	v5 =	vnsel vm11, $0xFF800000, v6;
	v6 =	vnsel vm11, $0x7F800000, v6  }
0xcf: {  	s0 =	sshll.u32 s2, $0x4;
	s26 =	sadd.s32 $0xFFFFFFFF, s23  }
0xd0: {  	s1 =	sadd.s32 s25, s22;
	s9 =	sshll.u32 s22, $0x6;
	s8 =	sshll.u32 s25, $0x6  }
0xd1: {  	s0 =	sand.u32 $0x70, s0;
	s10 =	sshll.u32 s1, $0x4;
	s31 =	sadd.s32 s8, s9  }
0xd2: {  	s29 =	sadd.s32 $0x8, s1;
	s30 =	smov.u32 s26;
	s4 =	smov.u32 s26  }
0xd3: {  	s6 =	smov.u32 s26;
	s0 =	sadd.s32 s17, s0;
	s28 =	sadd.s32 $0x50, s10  }
0xd4: {  	s11 =	sadd.s32 $0x140, s31;
	s13 =	sadd.s32 $0x40, s31;
	s2 =	sadd.s32 $0xFFFFFFFE, s29  }
0xd5: {  	s8 =	sadd.s32 $0xFFFFFFFF, s29;
	p0 =	slt.s32 s29, s26;
	s10 =	sadd.s32 $0xFFFFFFFA, s29  }
0xd6: {  	v10 =	vmov s0;
	s14 =	sand.u32 $0x70, s28;
	s0 =	sand.u32 $0xFFFFFE00, s11;
	s1 =	sand.u32 $0xFFFFFE00, s13  }
0xd7: {  	s11 =	sadd.s32 $0xFFFFFFFB, s29;
	s13 =	sadd.s32 $0xFFFFFFFC, s29;
	p1 =	slt.s32 s2, s26  }
0xd8: {  	p2 =	slt.s32 s8, s26;
	s30 =	smov.u32 @p0 s29;
	p0 =	slt.s32 s10, s26  }
0xd9: {  	s0 =	sor.u32 s14, s0;
	p3 =	slt.s32 s11, s26;
	p4 =	slt.s32 s13, s26  }
0xda: {  	s4 =	smov.u32 @p1 s2;
	s6 =	smov.u32 @p2 s8;
	s2 =	smov.u32 s26  }
0xdb: {  	s8 =	smov.u32 s26;
	s7 =	sshll.u32 s30, $0x4;
	s3 =	sshll.u32 s30, $0x6  }
0xdc: {  	v9 =	vmov s17;
	s2 =	smov.u32 @p0 s10;
	s8 =	smov.u32 @p3 s11;
	s10 =	smov.u32 s26  }
0xdd: {  	s7 =	sand.u32 $0x70, s7;
	s11 =	sand.u32 $0xFFFFFE00, s3;
	s5 =	sshll.u32 s4, $0x4  }
0xde: {  	s4 =	sshll.u32 s4, $0x6;
	s30 =	sshll.u32 s6, $0x4;
	s6 =	sshll.u32 s6, $0x6  }
0xdf: {  	p0 =	sgt.u32 s21, $0x2;
	s10 =	smov.u32 @p4 s13;
	s3 =	sshll.u32 s2, $0x4  }
0xe0: {  	s2 =	sshll.u32 s2, $0x6;
	s9 =	sshll.u32 s8, $0x4;
	s8 =	sshll.u32 s8, $0x6  }
0xe1: {  	v16 =	vld.idx.msk [tilespmem:v9+s0+$0x0 ss:$0x1], $0xffff;
	s13 =	sand.u32 $0x70, s5;
	s7 =	sor.u32 s7, s11;
	s4 =	sand.u32 $0xFFFFFE00, s4  }
0xe2: {  	s14 =	sshll.u32 s10, $0x4;
	s3 =	sand.u32 $0x70, s3;
	s2 =	sand.u32 $0xFFFFFE00, s2;
	v12 =	vld.idx.msk [tilespmem:v9+s7+$0x0 ss:$0x1], $0xffff  }
.Ltmp11:
0xe3: {  	s5 =	sand.u32 $0x70, s9;
	s0 =	sor.u32 s13, s4;
	v14 =	vld.idx.msk [tilespmem:v10+s1+$0x0 ss:$0x1], $0xffff;
	(pc) =	sbr.rel @!p0 .LBB2_35-.Ltmp11, $4  }
0xe4: {  	s8 =	sand.u32 $0xFFFFFE00, s8;
	s1 =	sshll.u32 s10, $0x6;
	s2 =	sor.u32 s3, s2;
	v15 =	vld.idx.msk [tilespmem:v9+s0+$0x0 ss:$0x1], $0xffff  }
0xe5: {  	s9 =	sor.u32 s5, s8;
	s10 =	sand.u32 $0x70, s14;
	v17 =	vld.idx.msk [tilespmem:v9+s2+$0x0 ss:$0x1], $0xffff;
	s1 =	sand.u32 $0xFFFFFE00, s1  }
0xe6: {  	v8 =	vimm.f32 $-Inf;
	s13 =	sand.u32 $0x70, s30;
	s14 =	sand.u32 $0xFFFFFE00, s6;
	v18 =	vld.idx.msk [tilespmem:v9+s9+$0x0 ss:$0x1], $0xffff;
	s11 =	sor.u32 s10, s1  }
0xe7: {  	v7 =	vimm.f32 $+Inf;
	v13 =	vimm.f32 $-Inf;
	v11 =	vimm.f32 $+Inf;
	s31 =	sadd.s32 $0x200, s31;
	s30 =	simm.s32 $0x2;
	s0 =	sor.u32 s13, s14;
	v19 =	vld.idx.msk [tilespmem:v9+s11+$0x0 ss:$0x1], $0xffff  }
.LBB2_34:
0xe8: {  	s1 =	sadd.s32 $0x140, s31  }
0xe9: {  	v20 =	vld.idx.msk [tilespmem:v9+s0+$0x0 ss:$0x1], $0xffff;
	s28 =	sadd.s32 $0x80, s28;
	s0 =	sadd.s32 $0x40, s31;
	s29 =	sadd.s32 $0x8, s29  }
0xea: {  	s8 =	smov.u32 s26;
	s9 =	smov.u32 s26;
	s10 =	smov.u32 s26  }
0xeb: {  	s30 =	sadd.s32 $0x2, s30;
	s3 =	sand.u32 $0x70, s28;
	s1 =	sand.u32 $0xFFFFFE00, s1  }
0xec: {  	s2 =	sand.u32 $0xFFFFFE00, s0;
	p0 =	slt.s32 s29, s26;
	s4 =	sadd.s32 $0xFFFFFFFA, s29  }
0xed: {  	s6 =	sadd.s32 $0xFFFFFFFB, s29;
	s7 =	sadd.s32 $0xFFFFFFFC, s29;
	s0 =	sor.u32 s3, s1  }
0xee: {  	v3 =	vmax.f32 v3, v14;
	s1 =	sadd.s32 $0xFFFFFFFE, s29;
	s3 =	sadd.s32 $0xFFFFFFFF, s29;
	v5 =	vmax.f32 v5, v17;
	s8 =	smov.u32 @p0 s29  }
0xef: {  	v3 =	vmax.f32 v3, v16;
	p2 =	slt.s32 s4, s26;
	p1 =	slt.s32 s6, s26;
	p0 =	slt.s32 s7, s26;
	v5 =	vmax.f32 v5, v15  }
0xf0: {  	v4 =	vmin.f32 v4, v14;
	p4 =	slt.s32 s1, s26;
	p3 =	slt.s32 s3, s26;
	v8 =	vmax.f32 v8, v18;
	s10 =	smov.u32 @p2 s4;
	v13 =	vmax.f32 v13, v19  }
0xf1: {  	v4 =	vmin.f32 v4, v16;
	s4 =	smov.u32 s26;
	s9 =	smov.u32 @p4 s1;
	s1 =	smov.u32 s26;
	v8 =	vmax.f32 v8, v20;
	v13 =	vmax.f32 v13, v12  }
0xf2: {  	v6 =	vmin.f32 v6, v17;
	v7 =	vmin.f32 v7, v18;
	v11 =	vmin.f32 v11, v19;
	s4 =	smov.u32 @p1 s6;
	s1 =	smov.u32 @p3 s3;
	s3 =	sshll.u32 s8, $0x4  }
0xf3: {  	v6 =	vmin.f32 v6, v15;
	s6 =	sshll.u32 s8, $0x6;
	s13 =	sshll.u32 s10, $0x4;
	v7 =	vmin.f32 v7, v20;
	v11 =	vmin.f32 v11, v12;
	s8 =	smov.u32 s26  }
0xf4: {  	s6 =	sand.u32 $0xFFFFFE00, s6;
	s8 =	smov.u32 @p0 s7;
	s3 =	sand.u32 $0x70, s3  }
0xf5: {  	s7 =	sshll.u32 s9, $0x4;
	s9 =	sshll.u32 s9, $0x6;
	s11 =	sshll.u32 s1, $0x4  }
0xf6: {  	s10 =	sshll.u32 s10, $0x6;
	s14 =	sshll.u32 s4, $0x4;
	s1 =	sshll.u32 s1, $0x6  }
0xf7: {  	s4 =	sshll.u32 s4, $0x6;
	p0 =	slt.u32 s30, s21;
	s5 =	sshll.u32 s8, $0x4  }
0xf8: {  	s7 =	sand.u32 $0x70, s7;
	s3 =	sor.u32 s3, s6;
	v14 =	vld.idx.msk [tilespmem:v10+s2+$0x0 ss:$0x1], $0xffff;
	s2 =	sshll.u32 s8, $0x6  }
0xf9: {  	s6 =	sand.u32 $0x70, s13;
	s8 =	sand.u32 $0xFFFFFE00, s10;
	v16 =	vld.idx.msk [tilespmem:v9+s0+$0x0 ss:$0x1], $0xffff;
	s0 =	sand.u32 $0xFFFFFE00, s9  }
.Ltmp12:
0xfa: {  	s9 =	sand.u32 $0x70, s14;
	s0 =	sor.u32 s7, s0;
	v12 =	vld.idx.msk [tilespmem:v9+s3+$0x0 ss:$0x1], $0xffff;
	(pc) =	sbr.rel @p0 .LBB2_34-.Ltmp12, $4  }
0xfb: {  	s4 =	sand.u32 $0xFFFFFE00, s4;
	s3 =	sor.u32 s6, s8;
	v15 =	vld.idx.msk [tilespmem:v9+s0+$0x0 ss:$0x1], $0xffff  }
0xfc: {  	s2 =	sand.u32 $0xFFFFFE00, s2;
	s0 =	sor.u32 s9, s4;
	v17 =	vld.idx.msk [tilespmem:v9+s3+$0x0 ss:$0x1], $0xffff;
	s3 =	sand.u32 $0x70, s5  }
0xfd: {  	s1 =	sand.u32 $0xFFFFFE00, s1;
	v18 =	vld.idx.msk [tilespmem:v9+s0+$0x0 ss:$0x1], $0xffff;
	s0 =	sor.u32 s3, s2;
	s2 =	sand.u32 $0x70, s11  }
0xfe: {  	s31 =	sadd.s32 $0x200, s31;
	v19 =	vld.idx.msk [tilespmem:v9+s0+$0x0 ss:$0x1], $0xffff;
	s0 =	sor.u32 s2, s1  }
.LBB2_35:
0xff: {  	_ =	sdelay $0x3  }
0x100: {  	v10 =	vld.idx.msk [tilespmem:v9+s0+$0x0 ss:$0x1], $0xffff  }
0x101: {  	v3 =	vmax.f32 v3, v14  }
.Ltmp13:
0x102: {  	v4 =	vmin.f32 v4, v14;
	v3 =	vmax.f32 v3, v16;
	v5 =	vmax.f32 v5, v17;
	(pc) =	sbr.rel .LBB2_9-.Ltmp13, $4  }
0x103: {  	v4 =	vmin.f32 v4, v16;
	v6 =	vmin.f32 v6, v17;
	v5 =	vmax.f32 v5, v15  }
0x104: {  	v8 =	vmax.f32 v8, v18;
	v7 =	vmin.f32 v7, v18;
	v6 =	vmin.f32 v6, v15  }
0x105: {  	v9 =	vmax.f32 v13, v19;
	v11 =	vmin.f32 v11, v19;
	v8 =	vmax.f32 v8, v10  }
0x106: {  	v9 =	vmax.f32 v9, v12;
	v7 =	vmin.f32 v7, v10;
	v10 =	vmin.f32 v11, v12  }
.LBB2_8:
0x107: {  	v8 =	vimm.f32 $-Inf  }
0x108: {  	v7 =	vimm.f32 $+Inf;
	v9 =	vimm.f32 $-Inf;
	v10 =	vimm.f32 $+Inf  }
.LBB2_9:
0x109: {  	p0 =	seq.s32 s21, s20  }
.Ltmp14:
0x10a: {  	_ = 	snop;
	(pc) =	sbr.rel @p0 .LBB2_12-.Ltmp14, $1  }
0x10b: {  	_ =	sdelay $0x3  }
0x10c: {  	s0 =	sand.u32 $0xFFFFFFF8, s24  }
0x10d: {  	s0 =	sadd.s32 s0, s22  }
0x10e: {  	s1 =	sadd.s32 s25, s0  }
0x10f: {  	s0 =	sadd.s32 $0xFFFFFFFF, s23;
	s8 =	sadd.s32 $0x1, s1  }
0x110: {  	v11 =	vmov s17;
	s23 =	sadd.s32 $0x4, s1;
	s2 =	sshll.u32 s8, $0x6;
	s22 =	sshll.u32 s8, $0x4  }
.LBB2_11:
0x111: {  	s1 =	sadd.s32 $0xFFFFFFFE, s23  }
0x112: {  	s3 =	sadd.s32 $0xFFFFFFFF, s23;
	s4 =	smov.u32 s0;
	s5 =	smov.u32 s0  }
0x113: {  	s14 =	sand.u32 $0x70, s22;
	p0 =	slt.s32 s1, s0;
	p1 =	slt.s32 s3, s0  }
0x114: {  	s6 =	sand.u32 $0xFFFFFE00, s2;
	s4 =	smov.u32 @p0 s1;
	s5 =	smov.u32 @p1 s3  }
0x115: {  	p0 =	slt.s32 s23, s0;
	s1 =	sor.u32 s14, s6;
	s6 =	smov.u32 s0  }
0x116: {  	s24 =	sshll.u32 s4, $0x4;
	s4 =	sshll.u32 s4, $0x6;
	s25 =	sshll.u32 s5, $0x4  }
0x117: {  	s6 =	smov.u32 @p0 s23;
	s5 =	sshll.u32 s5, $0x6;
	s3 =	sand.u32 $0x70, s24  }
0x118: {  	s4 =	sand.u32 $0xFFFFFE00, s4;
	s26 =	sand.u32 $0xFFFFFE00, s5;
	s28 =	sshll.u32 s6, $0x4  }
0x119: {  	v12 =	vld.idx.msk [tilespmem:v11+s1+$0x0 ss:$0x1], $0xffff;
	s6 =	sshll.u32 s6, $0x6;
	s3 =	sor.u32 s3, s4;
	s4 =	sand.u32 $0x70, s25  }
0x11a: {  	s29 =	sand.u32 $0x70, s28;
	s30 =	sand.u32 $0xFFFFFE00, s6;
	v13 =	vld.idx.msk [tilespmem:v11+s3+$0x0 ss:$0x1], $0xffff;
	s1 =	sor.u32 s4, s26  }
0x11b: {  	s21 =	sadd.s32 $0x1, s21;
	s31 =	sor.u32 s29, s30;
	v14 =	vld.idx.msk [tilespmem:v11+s1+$0x0 ss:$0x1], $0xffff  }
0x11c: {  	p0 =	slt.u32 s21, s20;
	v15 =	vld.idx.msk [tilespmem:v11+s31+$0x0 ss:$0x1], $0xffff  }
.Ltmp15:
0x11d: {  	_ = 	snop;
	(pc) =	sbr.rel @p0 .LBB2_11-.Ltmp15, $4  }
0x11e: {  	_ = 	snop  }
0x11f: {  	v3 =	vmax.f32 v3, v12;
	v4 =	vmin.f32 v4, v12  }
0x120: {  	v5 =	vmax.f32 v5, v13;
	v6 =	vmin.f32 v6, v13;
	v8 =	vmax.f32 v8, v14  }
0x121: {  	s2 =	sadd.s32 $0x100, s2;
	s22 =	sadd.s32 $0x40, s22;
	s23 =	sadd.s32 $0x4, s23;
	v9 =	vmax.f32 v9, v15;
	v7 =	vmin.f32 v7, v14;
	v10 =	vmin.f32 v10, v15  }
.LBB2_12:
0x122: {  	s0 =	smulhi.u32 $0x66666667, s19  }
0x123: {  	s1 =	sshra.s32 s19, $0x1F;
	s20 =	smul.u32 $0x3, s18  }
0x124: {  	s1 =	smul.u32 $0x66666667, s1  }
0x125: {  	s2 =	sadd.s32 $0x4, s20  }
0x126: {  	s0 =	sadd.s32 s1, s0;
	s10 =	smulhi.u32 $0x66666667, s2;
	s3 =	sshra.s32 s2, $0x1F  }
0x127: {  	s4 =	sshrl.u32 s0, $0x1F;
	s0 =	sshra.s32 s0, $0x1;
	s3 =	smul.u32 $0x66666667, s3  }
0x128: {  	s0 =	sadd.s32 s4, s0  }
0x129: {  	s4 =	smul.u32 $0xFFFFFFFB, s0;
	s1 =	sadd.s32 s3, s10  }
0x12a: {  	s11 =	ssub.s32 $0x0, s19;
	s5 =	sshrl.u32 s1, $0x1F;
	s1 =	sshra.s32 s1, $0x1  }
0x12b: {  	p0 =	slt.s32 s19, $0x1;
	p1 =	sne.s32 s4, s11;
	s1 =	sadd.s32 s5, s1  }
0x12c: {  	p0 =	por !p0, !p1;
	s13 =	smul.u32 $0xFFFFFFFB, s1  }
0x12d: {  	s14 =	ssub.s32 $0xFFFFFFFC, s20;
	s4 =	simm.s32 $0x1;
	p0 =	por !p0, !p0  }
0x12e: {  	p2 =	slt.s32 s2, $0x1;
	s4 =	simm.s32 @!p0 $0x0;
	p3 =	sne.s32 s13, s14  }
0x12f: {  	s2 =	simm.s32 $0x1;
	s0 =	ssub.s32 s0, s4;
	p0 =	por !p2, !p3  }
0x130: {  	p0 =	por !p0, !p0;
	s19 =	sshra.s32 s0, $0x1F;
	s4 =	sand.u32 $0xF, s0  }
0x131: {  	p4 =	slt.s32 s0, $0x1;
	s2 =	simm.s32 @!p0 $0x0;
	s3 =	sshrl.u32 s19, $0x1C  }
0x132: {  	p5 =	sne.s32 s4, $0x0;
	s3 =	sadd.s32 s3, s0;
	s1 =	ssub.s32 s1, s2  }
0x133: {  	p0 =	por !p4, !p5;
	s2 =	simm.s32 $0x1;
	s21 =	sadd.s32 $0xFFFFFFFF, s1  }
0x134: {  	s22 =	sshra.s32 s3, $0x4;
	p0 =	por !p0, !p0;
	s24 =	sand.u32 $0xF, s21  }
0x135: {  	p6 =	slt.s32 s1, $0x2;
	s23 =	sshra.s32 s21, $0x1F;
	p2 =	sne.s32 s24, $0x0  }
0x136: {  	s2 =	simm.s32 @!p0 $0x0;
	s4 =	sshrl.u32 s23, $0x1C;
	p1 =	por !p6, !p2  }
0x137: {  	s3 =	sadd.s32 s4, s21;
	s4 =	simm.s32 $0x1;
	p1 =	por !p1, !p1  }
0x138: {  	s2 =	ssub.s32 s22, s2;
	s3 =	sshra.s32 s3, $0x4;
	s4 =	simm.s32 @!p1 $0x0  }
0x139: {  	s25 =	sshll.u32 s2, $0x4;
	s6 =	sshll.u32 s2, $0x6;
	s23 =	ssub.s32 s3, s4  }
0x13a: {  	s2 =	sadd.s32 $0x1, s2;
	s29 =	sshll.u32 s23, $0x4;
	s30 =	sshll.u32 s23, $0x6  }
0x13b: {  	s28 =	sand.u32 $0xFFFFFE00, s6;
	s7 =	sand.u32 $0x70, s29;
	s6 =	sand.u32 $0xFFFFFE00, s30  }
0x13c: {  	s6 =	sor.u32 s7, s6;
	s7 =	ssub.s32 s23, s2  }
0x13d: {  	p1 =	sgt.s32 s7, $0x0  }
0x13e: {  	v3 =	vmax.f32 v3, v5;
	v5 =	vmax.f32 v8, v9;
	s26 =	sand.u32 $0x70, s25;
	s7 =	simm.s32 @!p1 $0x0  }
0x13f: {  	v4 =	vmin.f32 v4, v6;
	v3 =	vmax.f32 v3, v5;
	v5 =	vmin.f32 v7, v10;
	s3 =	sor.u32 s26, s28;
	s24 =	sadd.s32 $0x3, s7  }
0x140: {  	v4 =	vmin.f32 v4, v5;
	(xrf0) =	vmax.scan.msk.f32 $0xffff, v3;
	s3 =	sadd.s32 s17, s3;
	s19 =	sshrl.u32 s24, $0x2  }
0x141: {  	(xrf0) =	vmin.scan.msk.f32 $0xffff, v4;
	v6 =	vld [tilespmem:s3+$0x0];
	s31 =	sadd.s32 s17, s6;
	s21 =	sand.u32 $0x1FFFFFFE, s19  }
0x142: {  	v3 =	vor.u32 s25, v0;
	v8 =	vld [tilespmem:s31+$0x0];
	p1 =	seq.s32 s21, $0x0  }
.Ltmp16:
0x143: {  	vm10 =	vge.s32 v3, s0;
	vm11 =	vlt.s32 v3, s1;
	v3 =	vor.u32 s29, v0;
	(pc) =	sbr.rel @p1 .LBB2_13-.Ltmp16, $4  }
0x144: {  	_ = 	snop  }
0x145: {  	vm10 =	vmand vm10, vm11;
	vm11 =	vge.s32 v3, s0;
	vm12 =	vlt.s32 v3, s1  }
0x146: {  	s25 =	simm.s32 $0xFFFFFFFF;
	vm11 =	vmand vm11, vm12;
	v3, _, _ =	vpop (xrf0);
	v5 =	vnsel vm10, $0xFF800000, v6  }
0x147: {  	s25 =	simm.s32 @!p0 $0x0;
	v4, _, _ =	vpop (xrf0);
	v6 =	vnsel vm10, $0x7F800000, v6;
	v7 =	vnsel vm11, $0xFF800000, v8;
	v8 =	vnsel vm11, $0x7F800000, v8  }
0x148: {  	s0 =	sshll.u32 s2, $0x4;
	s26 =	sadd.s32 $0xFFFFFFFF, s23  }
0x149: {  	s1 =	sadd.s32 s25, s22;
	s9 =	sshll.u32 s22, $0x6;
	s3 =	sshll.u32 s25, $0x6  }
0x14a: {  	s0 =	sand.u32 $0x70, s0;
	s4 =	sshll.u32 s1, $0x4;
	s31 =	sadd.s32 s3, s9  }
0x14b: {  	s29 =	sadd.s32 $0x8, s1;
	s7 =	smov.u32 s26;
	s8 =	smov.u32 s26  }
0x14c: {  	s9 =	smov.u32 s26;
	s0 =	sadd.s32 s17, s0;
	s28 =	sadd.s32 $0x50, s4  }
0x14d: {  	s10 =	sadd.s32 $0x140, s31;
	s11 =	sadd.s32 $0x40, s31;
	s2 =	sadd.s32 $0xFFFFFFFE, s29  }
0x14e: {  	s3 =	sadd.s32 $0xFFFFFFFF, s29;
	p0 =	slt.s32 s29, s26;
	s4 =	sadd.s32 $0xFFFFFFFA, s29  }
0x14f: {  	s5 =	sadd.s32 $0xFFFFFFFB, s29;
	s6 =	sadd.s32 $0xFFFFFFFC, s29;
	s13 =	sand.u32 $0x70, s28  }
0x150: {  	v12 =	vmov s0;
	s0 =	sand.u32 $0xFFFFFE00, s10;
	s1 =	sand.u32 $0xFFFFFE00, s11;
	p1 =	slt.s32 s2, s26  }
0x151: {  	p2 =	slt.s32 s3, s26;
	s7 =	smov.u32 @p0 s29;
	p0 =	slt.s32 s4, s26  }
0x152: {  	p3 =	slt.s32 s5, s26;
	p4 =	slt.s32 s6, s26;
	s0 =	sor.u32 s13, s0  }
0x153: {  	s8 =	smov.u32 @p1 s2;
	s9 =	smov.u32 @p2 s3;
	s2 =	smov.u32 s26  }
0x154: {  	s3 =	smov.u32 s26;
	s10 =	sshll.u32 s7, $0x4;
	s14 =	sshll.u32 s7, $0x6  }
0x155: {  	s2 =	smov.u32 @p0 s4;
	s3 =	smov.u32 @p3 s5;
	s4 =	smov.u32 s26  }
0x156: {  	v11 =	vmov s17;
	s5 =	sand.u32 $0xFFFFFE00, s14;
	s7 =	sshll.u32 s8, $0x4;
	s8 =	sshll.u32 s8, $0x6  }
0x157: {  	p0 =	sgt.u32 s21, $0x2;
	s4 =	smov.u32 @p4 s6;
	s6 =	sand.u32 $0x70, s10  }
0x158: {  	s10 =	sshll.u32 s9, $0x4;
	s11 =	sshll.u32 s2, $0x4;
	s2 =	sshll.u32 s2, $0x6  }
0x159: {  	s9 =	sshll.u32 s9, $0x6;
	s13 =	sshll.u32 s3, $0x4;
	s3 =	sshll.u32 s3, $0x6  }
0x15a: {  	s14 =	sshll.u32 s4, $0x4;
	s5 =	sor.u32 s6, s5;
	v16 =	vld.idx.msk [tilespmem:v12+s1+$0x0 ss:$0x1], $0xffff;
	s1 =	sshll.u32 s4, $0x6  }
0x15b: {  	v18 =	vld.idx.msk [tilespmem:v11+s0+$0x0 ss:$0x1], $0xffff;
	s4 =	sand.u32 $0x70, s7;
	s7 =	sand.u32 $0x70, s11;
	s11 =	sand.u32 $0xFFFFFE00, s8  }
.Ltmp17:
0x15c: {  	s2 =	sand.u32 $0xFFFFFE00, s2;
	v14 =	vld.idx.msk [tilespmem:v11+s5+$0x0 ss:$0x1], $0xffff;
	s0 =	sor.u32 s4, s11;
	(pc) =	sbr.rel @!p0 .LBB2_38-.Ltmp17, $4  }
0x15d: {  	s13 =	sand.u32 $0x70, s13;
	s3 =	sand.u32 $0xFFFFFE00, s3;
	s2 =	sor.u32 s7, s2;
	v17 =	vld.idx.msk [tilespmem:v11+s0+$0x0 ss:$0x1], $0xffff  }
0x15e: {  	s8 =	sand.u32 $0x70, s14;
	s7 =	sor.u32 s13, s3;
	s1 =	sand.u32 $0xFFFFFE00, s1;
	v19 =	vld.idx.msk [tilespmem:v11+s2+$0x0 ss:$0x1], $0xffff  }
0x15f: {  	v10 =	vimm.f32 $-Inf;
	s14 =	sand.u32 $0xFFFFFE00, s9;
	s13 =	sand.u32 $0x70, s10;
	v20 =	vld.idx.msk [tilespmem:v11+s7+$0x0 ss:$0x1], $0xffff;
	s11 =	sor.u32 s8, s1  }
0x160: {  	v9 =	vimm.f32 $+Inf;
	s30 =	simm.s32 $0x2;
	v15 =	vimm.f32 $-Inf;
	v13 =	vimm.f32 $+Inf;
	s31 =	sadd.s32 $0x200, s31;
	s0 =	sor.u32 s13, s14;
	v21 =	vld.idx.msk [tilespmem:v11+s11+$0x0 ss:$0x1], $0xffff  }
.LBB2_37:
0x161: {  	s1 =	sadd.s32 $0x140, s31  }
0x162: {  	v22 =	vld.idx.msk [tilespmem:v11+s0+$0x0 ss:$0x1], $0xffff;
	s28 =	sadd.s32 $0x80, s28;
	s0 =	sadd.s32 $0x40, s31;
	s29 =	sadd.s32 $0x8, s29  }
0x163: {  	s7 =	smov.u32 s26;
	s8 =	smov.u32 s26;
	s9 =	smov.u32 s26  }
0x164: {  	s30 =	sadd.s32 $0x2, s30;
	s3 =	sand.u32 $0x70, s28;
	s1 =	sand.u32 $0xFFFFFE00, s1  }
0x165: {  	s2 =	sand.u32 $0xFFFFFE00, s0;
	p0 =	slt.s32 s29, s26;
	s4 =	sadd.s32 $0xFFFFFFFA, s29  }
0x166: {  	s5 =	sadd.s32 $0xFFFFFFFB, s29;
	s6 =	sadd.s32 $0xFFFFFFFC, s29;
	s0 =	sor.u32 s3, s1  }
0x167: {  	v5 =	vmax.f32 v5, v16;
	s1 =	sadd.s32 $0xFFFFFFFE, s29;
	s3 =	sadd.s32 $0xFFFFFFFF, s29;
	v7 =	vmax.f32 v7, v19;
	s7 =	smov.u32 @p0 s29  }
0x168: {  	v5 =	vmax.f32 v5, v18;
	p2 =	slt.s32 s4, s26;
	p1 =	slt.s32 s5, s26;
	p0 =	slt.s32 s6, s26;
	v7 =	vmax.f32 v7, v17  }
0x169: {  	v6 =	vmin.f32 v6, v16;
	p4 =	slt.s32 s1, s26;
	p3 =	slt.s32 s3, s26;
	v10 =	vmax.f32 v10, v20;
	s9 =	smov.u32 @p2 s4;
	v15 =	vmax.f32 v15, v21  }
0x16a: {  	v6 =	vmin.f32 v6, v18;
	s4 =	smov.u32 s26;
	s8 =	smov.u32 @p4 s1;
	s1 =	smov.u32 s26;
	v10 =	vmax.f32 v10, v22;
	v15 =	vmax.f32 v15, v14  }
0x16b: {  	v8 =	vmin.f32 v8, v19;
	v9 =	vmin.f32 v9, v20;
	v13 =	vmin.f32 v13, v21;
	s4 =	smov.u32 @p1 s5;
	s1 =	smov.u32 @p3 s3;
	s3 =	sshll.u32 s7, $0x4  }
0x16c: {  	v8 =	vmin.f32 v8, v17;
	s5 =	sshll.u32 s7, $0x6;
	s11 =	sshll.u32 s9, $0x4;
	v9 =	vmin.f32 v9, v22;
	v13 =	vmin.f32 v13, v14;
	s7 =	smov.u32 s26  }
0x16d: {  	s5 =	sand.u32 $0xFFFFFE00, s5;
	s7 =	smov.u32 @p0 s6;
	s3 =	sand.u32 $0x70, s3  }
0x16e: {  	s6 =	sshll.u32 s8, $0x4;
	s8 =	sshll.u32 s8, $0x6;
	s10 =	sshll.u32 s1, $0x4  }
0x16f: {  	s9 =	sshll.u32 s9, $0x6;
	s13 =	sshll.u32 s4, $0x4;
	s1 =	sshll.u32 s1, $0x6  }
0x170: {  	s4 =	sshll.u32 s4, $0x6;
	p0 =	slt.u32 s30, s21;
	s14 =	sshll.u32 s7, $0x4  }
0x171: {  	s6 =	sand.u32 $0x70, s6;
	s3 =	sor.u32 s3, s5;
	v16 =	vld.idx.msk [tilespmem:v12+s2+$0x0 ss:$0x1], $0xffff;
	s2 =	sshll.u32 s7, $0x6  }
0x172: {  	s5 =	sand.u32 $0x70, s11;
	s7 =	sand.u32 $0xFFFFFE00, s9;
	v18 =	vld.idx.msk [tilespmem:v11+s0+$0x0 ss:$0x1], $0xffff;
	s0 =	sand.u32 $0xFFFFFE00, s8  }
.Ltmp18:
0x173: {  	s8 =	sand.u32 $0x70, s13;
	s0 =	sor.u32 s6, s0;
	v14 =	vld.idx.msk [tilespmem:v11+s3+$0x0 ss:$0x1], $0xffff;
	(pc) =	sbr.rel @p0 .LBB2_37-.Ltmp18, $4  }
0x174: {  	s4 =	sand.u32 $0xFFFFFE00, s4;
	s3 =	sor.u32 s5, s7;
	v17 =	vld.idx.msk [tilespmem:v11+s0+$0x0 ss:$0x1], $0xffff  }
0x175: {  	s2 =	sand.u32 $0xFFFFFE00, s2;
	s0 =	sor.u32 s8, s4;
	v19 =	vld.idx.msk [tilespmem:v11+s3+$0x0 ss:$0x1], $0xffff;
	s3 =	sand.u32 $0x70, s14  }
0x176: {  	s1 =	sand.u32 $0xFFFFFE00, s1;
	v20 =	vld.idx.msk [tilespmem:v11+s0+$0x0 ss:$0x1], $0xffff;
	s0 =	sor.u32 s3, s2;
	s2 =	sand.u32 $0x70, s10  }
0x177: {  	s31 =	sadd.s32 $0x200, s31;
	v21 =	vld.idx.msk [tilespmem:v11+s0+$0x0 ss:$0x1], $0xffff;
	s0 =	sor.u32 s2, s1  }
.LBB2_38:
0x178: {  	_ =	sdelay $0x3  }
0x179: {  	v12 =	vld.idx.msk [tilespmem:v11+s0+$0x0 ss:$0x1], $0xffff  }
0x17a: {  	v5 =	vmax.f32 v5, v16  }
.Ltmp19:
0x17b: {  	v6 =	vmin.f32 v6, v16;
	v5 =	vmax.f32 v5, v18;
	v7 =	vmax.f32 v7, v19;
	(pc) =	sbr.rel .LBB2_14-.Ltmp19, $4  }
0x17c: {  	v6 =	vmin.f32 v6, v18;
	v8 =	vmin.f32 v8, v19;
	v7 =	vmax.f32 v7, v17  }
0x17d: {  	v10 =	vmax.f32 v10, v20;
	v9 =	vmin.f32 v9, v20;
	v8 =	vmin.f32 v8, v17  }
0x17e: {  	v11 =	vmax.f32 v15, v21;
	v13 =	vmin.f32 v13, v21;
	v10 =	vmax.f32 v10, v12  }
0x17f: {  	v11 =	vmax.f32 v11, v14;
	v9 =	vmin.f32 v9, v12;
	v12 =	vmin.f32 v13, v14  }
.LBB2_13:
0x180: {  	v10 =	vimm.f32 $-Inf  }
0x181: {  	v9 =	vimm.f32 $+Inf;
	v11 =	vimm.f32 $-Inf;
	v12 =	vimm.f32 $+Inf  }
.LBB2_14:
0x182: {  	p0 =	seq.s32 s21, s19  }
.Ltmp20:
0x183: {  	_ = 	snop;
	(pc) =	sbr.rel @p0 .LBB2_17-.Ltmp20, $1  }
0x184: {  	_ =	sdelay $0x3  }
0x185: {  	s0 =	sand.u32 $0xFFFFFFF8, s24  }
0x186: {  	s0 =	sadd.s32 s0, s22  }
0x187: {  	s1 =	sadd.s32 s25, s0  }
0x188: {  	s0 =	sadd.s32 $0xFFFFFFFF, s23;
	s3 =	sadd.s32 $0x1, s1  }
0x189: {  	v13 =	vmov s17;
	s23 =	sadd.s32 $0x4, s1;
	s2 =	sshll.u32 s3, $0x6;
	s22 =	sshll.u32 s3, $0x4  }
.LBB2_16:
0x18a: {  	s1 =	sadd.s32 $0xFFFFFFFE, s23  }
0x18b: {  	s3 =	sadd.s32 $0xFFFFFFFF, s23;
	s4 =	smov.u32 s0;
	s5 =	smov.u32 s0  }
0x18c: {  	s14 =	sand.u32 $0x70, s22;
	p0 =	slt.s32 s1, s0;
	p1 =	slt.s32 s3, s0  }
0x18d: {  	s6 =	sand.u32 $0xFFFFFE00, s2;
	s4 =	smov.u32 @p0 s1;
	s5 =	smov.u32 @p1 s3  }
0x18e: {  	p0 =	slt.s32 s23, s0;
	s1 =	sor.u32 s14, s6;
	s6 =	smov.u32 s0  }
0x18f: {  	s24 =	sshll.u32 s4, $0x4;
	s4 =	sshll.u32 s4, $0x6;
	s25 =	sshll.u32 s5, $0x4  }
0x190: {  	s6 =	smov.u32 @p0 s23;
	s5 =	sshll.u32 s5, $0x6;
	s3 =	sand.u32 $0x70, s24  }
0x191: {  	s4 =	sand.u32 $0xFFFFFE00, s4;
	s26 =	sand.u32 $0xFFFFFE00, s5;
	s28 =	sshll.u32 s6, $0x4  }
0x192: {  	v14 =	vld.idx.msk [tilespmem:v13+s1+$0x0 ss:$0x1], $0xffff;
	s6 =	sshll.u32 s6, $0x6;
	s3 =	sor.u32 s3, s4;
	s4 =	sand.u32 $0x70, s25  }
0x193: {  	s29 =	sand.u32 $0x70, s28;
	s30 =	sand.u32 $0xFFFFFE00, s6;
	v15 =	vld.idx.msk [tilespmem:v13+s3+$0x0 ss:$0x1], $0xffff;
	s1 =	sor.u32 s4, s26  }
0x194: {  	s21 =	sadd.s32 $0x1, s21;
	s31 =	sor.u32 s29, s30;
	v16 =	vld.idx.msk [tilespmem:v13+s1+$0x0 ss:$0x1], $0xffff  }
0x195: {  	p0 =	slt.u32 s21, s19;
	v17 =	vld.idx.msk [tilespmem:v13+s31+$0x0 ss:$0x1], $0xffff  }
.Ltmp21:
0x196: {  	_ = 	snop;
	(pc) =	sbr.rel @p0 .LBB2_16-.Ltmp21, $4  }
0x197: {  	_ = 	snop  }
0x198: {  	v5 =	vmax.f32 v5, v14;
	v6 =	vmin.f32 v6, v14  }
0x199: {  	v7 =	vmax.f32 v7, v15;
	v8 =	vmin.f32 v8, v15;
	v10 =	vmax.f32 v10, v16  }
0x19a: {  	s2 =	sadd.s32 $0x100, s2;
	s22 =	sadd.s32 $0x40, s22;
	s23 =	sadd.s32 $0x4, s23;
	v11 =	vmax.f32 v11, v17;
	v9 =	vmin.f32 v9, v16;
	v12 =	vmin.f32 v12, v17  }
.LBB2_17:
0x19b: {  	s0 =	smulhi.u32 $0x66666667, s20;
	s1 =	sshra.s32 s20, $0x1F;
	s19 =	sshll.u32 s18, $0x2  }
0x19c: {  	s2 =	smul.u32 $0x66666667, s1;
	s3 =	sadd.s32 $0x4, s19  }
0x19d: {  	s4 =	smulhi.u32 $0x66666667, s3;
	s5 =	sshra.s32 s3, $0x1F  }
0x19e: {  	p0 =	sne.s32 s18, $0x0;
	s0 =	sadd.s32 s2, s0;
	s5 =	smul.u32 $0x66666667, s5  }
0x19f: {  	s6 =	simm.s32 $0x1;
	s2 =	sshrl.u32 s0, $0x1F;
	s0 =	sshra.s32 s0, $0x1  }
0x1a0: {  	s6 =	simm.s32 @!p0 $0x0;
	s0 =	sadd.s32 s2, s0;
	s4 =	sadd.s32 s5, s4  }
0x1a1: {  	s2 =	smul.u32 $0xFFFFFFFB, s0;
	s9 =	sshrl.u32 s4, $0x1F;
	s4 =	sshra.s32 s4, $0x1  }
0x1a2: {  	s8 =	ssub.s32 $0x0, s20;
	s1 =	sor.u32 s6, s1;
	s10 =	sadd.s32 s9, s4  }
0x1a3: {  	p6 =	sne.s32 s1, $0x1;
	p1 =	sne.s32 s2, s8;
	s11 =	smul.u32 $0xFFFFFFFB, s10  }
0x1a4: {  	s13 =	sxor.u32 $0xFFFFFFFC, s19;
	p2 =	slt.s32 s3, $0x1;
	p0 =	por !p1, !p6  }
0x1a5: {  	s4 =	simm.s32 $0x1;
	p0 =	por !p0, !p0;
	p3 =	sne.s32 s11, s13  }
0x1a6: {  	s4 =	simm.s32 @!p0 $0x0;
	p0 =	por !p2, !p3  }
0x1a7: {  	s2 =	simm.s32 $0x1;
	s0 =	ssub.s32 s0, s4;
	p0 =	por !p0, !p0  }
0x1a8: {  	s14 =	sshra.s32 s0, $0x1F;
	s2 =	simm.s32 @!p0 $0x0  }
0x1a9: {  	s4 =	sand.u32 $0xF, s0;
	p4 =	slt.s32 s0, $0x1;
	s3 =	sshrl.u32 s14, $0x1C  }
0x1aa: {  	p5 =	sne.s32 s4, $0x0;
	s1 =	ssub.s32 s10, s2;
	s2 =	simm.s32 $0x1  }
0x1ab: {  	s3 =	sadd.s32 s3, s0;
	p0 =	por !p4, !p5;
	s20 =	sadd.s32 $0xFFFFFFFF, s1  }
0x1ac: {  	p6 =	slt.s32 s1, $0x2;
	s22 =	sshra.s32 s3, $0x4;
	s23 =	sand.u32 $0xF, s20  }
0x1ad: {  	p0 =	por !p0, !p0;
	s21 =	sshra.s32 s20, $0x1F;
	p2 =	sne.s32 s23, $0x0  }
0x1ae: {  	s2 =	simm.s32 @!p0 $0x0;
	s4 =	sshrl.u32 s21, $0x1C;
	p1 =	por !p6, !p2  }
0x1af: {  	s3 =	sadd.s32 s4, s20;
	s4 =	simm.s32 $0x1;
	p1 =	por !p1, !p1  }
0x1b0: {  	s2 =	ssub.s32 s22, s2;
	s3 =	sshra.s32 s3, $0x4;
	s4 =	simm.s32 @!p1 $0x0  }
0x1b1: {  	s24 =	sshll.u32 s2, $0x4;
	s23 =	ssub.s32 s3, s4  }
0x1b2: {  	s25 =	sshll.u32 s2, $0x6;
	s29 =	sshll.u32 s23, $0x4;
	s30 =	sshll.u32 s23, $0x6  }
0x1b3: {  	s2 =	sadd.s32 $0x1, s2;
	s7 =	sand.u32 $0x70, s29;
	s6 =	sand.u32 $0xFFFFFE00, s30  }
0x1b4: {  	s6 =	sor.u32 s7, s6;
	s7 =	ssub.s32 s23, s2  }
0x1b5: {  	v5 =	vmax.f32 v5, v7;
	v7 =	vmax.f32 v10, v11;
	p1 =	sgt.s32 s7, $0x0  }
0x1b6: {  	v5 =	vmax.f32 v5, v7;
	s26 =	sand.u32 $0x70, s24;
	s28 =	sand.u32 $0xFFFFFE00, s25;
	s7 =	simm.s32 @!p1 $0x0  }
0x1b7: {  	v6 =	vmin.f32 v6, v8;
	v7 =	vmin.f32 v9, v12;
	(xrf0) =	vmax.scan.msk.f32 $0xffff, v5;
	v5 =	vor.u32 s24, v0;
	s3 =	sor.u32 s26, s28;
	s24 =	sadd.s32 $0x3, s7  }
0x1b8: {  	v6 =	vmin.f32 v6, v7;
	s3 =	sadd.s32 s17, s3;
	s20 =	sshrl.u32 s24, $0x2  }
0x1b9: {  	(xrf0) =	vmin.scan.msk.f32 $0xffff, v6;
	v8 =	vld [tilespmem:s3+$0x0];
	s31 =	sadd.s32 s17, s6;
	s21 =	sand.u32 $0x1FFFFFFE, s20  }
0x1ba: {  	v10 =	vld [tilespmem:s31+$0x0];
	p1 =	seq.s32 s21, $0x0  }
.Ltmp22:
0x1bb: {  	vm10 =	vge.s32 v5, s0;
	vm11 =	vlt.s32 v5, s1;
	v5 =	vor.u32 s29, v0;
	(pc) =	sbr.rel @p1 .LBB2_18-.Ltmp22, $4  }
0x1bc: {  	_ = 	snop  }
0x1bd: {  	vm10 =	vmand vm10, vm11;
	vm11 =	vge.s32 v5, s0;
	vm12 =	vlt.s32 v5, s1  }
0x1be: {  	s25 =	simm.s32 $0xFFFFFFFF;
	vm11 =	vmand vm11, vm12;
	v5, _, _ =	vpop (xrf0);
	v7 =	vnsel vm10, $0xFF800000, v8  }
0x1bf: {  	s25 =	simm.s32 @!p0 $0x0;
	v6, _, _ =	vpop (xrf0);
	v8 =	vnsel vm10, $0x7F800000, v8;
	v9 =	vnsel vm11, $0xFF800000, v10;
	v10 =	vnsel vm11, $0x7F800000, v10  }
0x1c0: {  	s0 =	sshll.u32 s2, $0x4;
	s26 =	sadd.s32 $0xFFFFFFFF, s23  }
0x1c1: {  	s1 =	sadd.s32 s25, s22;
	s9 =	sshll.u32 s22, $0x6;
	s3 =	sshll.u32 s25, $0x6  }
0x1c2: {  	s0 =	sand.u32 $0x70, s0;
	s4 =	sshll.u32 s1, $0x4;
	s31 =	sadd.s32 s3, s9  }
0x1c3: {  	s29 =	sadd.s32 $0x8, s1;
	s7 =	smov.u32 s26;
	s8 =	smov.u32 s26  }
0x1c4: {  	s9 =	smov.u32 s26;
	s0 =	sadd.s32 s17, s0;
	s28 =	sadd.s32 $0x50, s4  }
0x1c5: {  	s10 =	sadd.s32 $0x140, s31;
	s11 =	sadd.s32 $0x40, s31;
	s2 =	sadd.s32 $0xFFFFFFFE, s29  }
0x1c6: {  	s3 =	sadd.s32 $0xFFFFFFFF, s29;
	p0 =	slt.s32 s29, s26;
	s4 =	sadd.s32 $0xFFFFFFFA, s29  }
0x1c7: {  	s5 =	sadd.s32 $0xFFFFFFFB, s29;
	s6 =	sadd.s32 $0xFFFFFFFC, s29;
	s13 =	sand.u32 $0x70, s28  }
0x1c8: {  	v14 =	vmov s0;
	s0 =	sand.u32 $0xFFFFFE00, s10;
	s1 =	sand.u32 $0xFFFFFE00, s11;
	p1 =	slt.s32 s2, s26  }
0x1c9: {  	p2 =	slt.s32 s3, s26;
	s7 =	smov.u32 @p0 s29;
	p0 =	slt.s32 s4, s26  }
0x1ca: {  	p3 =	slt.s32 s5, s26;
	p4 =	slt.s32 s6, s26;
	s0 =	sor.u32 s13, s0  }
0x1cb: {  	s8 =	smov.u32 @p1 s2;
	s9 =	smov.u32 @p2 s3;
	s2 =	smov.u32 s26  }
0x1cc: {  	s3 =	smov.u32 s26;
	s10 =	sshll.u32 s7, $0x4;
	s14 =	sshll.u32 s7, $0x6  }
0x1cd: {  	s2 =	smov.u32 @p0 s4;
	s3 =	smov.u32 @p3 s5;
	s4 =	smov.u32 s26  }
0x1ce: {  	v13 =	vmov s17;
	s5 =	sand.u32 $0xFFFFFE00, s14;
	s7 =	sshll.u32 s8, $0x4;
	s8 =	sshll.u32 s8, $0x6  }
0x1cf: {  	p0 =	sgt.u32 s21, $0x2;
	s4 =	smov.u32 @p4 s6;
	s6 =	sand.u32 $0x70, s10  }
0x1d0: {  	s10 =	sshll.u32 s9, $0x4;
	s11 =	sshll.u32 s2, $0x4;
	s2 =	sshll.u32 s2, $0x6  }
0x1d1: {  	s9 =	sshll.u32 s9, $0x6;
	s13 =	sshll.u32 s3, $0x4;
	s3 =	sshll.u32 s3, $0x6  }
0x1d2: {  	s14 =	sshll.u32 s4, $0x4;
	s5 =	sor.u32 s6, s5;
	v18 =	vld.idx.msk [tilespmem:v14+s1+$0x0 ss:$0x1], $0xffff;
	s1 =	sshll.u32 s4, $0x6  }
0x1d3: {  	v20 =	vld.idx.msk [tilespmem:v13+s0+$0x0 ss:$0x1], $0xffff;
	s4 =	sand.u32 $0x70, s7;
	s7 =	sand.u32 $0x70, s11;
	s11 =	sand.u32 $0xFFFFFE00, s8  }
.Ltmp23:
0x1d4: {  	s2 =	sand.u32 $0xFFFFFE00, s2;
	v16 =	vld.idx.msk [tilespmem:v13+s5+$0x0 ss:$0x1], $0xffff;
	s0 =	sor.u32 s4, s11;
	(pc) =	sbr.rel @!p0 .LBB2_41-.Ltmp23, $4  }
0x1d5: {  	s13 =	sand.u32 $0x70, s13;
	s3 =	sand.u32 $0xFFFFFE00, s3;
	s2 =	sor.u32 s7, s2;
	v19 =	vld.idx.msk [tilespmem:v13+s0+$0x0 ss:$0x1], $0xffff  }
0x1d6: {  	s8 =	sand.u32 $0x70, s14;
	s7 =	sor.u32 s13, s3;
	s1 =	sand.u32 $0xFFFFFE00, s1;
	v21 =	vld.idx.msk [tilespmem:v13+s2+$0x0 ss:$0x1], $0xffff  }
0x1d7: {  	v12 =	vimm.f32 $-Inf;
	s14 =	sand.u32 $0xFFFFFE00, s9;
	s13 =	sand.u32 $0x70, s10;
	v22 =	vld.idx.msk [tilespmem:v13+s7+$0x0 ss:$0x1], $0xffff;
	s11 =	sor.u32 s8, s1  }
0x1d8: {  	v11 =	vimm.f32 $+Inf;
	s30 =	simm.s32 $0x2;
	v17 =	vimm.f32 $-Inf;
	v15 =	vimm.f32 $+Inf;
	s31 =	sadd.s32 $0x200, s31;
	s0 =	sor.u32 s13, s14;
	v23 =	vld.idx.msk [tilespmem:v13+s11+$0x0 ss:$0x1], $0xffff  }
.LBB2_40:
0x1d9: {  	s1 =	sadd.s32 $0x140, s31  }
0x1da: {  	v24 =	vld.idx.msk [tilespmem:v13+s0+$0x0 ss:$0x1], $0xffff;
	s28 =	sadd.s32 $0x80, s28;
	s0 =	sadd.s32 $0x40, s31;
	s29 =	sadd.s32 $0x8, s29  }
0x1db: {  	s7 =	smov.u32 s26;
	s8 =	smov.u32 s26;
	s9 =	smov.u32 s26  }
0x1dc: {  	s30 =	sadd.s32 $0x2, s30;
	s3 =	sand.u32 $0x70, s28;
	s1 =	sand.u32 $0xFFFFFE00, s1  }
0x1dd: {  	s2 =	sand.u32 $0xFFFFFE00, s0;
	p0 =	slt.s32 s29, s26;
	s4 =	sadd.s32 $0xFFFFFFFA, s29  }
0x1de: {  	s5 =	sadd.s32 $0xFFFFFFFB, s29;
	s6 =	sadd.s32 $0xFFFFFFFC, s29;
	s0 =	sor.u32 s3, s1  }
0x1df: {  	v7 =	vmax.f32 v7, v18;
	s1 =	sadd.s32 $0xFFFFFFFE, s29;
	s3 =	sadd.s32 $0xFFFFFFFF, s29;
	v9 =	vmax.f32 v9, v21;
	s7 =	smov.u32 @p0 s29  }
0x1e0: {  	v7 =	vmax.f32 v7, v20;
	p2 =	slt.s32 s4, s26;
	p1 =	slt.s32 s5, s26;
	p0 =	slt.s32 s6, s26;
	v9 =	vmax.f32 v9, v19  }
0x1e1: {  	v8 =	vmin.f32 v8, v18;
	p4 =	slt.s32 s1, s26;
	p3 =	slt.s32 s3, s26;
	v12 =	vmax.f32 v12, v22;
	s9 =	smov.u32 @p2 s4;
	v17 =	vmax.f32 v17, v23  }
0x1e2: {  	v8 =	vmin.f32 v8, v20;
	s4 =	smov.u32 s26;
	s8 =	smov.u32 @p4 s1;
	s1 =	smov.u32 s26;
	v12 =	vmax.f32 v12, v24;
	v17 =	vmax.f32 v17, v16  }
0x1e3: {  	v10 =	vmin.f32 v10, v21;
	v11 =	vmin.f32 v11, v22;
	v15 =	vmin.f32 v15, v23;
	s4 =	smov.u32 @p1 s5;
	s1 =	smov.u32 @p3 s3;
	s3 =	sshll.u32 s7, $0x4  }
0x1e4: {  	v10 =	vmin.f32 v10, v19;
	s5 =	sshll.u32 s7, $0x6;
	s11 =	sshll.u32 s9, $0x4;
	v11 =	vmin.f32 v11, v24;
	v15 =	vmin.f32 v15, v16;
	s7 =	smov.u32 s26  }
0x1e5: {  	s5 =	sand.u32 $0xFFFFFE00, s5;
	s7 =	smov.u32 @p0 s6;
	s3 =	sand.u32 $0x70, s3  }
0x1e6: {  	s6 =	sshll.u32 s8, $0x4;
	s8 =	sshll.u32 s8, $0x6;
	s10 =	sshll.u32 s1, $0x4  }
0x1e7: {  	s9 =	sshll.u32 s9, $0x6;
	s13 =	sshll.u32 s4, $0x4;
	s1 =	sshll.u32 s1, $0x6  }
0x1e8: {  	s4 =	sshll.u32 s4, $0x6;
	p0 =	slt.u32 s30, s21;
	s14 =	sshll.u32 s7, $0x4  }
0x1e9: {  	s6 =	sand.u32 $0x70, s6;
	s3 =	sor.u32 s3, s5;
	v18 =	vld.idx.msk [tilespmem:v14+s2+$0x0 ss:$0x1], $0xffff;
	s2 =	sshll.u32 s7, $0x6  }
0x1ea: {  	s5 =	sand.u32 $0x70, s11;
	s7 =	sand.u32 $0xFFFFFE00, s9;
	v20 =	vld.idx.msk [tilespmem:v13+s0+$0x0 ss:$0x1], $0xffff;
	s0 =	sand.u32 $0xFFFFFE00, s8  }
.Ltmp24:
0x1eb: {  	s8 =	sand.u32 $0x70, s13;
	s0 =	sor.u32 s6, s0;
	v16 =	vld.idx.msk [tilespmem:v13+s3+$0x0 ss:$0x1], $0xffff;
	(pc) =	sbr.rel @p0 .LBB2_40-.Ltmp24, $4  }
0x1ec: {  	s4 =	sand.u32 $0xFFFFFE00, s4;
	s3 =	sor.u32 s5, s7;
	v19 =	vld.idx.msk [tilespmem:v13+s0+$0x0 ss:$0x1], $0xffff  }
0x1ed: {  	s2 =	sand.u32 $0xFFFFFE00, s2;
	s0 =	sor.u32 s8, s4;
	v21 =	vld.idx.msk [tilespmem:v13+s3+$0x0 ss:$0x1], $0xffff;
	s3 =	sand.u32 $0x70, s14  }
0x1ee: {  	s1 =	sand.u32 $0xFFFFFE00, s1;
	v22 =	vld.idx.msk [tilespmem:v13+s0+$0x0 ss:$0x1], $0xffff;
	s0 =	sor.u32 s3, s2;
	s2 =	sand.u32 $0x70, s10  }
0x1ef: {  	s31 =	sadd.s32 $0x200, s31;
	v23 =	vld.idx.msk [tilespmem:v13+s0+$0x0 ss:$0x1], $0xffff;
	s0 =	sor.u32 s2, s1  }
.LBB2_41:
0x1f0: {  	_ =	sdelay $0x3  }
0x1f1: {  	v14 =	vld.idx.msk [tilespmem:v13+s0+$0x0 ss:$0x1], $0xffff  }
0x1f2: {  	v7 =	vmax.f32 v7, v18  }
.Ltmp25:
0x1f3: {  	v8 =	vmin.f32 v8, v18;
	v7 =	vmax.f32 v7, v20;
	v9 =	vmax.f32 v9, v21;
	(pc) =	sbr.rel .LBB2_19-.Ltmp25, $4  }
0x1f4: {  	v8 =	vmin.f32 v8, v20;
	v10 =	vmin.f32 v10, v21;
	v9 =	vmax.f32 v9, v19  }
0x1f5: {  	v12 =	vmax.f32 v12, v22;
	v11 =	vmin.f32 v11, v22;
	v10 =	vmin.f32 v10, v19  }
0x1f6: {  	v13 =	vmax.f32 v17, v23;
	v15 =	vmin.f32 v15, v23;
	v12 =	vmax.f32 v12, v14  }
0x1f7: {  	v13 =	vmax.f32 v13, v16;
	v11 =	vmin.f32 v11, v14;
	v14 =	vmin.f32 v15, v16  }
.LBB2_18:
0x1f8: {  	v12 =	vimm.f32 $-Inf  }
0x1f9: {  	v11 =	vimm.f32 $+Inf;
	v13 =	vimm.f32 $-Inf;
	v14 =	vimm.f32 $+Inf  }
.LBB2_19:
0x1fa: {  	p0 =	seq.s32 s21, s20  }
.Ltmp26:
0x1fb: {  	_ = 	snop;
	(pc) =	sbr.rel @p0 .LBB2_22-.Ltmp26, $1  }
0x1fc: {  	_ =	sdelay $0x3  }
0x1fd: {  	s0 =	sand.u32 $0xFFFFFFF8, s24  }
0x1fe: {  	s0 =	sadd.s32 s0, s22  }
0x1ff: {  	s1 =	sadd.s32 s25, s0  }
0x200: {  	s0 =	sadd.s32 $0xFFFFFFFF, s23;
	s3 =	sadd.s32 $0x1, s1  }
0x201: {  	v15 =	vmov s17;
	s23 =	sadd.s32 $0x4, s1;
	s2 =	sshll.u32 s3, $0x6;
	s22 =	sshll.u32 s3, $0x4  }
.LBB2_21:
0x202: {  	s1 =	sadd.s32 $0xFFFFFFFE, s23  }
0x203: {  	s3 =	sadd.s32 $0xFFFFFFFF, s23;
	s4 =	smov.u32 s0;
	s5 =	smov.u32 s0  }
0x204: {  	s14 =	sand.u32 $0x70, s22;
	p0 =	slt.s32 s1, s0;
	p1 =	slt.s32 s3, s0  }
0x205: {  	s6 =	sand.u32 $0xFFFFFE00, s2;
	s4 =	smov.u32 @p0 s1;
	s5 =	smov.u32 @p1 s3  }
0x206: {  	p0 =	slt.s32 s23, s0;
	s1 =	sor.u32 s14, s6;
	s6 =	smov.u32 s0  }
0x207: {  	s24 =	sshll.u32 s4, $0x4;
	s4 =	sshll.u32 s4, $0x6;
	s25 =	sshll.u32 s5, $0x4  }
0x208: {  	s6 =	smov.u32 @p0 s23;
	s5 =	sshll.u32 s5, $0x6;
	s3 =	sand.u32 $0x70, s24  }
0x209: {  	s4 =	sand.u32 $0xFFFFFE00, s4;
	s26 =	sand.u32 $0xFFFFFE00, s5;
	s28 =	sshll.u32 s6, $0x4  }
0x20a: {  	v16 =	vld.idx.msk [tilespmem:v15+s1+$0x0 ss:$0x1], $0xffff;
	s6 =	sshll.u32 s6, $0x6;
	s3 =	sor.u32 s3, s4;
	s4 =	sand.u32 $0x70, s25  }
0x20b: {  	s29 =	sand.u32 $0x70, s28;
	s30 =	sand.u32 $0xFFFFFE00, s6;
	v17 =	vld.idx.msk [tilespmem:v15+s3+$0x0 ss:$0x1], $0xffff;
	s1 =	sor.u32 s4, s26  }
0x20c: {  	s21 =	sadd.s32 $0x1, s21;
	s31 =	sor.u32 s29, s30;
	v18 =	vld.idx.msk [tilespmem:v15+s1+$0x0 ss:$0x1], $0xffff  }
0x20d: {  	p0 =	slt.u32 s21, s20;
	v19 =	vld.idx.msk [tilespmem:v15+s31+$0x0 ss:$0x1], $0xffff  }
.Ltmp27:
0x20e: {  	_ = 	snop;
	(pc) =	sbr.rel @p0 .LBB2_21-.Ltmp27, $4  }
0x20f: {  	_ = 	snop  }
0x210: {  	v7 =	vmax.f32 v7, v16;
	v8 =	vmin.f32 v8, v16  }
0x211: {  	v9 =	vmax.f32 v9, v17;
	v10 =	vmin.f32 v10, v17;
	v12 =	vmax.f32 v12, v18  }
0x212: {  	s2 =	sadd.s32 $0x100, s2;
	s22 =	sadd.s32 $0x40, s22;
	s23 =	sadd.s32 $0x4, s23;
	v13 =	vmax.f32 v13, v19;
	v11 =	vmin.f32 v11, v18;
	v14 =	vmin.f32 v14, v19  }
.LBB2_22:
0x213: {  	s0 =	smulhi.u32 $0x66666667, s19  }
0x214: {  	s1 =	sshra.s32 s19, $0x1F;
	s2 =	smul.u32 $0x5, s18  }
0x215: {  	s1 =	smul.u32 $0x66666667, s1  }
0x216: {  	s3 =	sadd.s32 $0x4, s2  }
0x217: {  	s0 =	sadd.s32 s1, s0;
	s13 =	smulhi.u32 $0x66666667, s3;
	s4 =	sshra.s32 s3, $0x1F  }
0x218: {  	s5 =	sshrl.u32 s0, $0x1F;
	s0 =	sshra.s32 s0, $0x1;
	s4 =	smul.u32 $0x66666667, s4  }
0x219: {  	s0 =	sadd.s32 s5, s0  }
0x21a: {  	s5 =	smul.u32 $0xFFFFFFFB, s0;
	s1 =	sadd.s32 s4, s13  }
0x21b: {  	s14 =	ssub.s32 $0x0, s19;
	s6 =	sshrl.u32 s1, $0x1F;
	s1 =	sshra.s32 s1, $0x1  }
0x21c: {  	p0 =	slt.s32 s19, $0x1;
	p1 =	sne.s32 s5, s14;
	s1 =	sadd.s32 s6, s1  }
0x21d: {  	p0 =	por !p0, !p1;
	s18 =	smul.u32 $0xFFFFFFFB, s1  }
0x21e: {  	s2 =	ssub.s32 $0xFFFFFFFC, s2;
	s5 =	simm.s32 $0x1;
	p0 =	por !p0, !p0  }
0x21f: {  	p2 =	slt.s32 s3, $0x1;
	s5 =	simm.s32 @!p0 $0x0;
	p3 =	sne.s32 s18, s2  }
0x220: {  	s2 =	simm.s32 $0x1;
	s0 =	ssub.s32 s0, s5;
	p0 =	por !p2, !p3  }
0x221: {  	p0 =	por !p0, !p0;
	s19 =	sshra.s32 s0, $0x1F;
	s20 =	sand.u32 $0xF, s0  }
0x222: {  	p4 =	slt.s32 s0, $0x1;
	s2 =	simm.s32 @!p0 $0x0;
	s3 =	sshrl.u32 s19, $0x1C  }
0x223: {  	p5 =	sne.s32 s20, $0x0;
	s3 =	sadd.s32 s3, s0;
	s1 =	ssub.s32 s1, s2  }
0x224: {  	p0 =	por !p4, !p5;
	s2 =	simm.s32 $0x1;
	s21 =	sadd.s32 $0xFFFFFFFF, s1  }
0x225: {  	s20 =	sshra.s32 s3, $0x4;
	p0 =	por !p0, !p0;
	s23 =	sand.u32 $0xF, s21  }
0x226: {  	p6 =	slt.s32 s1, $0x2;
	s22 =	sshra.s32 s21, $0x1F;
	p2 =	sne.s32 s23, $0x0  }
0x227: {  	s2 =	simm.s32 @!p0 $0x0;
	s4 =	sshrl.u32 s22, $0x1C;
	p1 =	por !p6, !p2  }
0x228: {  	s3 =	sadd.s32 s4, s21;
	s4 =	simm.s32 $0x1;
	p1 =	por !p1, !p1  }
0x229: {  	s2 =	ssub.s32 s20, s2;
	s3 =	sshra.s32 s3, $0x4;
	s4 =	simm.s32 @!p1 $0x0  }
0x22a: {  	s24 =	sshll.u32 s2, $0x4;
	s21 =	ssub.s32 s3, s4  }
0x22b: {  	s25 =	sshll.u32 s2, $0x6;
	s29 =	sshll.u32 s21, $0x4;
	s30 =	sshll.u32 s21, $0x6  }
0x22c: {  	s2 =	sadd.s32 $0x1, s2;
	s7 =	sand.u32 $0x70, s29;
	s6 =	sand.u32 $0xFFFFFE00, s30  }
0x22d: {  	s6 =	sor.u32 s7, s6;
	s7 =	ssub.s32 s21, s2  }
0x22e: {  	p1 =	sgt.s32 s7, $0x0  }
0x22f: {  	v7 =	vmax.f32 v7, v9;
	v9 =	vmax.f32 v12, v13;
	s26 =	sand.u32 $0x70, s24;
	s28 =	sand.u32 $0xFFFFFE00, s25;
	s7 =	simm.s32 @!p1 $0x0  }
0x230: {  	v8 =	vmin.f32 v8, v10;
	v7 =	vmax.f32 v7, v9;
	v9 =	vmin.f32 v11, v14;
	s3 =	sor.u32 s26, s28;
	s22 =	sadd.s32 $0x3, s7  }
0x231: {  	v8 =	vmin.f32 v8, v9;
	(xrf0) =	vmax.scan.msk.f32 $0xffff, v7;
	s3 =	sadd.s32 s17, s3;
	s18 =	sshrl.u32 s22, $0x2  }
0x232: {  	(xrf0) =	vmin.scan.msk.f32 $0xffff, v8;
	v11 =	vld [tilespmem:s3+$0x0];
	s31 =	sadd.s32 s17, s6;
	s19 =	sand.u32 $0x1FFFFFFE, s18  }
0x233: {  	v7 =	vor.u32 s24, v0;
	v12 =	vld [tilespmem:s31+$0x0];
	p1 =	seq.s32 s19, $0x0  }
.Ltmp28:
0x234: {  	vm10 =	vge.s32 v7, s0;
	vm11 =	vlt.s32 v7, s1;
	v7 =	vor.u32 s29, v0;
	(pc) =	sbr.rel @p1 .LBB2_23-.Ltmp28, $4  }
0x235: {  	_ = 	snop  }
0x236: {  	vm10 =	vmand vm10, vm11;
	vm11 =	vge.s32 v7, s0;
	vm12 =	vlt.s32 v7, s1  }
0x237: {  	s23 =	simm.s32 $0xFFFFFFFF;
	vm11 =	vmand vm11, vm12;
	v7, _, _ =	vpop (xrf0);
	v9 =	vnsel vm10, $0xFF800000, v11  }
0x238: {  	s23 =	simm.s32 @!p0 $0x0;
	v8, _, _ =	vpop (xrf0);
	v11 =	vnsel vm10, $0x7F800000, v11;
	v10 =	vnsel vm11, $0xFF800000, v12;
	v12 =	vnsel vm11, $0x7F800000, v12  }
0x239: {  	s0 =	sshll.u32 s2, $0x4;
	s24 =	sadd.s32 $0xFFFFFFFF, s21  }
0x23a: {  	s1 =	sadd.s32 s23, s20;
	s10 =	sshll.u32 s20, $0x6;
	s3 =	sshll.u32 s23, $0x6  }
0x23b: {  	s0 =	sand.u32 $0x70, s0;
	s4 =	sshll.u32 s1, $0x4;
	s29 =	sadd.s32 s3, s10  }
0x23c: {  	s26 =	sadd.s32 $0x8, s1;
	s7 =	smov.u32 s24;
	s8 =	smov.u32 s24  }
0x23d: {  	s9 =	smov.u32 s24;
	s0 =	sadd.s32 s17, s0;
	s25 =	sadd.s32 $0x50, s4  }
0x23e: {  	s11 =	sadd.s32 $0x140, s29;
	s13 =	sadd.s32 $0x40, s29;
	s2 =	sadd.s32 $0xFFFFFFFE, s26  }
0x23f: {  	s3 =	sadd.s32 $0xFFFFFFFF, s26;
	p0 =	slt.s32 s26, s24;
	s4 =	sadd.s32 $0xFFFFFFFA, s26  }
0x240: {  	s5 =	sadd.s32 $0xFFFFFFFB, s26;
	s6 =	sadd.s32 $0xFFFFFFFC, s26;
	s14 =	sand.u32 $0x70, s25  }
0x241: {  	v16 =	vmov s0;
	s0 =	sand.u32 $0xFFFFFE00, s11;
	s1 =	sand.u32 $0xFFFFFE00, s13;
	p1 =	slt.s32 s2, s24  }
0x242: {  	p2 =	slt.s32 s3, s24;
	s7 =	smov.u32 @p0 s26;
	p0 =	slt.s32 s4, s24  }
0x243: {  	p3 =	slt.s32 s5, s24;
	p4 =	slt.s32 s6, s24;
	s0 =	sor.u32 s14, s0  }
0x244: {  	s8 =	smov.u32 @p1 s2;
	s9 =	smov.u32 @p2 s3;
	s2 =	smov.u32 s24  }
0x245: {  	s3 =	smov.u32 s24;
	s10 =	sshll.u32 s7, $0x4;
	s30 =	sshll.u32 s7, $0x6  }
0x246: {  	v15 =	vmov s17;
	s2 =	smov.u32 @p0 s4;
	s3 =	smov.u32 @p3 s5;
	s4 =	smov.u32 s24  }
0x247: {  	s5 =	sand.u32 $0xFFFFFE00, s30;
	s31 =	sshll.u32 s8, $0x4;
	s8 =	sshll.u32 s8, $0x6  }
0x248: {  	p0 =	sgt.u32 s19, $0x2;
	s4 =	smov.u32 @p4 s6;
	s6 =	sand.u32 $0x70, s10  }
0x249: {  	s10 =	sshll.u32 s9, $0x4;
	s11 =	sshll.u32 s2, $0x4;
	s2 =	sshll.u32 s2, $0x6  }
0x24a: {  	s9 =	sshll.u32 s9, $0x6;
	s13 =	sshll.u32 s3, $0x4;
	s3 =	sshll.u32 s3, $0x6  }
0x24b: {  	v22 =	vld.idx.msk [tilespmem:v15+s0+$0x0 ss:$0x1], $0xffff;
	s30 =	sand.u32 $0x70, s31;
	s7 =	sand.u32 $0xFFFFFE00, s8;
	s14 =	sshll.u32 s4, $0x4  }
0x24c: {  	s5 =	sor.u32 s6, s5;
	s31 =	sand.u32 $0x70, s11;
	s2 =	sand.u32 $0xFFFFFE00, s2;
	v20 =	vld.idx.msk [tilespmem:v16+s1+$0x0 ss:$0x1], $0xffff  }
.Ltmp29:
0x24d: {  	s8 =	sand.u32 $0x70, s13;
	s0 =	sor.u32 s30, s7;
	v18 =	vld.idx.msk [tilespmem:v15+s5+$0x0 ss:$0x1], $0xffff;
	(pc) =	sbr.rel @!p0 .LBB2_44-.Ltmp29, $4  }
0x24e: {  	s3 =	sand.u32 $0xFFFFFE00, s3;
	s1 =	sshll.u32 s4, $0x6;
	s2 =	sor.u32 s31, s2;
	v21 =	vld.idx.msk [tilespmem:v15+s0+$0x0 ss:$0x1], $0xffff  }
0x24f: {  	s11 =	sor.u32 s8, s3;
	s13 =	sand.u32 $0x70, s14;
	v23 =	vld.idx.msk [tilespmem:v15+s2+$0x0 ss:$0x1], $0xffff;
	s1 =	sand.u32 $0xFFFFFE00, s1  }
0x250: {  	v14 =	vimm.f32 $-Inf;
	s30 =	sand.u32 $0x70, s10;
	s31 =	sand.u32 $0xFFFFFE00, s9;
	v24 =	vld.idx.msk [tilespmem:v15+s11+$0x0 ss:$0x1], $0xffff;
	s14 =	sor.u32 s13, s1  }
0x251: {  	v13 =	vimm.f32 $+Inf;
	s28 =	simm.s32 $0x2;
	v19 =	vimm.f32 $-Inf;
	v17 =	vimm.f32 $+Inf;
	s29 =	sadd.s32 $0x200, s29;
	s0 =	sor.u32 s30, s31;
	v25 =	vld.idx.msk [tilespmem:v15+s14+$0x0 ss:$0x1], $0xffff  }
.LBB2_43:
0x252: {  	s1 =	sadd.s32 $0x140, s29  }
0x253: {  	v26 =	vld.idx.msk [tilespmem:v15+s0+$0x0 ss:$0x1], $0xffff;
	s25 =	sadd.s32 $0x80, s25;
	s0 =	sadd.s32 $0x40, s29;
	s26 =	sadd.s32 $0x8, s26  }
0x254: {  	s7 =	smov.u32 s24;
	s8 =	smov.u32 s24;
	s9 =	smov.u32 s24  }
0x255: {  	s28 =	sadd.s32 $0x2, s28;
	s3 =	sand.u32 $0x70, s25;
	s1 =	sand.u32 $0xFFFFFE00, s1  }
0x256: {  	s2 =	sand.u32 $0xFFFFFE00, s0;
	p0 =	slt.s32 s26, s24;
	s4 =	sadd.s32 $0xFFFFFFFA, s26  }
0x257: {  	s5 =	sadd.s32 $0xFFFFFFFB, s26;
	s6 =	sadd.s32 $0xFFFFFFFC, s26;
	s0 =	sor.u32 s3, s1  }
0x258: {  	v9 =	vmax.f32 v9, v20;
	s1 =	sadd.s32 $0xFFFFFFFE, s26;
	s3 =	sadd.s32 $0xFFFFFFFF, s26;
	v10 =	vmax.f32 v10, v23;
	s7 =	smov.u32 @p0 s26  }
0x259: {  	v9 =	vmax.f32 v9, v22;
	p2 =	slt.s32 s4, s24;
	p1 =	slt.s32 s5, s24;
	p0 =	slt.s32 s6, s24;
	v10 =	vmax.f32 v10, v21  }
0x25a: {  	v11 =	vmin.f32 v11, v20;
	p4 =	slt.s32 s1, s24;
	p3 =	slt.s32 s3, s24;
	v14 =	vmax.f32 v14, v24;
	s9 =	smov.u32 @p2 s4;
	v19 =	vmax.f32 v19, v25  }
0x25b: {  	v11 =	vmin.f32 v11, v22;
	s4 =	smov.u32 s24;
	s8 =	smov.u32 @p4 s1;
	s1 =	smov.u32 s24;
	v14 =	vmax.f32 v14, v26;
	v19 =	vmax.f32 v19, v18  }
0x25c: {  	v12 =	vmin.f32 v12, v23;
	v13 =	vmin.f32 v13, v24;
	v17 =	vmin.f32 v17, v25;
	s4 =	smov.u32 @p1 s5;
	s1 =	smov.u32 @p3 s3;
	s3 =	sshll.u32 s7, $0x4  }
0x25d: {  	v12 =	vmin.f32 v12, v21;
	s5 =	sshll.u32 s7, $0x6;
	s11 =	sshll.u32 s9, $0x4;
	v13 =	vmin.f32 v13, v26;
	v17 =	vmin.f32 v17, v18;
	s7 =	smov.u32 s24  }
0x25e: {  	s5 =	sand.u32 $0xFFFFFE00, s5;
	s7 =	smov.u32 @p0 s6;
	s3 =	sand.u32 $0x70, s3  }
0x25f: {  	s6 =	sshll.u32 s8, $0x4;
	s8 =	sshll.u32 s8, $0x6;
	s10 =	sshll.u32 s1, $0x4  }
0x260: {  	s9 =	sshll.u32 s9, $0x6;
	s13 =	sshll.u32 s4, $0x4;
	s1 =	sshll.u32 s1, $0x6  }
0x261: {  	s4 =	sshll.u32 s4, $0x6;
	p0 =	slt.u32 s28, s19;
	s14 =	sshll.u32 s7, $0x4  }
0x262: {  	s6 =	sand.u32 $0x70, s6;
	s3 =	sor.u32 s3, s5;
	v20 =	vld.idx.msk [tilespmem:v16+s2+$0x0 ss:$0x1], $0xffff;
	s2 =	sshll.u32 s7, $0x6  }
0x263: {  	s5 =	sand.u32 $0x70, s11;
	s7 =	sand.u32 $0xFFFFFE00, s9;
	v22 =	vld.idx.msk [tilespmem:v15+s0+$0x0 ss:$0x1], $0xffff;
	s0 =	sand.u32 $0xFFFFFE00, s8  }
.Ltmp30:
0x264: {  	s8 =	sand.u32 $0x70, s13;
	s0 =	sor.u32 s6, s0;
	v18 =	vld.idx.msk [tilespmem:v15+s3+$0x0 ss:$0x1], $0xffff;
	(pc) =	sbr.rel @p0 .LBB2_43-.Ltmp30, $4  }
0x265: {  	s4 =	sand.u32 $0xFFFFFE00, s4;
	s3 =	sor.u32 s5, s7;
	v21 =	vld.idx.msk [tilespmem:v15+s0+$0x0 ss:$0x1], $0xffff  }
0x266: {  	s2 =	sand.u32 $0xFFFFFE00, s2;
	s0 =	sor.u32 s8, s4;
	v23 =	vld.idx.msk [tilespmem:v15+s3+$0x0 ss:$0x1], $0xffff;
	s3 =	sand.u32 $0x70, s14  }
0x267: {  	s1 =	sand.u32 $0xFFFFFE00, s1;
	v24 =	vld.idx.msk [tilespmem:v15+s0+$0x0 ss:$0x1], $0xffff;
	s0 =	sor.u32 s3, s2;
	s2 =	sand.u32 $0x70, s10  }
0x268: {  	s29 =	sadd.s32 $0x200, s29;
	v25 =	vld.idx.msk [tilespmem:v15+s0+$0x0 ss:$0x1], $0xffff;
	s0 =	sor.u32 s2, s1  }
.LBB2_44:
0x269: {  	_ =	sdelay $0x3  }
0x26a: {  	v16 =	vld.idx.msk [tilespmem:v15+s0+$0x0 ss:$0x1], $0xffff  }
0x26b: {  	v9 =	vmax.f32 v9, v20  }
.Ltmp31:
0x26c: {  	v11 =	vmin.f32 v11, v20;
	v9 =	vmax.f32 v9, v22;
	v10 =	vmax.f32 v10, v23;
	(pc) =	sbr.rel .LBB2_24-.Ltmp31, $4  }
0x26d: {  	v11 =	vmin.f32 v11, v22;
	v12 =	vmin.f32 v12, v23;
	v10 =	vmax.f32 v10, v21  }
0x26e: {  	v14 =	vmax.f32 v14, v24;
	v13 =	vmin.f32 v13, v24;
	v12 =	vmin.f32 v12, v21  }
0x26f: {  	v15 =	vmax.f32 v19, v25;
	v17 =	vmin.f32 v17, v25;
	v14 =	vmax.f32 v14, v16  }
0x270: {  	v15 =	vmax.f32 v15, v18;
	v13 =	vmin.f32 v13, v16;
	v16 =	vmin.f32 v17, v18  }
.LBB2_23:
0x271: {  	v14 =	vimm.f32 $-Inf  }
0x272: {  	v13 =	vimm.f32 $+Inf;
	v15 =	vimm.f32 $-Inf;
	v16 =	vimm.f32 $+Inf  }
.LBB2_24:
0x273: {  	p0 =	seq.s32 s19, s18  }
.Ltmp32:
0x274: {  	_ = 	snop;
	(pc) =	sbr.rel @p0 .LBB2_27-.Ltmp32, $1  }
0x275: {  	_ =	sdelay $0x3  }
0x276: {  	s0 =	sand.u32 $0xFFFFFFF8, s22  }
0x277: {  	s0 =	sadd.s32 s0, s20  }
0x278: {  	s1 =	sadd.s32 s23, s0  }
0x279: {  	s0 =	sadd.s32 $0xFFFFFFFF, s21;
	s3 =	sadd.s32 $0x1, s1  }
0x27a: {  	v17 =	vmov s17;
	s21 =	sadd.s32 $0x4, s1;
	s2 =	sshll.u32 s3, $0x6;
	s20 =	sshll.u32 s3, $0x4  }
.LBB2_26:
0x27b: {  	s1 =	sadd.s32 $0xFFFFFFFE, s21  }
0x27c: {  	s3 =	sadd.s32 $0xFFFFFFFF, s21;
	s4 =	smov.u32 s0;
	s5 =	smov.u32 s0  }
0x27d: {  	s23 =	sand.u32 $0x70, s20;
	p0 =	slt.s32 s1, s0;
	p1 =	slt.s32 s3, s0  }
0x27e: {  	s6 =	sand.u32 $0xFFFFFE00, s2;
	s4 =	smov.u32 @p0 s1;
	s5 =	smov.u32 @p1 s3  }
0x27f: {  	p0 =	slt.s32 s21, s0;
	s1 =	sor.u32 s23, s6;
	s6 =	smov.u32 s0  }
0x280: {  	s24 =	sshll.u32 s4, $0x4;
	s4 =	sshll.u32 s4, $0x6;
	s25 =	sshll.u32 s5, $0x4  }
0x281: {  	s6 =	smov.u32 @p0 s21;
	s5 =	sshll.u32 s5, $0x6;
	s3 =	sand.u32 $0x70, s24  }
0x282: {  	s4 =	sand.u32 $0xFFFFFE00, s4;
	s26 =	sand.u32 $0xFFFFFE00, s5;
	s28 =	sshll.u32 s6, $0x4  }
0x283: {  	v18 =	vld.idx.msk [tilespmem:v17+s1+$0x0 ss:$0x1], $0xffff;
	s6 =	sshll.u32 s6, $0x6;
	s3 =	sor.u32 s3, s4;
	s4 =	sand.u32 $0x70, s25  }
0x284: {  	s29 =	sand.u32 $0x70, s28;
	s30 =	sand.u32 $0xFFFFFE00, s6;
	v19 =	vld.idx.msk [tilespmem:v17+s3+$0x0 ss:$0x1], $0xffff;
	s1 =	sor.u32 s4, s26  }
0x285: {  	s19 =	sadd.s32 $0x1, s19;
	s31 =	sor.u32 s29, s30;
	v20 =	vld.idx.msk [tilespmem:v17+s1+$0x0 ss:$0x1], $0xffff  }
0x286: {  	p0 =	slt.u32 s19, s18;
	v21 =	vld.idx.msk [tilespmem:v17+s31+$0x0 ss:$0x1], $0xffff  }
.Ltmp33:
0x287: {  	_ = 	snop;
	(pc) =	sbr.rel @p0 .LBB2_26-.Ltmp33, $4  }
0x288: {  	_ = 	snop  }
0x289: {  	v9 =	vmax.f32 v9, v18;
	v11 =	vmin.f32 v11, v18  }
0x28a: {  	v10 =	vmax.f32 v10, v19;
	v12 =	vmin.f32 v12, v19;
	v14 =	vmax.f32 v14, v20  }
0x28b: {  	s2 =	sadd.s32 $0x100, s2;
	s20 =	sadd.s32 $0x40, s20;
	s21 =	sadd.s32 $0x4, s21;
	v15 =	vmax.f32 v15, v21;
	v13 =	vmin.f32 v13, v20;
	v16 =	vmin.f32 v16, v21  }
.Ltmp34:
0x28c: {  	_ = 	snop;
	(pc) =	sbr.rel .LBB2_27-.Ltmp34, $1  }
0x28d: {  	_ =	sdelay $0x3  }
.LBB2_29:
0x28e: {  	_ =	sfence.sel $0x180000  }
0x28f: {  	[bflag:$0x0] =	sbarrier.arrive $0xFFFF  }
0x290: {  	_ =	strace $0x90000047  }
0x291: {  	s0 =	stileid.u32;
	[bflag:$0x2] =	sbarrier.arrive $0xFFFF  }
0x292: {  	p0 =	sne.s32 s0, $0x0;
	s0 =	rddreg [dreg:$0x3]  }
0x293: {  	s0 =	sadd.s32 @!p0 $0x100000, s0  }
0x294: {  	[sflag:s0] =	ssyncadd.tile.s32 @!p0 $0x1;
	_ =	shalt  }
.Lfunc_end2:
_tile_overlayer_lowered:
.L_overlay_start_2:
0x295: {  	(tag) =	ssettag $0x2  }
0x296: {  	s0 =	rddreg [dreg:$0x0];
	s2 =	stileid.u32  }
0x297: {  	s1 =	rddreg [dreg:$0x1];
	p0 =	sne.s32 s2, $0x0  }
0x298: {  	s3 =	rddreg [dreg:$0x2];
	[bflag:$0x3] =	sbarrier.arrive $0xFFFF;
	s2 =	simm.s32 @!p0 $0x1C01  }
0x299: {  	[timem:s3], [sflag:s2] =	dma.local @!p0 [hbm:s0], s1  }
0x29a: {  	s0 =	simm.s32 @!p0 $0x1  }
0x29b: {  	_ =	swait.ge @!p0 [sflag:s0], s1  }
0x29c: {  	s1 =	ssub.s32 @!p0 $0x0, s1;
	[sflag:s0] =	ssyncset.done @!p0 $0x0  }
0x29d: {  	[sflag:s0] =	ssyncadd.s32 @!p0 s1  }
0x29e: {  	[bflag:$0x3] =	sbarrier.arrive $0xFFFF  }
0x29f: {  	_ =	shalt  }

</sc_bundles>
